<compile_context>
chip_gen: v7x
topology: tpu7x:2x2x1
jax: 0.10.2.dev20260603
libtpu: 0.0.44.dev20260713+nightly
codegen_flags: <defaults>
</compile_context>

<pallas_src>
import functools

import jax
import jax.numpy as jnp
from jax import lax
from jax.experimental import pallas as pl
from jax.experimental.pallas import tpu as pltpu
from jax.experimental.pallas import tpu_sc as plsc

SIDE = 28
N = SIDE * SIDE
CARD = 50
L = 16
NCHUNK = N // L
RMAIN = 48
RMAX = RMAIN + 8
W = 128

_INF = float("inf")


def _iota():
    return lax.iota(jnp.int32, L)


def _sort16(v):
    return jnp.sort(v)


def _permute(v, idx):
    return lax.gather(
        v, idx[:, None],
        dimension_numbers=lax.GatherDimensionNumbers(
            offset_dims=(), collapsed_slice_dims=(0,), start_index_map=(0,)),
        slice_sizes=(1,),
        mode=lax.GatherScatterMode.PROMISE_IN_BOUNDS)


def _sum_splat(v):
    it = _iota()
    for d in (8, 4, 2, 1):
        v = v + _permute(v, it ^ d)
    return v


def _merge32(s0, s1):
    rb = jnp.flip(s1)
    lo = jnp.minimum(s0, rb)
    hi = jnp.maximum(s0, rb)
    return _sort16(lo), _sort16(hi)


def _bitonic64_clean(l0, l1, l2, l3):
    m0 = jnp.minimum(l0, l2)
    m1 = jnp.minimum(l1, l3)
    M0 = jnp.maximum(l0, l2)
    M1 = jnp.maximum(l1, l3)
    u0 = jnp.minimum(m0, m1)
    u1 = jnp.maximum(m0, m1)
    v0 = jnp.minimum(M0, M1)
    v1 = jnp.maximum(M0, M1)
    return _sort16(u0), _sort16(u1), _sort16(v0), _sort16(v1)


def _merge64_keep_lo(a, b):
    lo0 = jnp.minimum(a[0], jnp.flip(b[3]))
    lo1 = jnp.minimum(a[1], jnp.flip(b[2]))
    lo2 = jnp.minimum(a[2], jnp.flip(b[1]))
    lo3 = jnp.minimum(a[3], jnp.flip(b[0]))
    return _bitonic64_clean(lo0, lo1, lo2, lo3)


def _sorted64_of_slice(x0, x1, x2, x3):
    s0, s1, s2, s3 = _sort16(x0), _sort16(x1), _sort16(x2), _sort16(x3)
    a = _merge32(s0, s1)
    b = _merge32(s2, s3)
    lo0 = jnp.minimum(a[0], jnp.flip(b[1]))
    lo1 = jnp.minimum(a[1], jnp.flip(b[0]))
    hi0 = jnp.maximum(a[0], jnp.flip(b[1]))
    hi1 = jnp.maximum(a[1], jnp.flip(b[0]))
    u0 = jnp.minimum(lo0, lo1)
    u1 = jnp.maximum(lo0, lo1)
    v0 = jnp.minimum(hi0, hi1)
    v1 = jnp.maximum(hi0, hi1)
    return _sort16(u0), _sort16(u1), _sort16(v0), _sort16(v1)


def _interleave_out(fin_v, res_v, out_hbm):
    it = _iota()
    zi = jnp.zeros((L,), jnp.int32)
    for k in range(4):
        rank = k * L + it
        mask = rank < CARD
        av = fin_v[0, pl.ds(k * L, L)]
        dv = fin_v[1, pl.ds(k * L, L)]
        plsc.store_scatter(res_v, [rank, zi], av, mask=mask)
        plsc.store_scatter(res_v, [rank, zi + 1], -dv, mask=mask)
    pltpu.sync_copy(res_v, out_hbm)


def _sc_body(p_hbm, I_hbm, J_hbm, out1_hbm, out2_hbm,
             p_v, mat_v, x64_v, xs_v, asc_v, dsc_v, ml_v,
             fin_v, res1_v, res2_v, xy_sh, sorted_sh, t64_sh):
    c = lax.axis_index("c")
    s = lax.axis_index("s")
    it = _iota()
    lane0 = it == 0

    pltpu.sync_copy(p_hbm, p_v)
    row_base = s * RMAIN
    tail = s >= 14

    pltpu.sync_copy(I_hbm.at[pl.ds(row_base, RMAIN)],
                    mat_v.at[pl.ds(0, RMAIN)])

    @pl.when(c != 0)
    def _():
        pltpu.sync_copy(J_hbm.at[pl.ds(row_base, RMAIN)],
                        mat_v.at[pl.ds(0, RMAIN)])

    tail_base = 8 * s + 656

    @pl.when(tail)
    def _():
        pltpu.sync_copy(I_hbm.at[pl.ds(tail_base, 8)],
                        mat_v.at[pl.ds(RMAIN, 8)])

        @pl.when(c != 0)
        def _():
            pltpu.sync_copy(J_hbm.at[pl.ds(tail_base, 8)],
                            mat_v.at[pl.ds(RMAIN, 8)])

    nrows = jnp.where(tail, RMAX, RMAIN)

    def pair_body(i, tot):
        r0 = 2 * i
        acc0 = jnp.zeros((L,), jnp.float32)
        acc1 = jnp.zeros((L,), jnp.float32)
        for ci in range(NCHUNK):
            pch = p_v[pl.ds(ci * L, L)]
            acc0 = acc0 + mat_v[r0, pl.ds(ci * L, L)] * pch
            acc1 = acc1 + mat_v[r0 + 1, pl.ds(ci * L, L)] * pch
        plsc.store_scatter(x64_v, [jnp.full((L,), r0, jnp.int32)],
                           _sum_splat(acc0), mask=lane0)
        plsc.store_scatter(x64_v, [jnp.full((L,), r0 + 1, jnp.int32)],
                           _sum_splat(acc1), mask=lane0)
        return tot

    lax.fori_loop(0, nrows // 2, pair_body, 0)
    pltpu.sync_copy(x64_v, xy_sh.at[s, pl.ds(0, 64)])

    plsc.subcore_barrier()

    pltpu.sync_copy(xy_sh.at[s, pl.ds(0, 64)], xs_v)
    inf_v = jnp.full((L,), _INF, jnp.float32)
    nreal3 = jnp.where(tail, 8, 0)
    m3 = it < nreal3

    x0 = xs_v[pl.ds(0, L)]
    x1 = xs_v[pl.ds(L, L)]
    x2 = xs_v[pl.ds(2 * L, L)]
    x3 = xs_v[pl.ds(3 * L, L)]

    a_list = _sorted64_of_slice(x0, x1, x2, jnp.where(m3, x3, inf_v))
    for k in range(4):
        asc_v[pl.ds(k * L, L)] = a_list[k]
    pltpu.sync_copy(asc_v, sorted_sh.at[0, s])

    d_list = _sorted64_of_slice(-x0, -x1, -x2, jnp.where(m3, -x3, inf_v))
    for k in range(4):
        dsc_v[pl.ds(k * L, L)] = d_list[k]
    pltpu.sync_copy(dsc_v, sorted_sh.at[1, s])

    plsc.subcore_barrier()

    @pl.when(s < 2)
    def _():
        pltpu.sync_copy(sorted_sh.at[s], ml_v)
        a = tuple(ml_v[0, pl.ds(k * L, L)] for k in range(4))

        def fold(g, a):
            b = tuple(ml_v[g, pl.ds(k * L, L)] for k in range(4))
            return _merge64_keep_lo(a, b)

        a = lax.fori_loop(1, L, fold, a)
        for k in range(4):
            asc_v[pl.ds(k * L, L)] = a[k]
        pltpu.sync_copy(asc_v, t64_sh.at[s])

    plsc.subcore_barrier()

    @pl.when((s == 0) & (c == 0))
    def _():
        pltpu.sync_copy(t64_sh, fin_v)
        _interleave_out(fin_v, res1_v, out1_hbm)

    @pl.when((s == 1) & (c != 0))
    def _():
        pltpu.sync_copy(t64_sh, fin_v)
        _interleave_out(fin_v, res2_v, out2_hbm)


@jax.jit
def _sc_call(p, I, J):
    f32 = jnp.float32
    out_sd = jax.ShapeDtypeStruct((CARD, 2), f32)
    fn = functools.partial(
        pl.kernel,
        out_type=(out_sd, out_sd),
        mesh=plsc.VectorSubcoreMesh(core_axis_name="c", subcore_axis_name="s"),
        compiler_params=pltpu.CompilerParams(needs_layout_passes=False),
        scratch_types=[
            pltpu.VMEM((N,), f32),
            pltpu.VMEM((RMAX, N), f32),
            pltpu.VMEM((64,), f32),
            pltpu.VMEM((64,), f32),
            pltpu.VMEM((W,), f32),
            pltpu.VMEM((W,), f32),
            pltpu.VMEM((L, W), f32),
            pltpu.VMEM((2, W), f32),
            pltpu.VMEM((CARD, 2), f32),
            pltpu.VMEM((CARD, 2), f32),
            pltpu.VMEM_SHARED((L, W), f32),
            pltpu.VMEM_SHARED((2, L, W), f32),
            pltpu.VMEM_SHARED((2, W), f32),
        ],
    )(_sc_body)
    return fn(p, I, J)


def kernel(p, I, J):
    return _sc_call(p, I, J)

# --- scband reference (transcript-rebuilt; emitter-appended) ---
"""Pipeline reference for scband-cubical-model-ism-56770877718629 (READ-ONLY COPY).

The authoritative reference and input builder live on the scoring server;
editing this copy changes nothing except your own understanding.
"""

import jax, jax.numpy as jnp
import numpy as np

SIDE = 28
CARD = 50


def cubical_inds(X, card):
    # Surrogate for the gudhi-based Cubical numpy_function: it returns 2*D*card
    # integer indices of critical cells (birth/death pixel coordinates) of the
    # cubical filtration, wrapped in stop_gradient in the original model.
    # We emulate the index-selection with an argsort-based pairing (lowest
    # values as births, highest as deaths), which reproduces the same
    # compute pattern: sort -> integer index pairs [card*2, D] -> gather_nd
    # -> reshape [-1, 2].
    flat = jnp.reshape(X, (-1,))
    order = jnp.argsort(flat)
    births = order[:card]
    deaths = order[::-1][:card]
    inds = jnp.reshape(jnp.stack([births, deaths], axis=1), (-1,))  # [2*card]
    rows = inds // SIDE
    cols = inds % SIDE
    return jax.lax.stop_gradient(rows), jax.lax.stop_gradient(cols)


def setup_inputs(seed: int = 0) -> dict:
    key = jax.random.key(seed)
    k1, k2, k3 = jax.random.split(key, 3)
    p = jax.random.normal(k1, (784,), dtype=jnp.float32)
    I = jax.random.normal(k2, (784, 784), dtype=jnp.float32) / 28.0
    J = jax.random.normal(k3, (784, 784), dtype=jnp.float32) / 28.0
    return {"p": p, "I": I, "J": J}


def reference(p, I, J):
    Xp = jnp.reshape(jnp.tensordot(I, p, 1), (SIDE, SIDE))
    Yp = jnp.reshape(jnp.tensordot(J, p, 1), (SIDE, SIDE))
    r1, c1 = cubical_inds(Xp, CARD)
    r2, c2 = cubical_inds(Yp, CARD)
    dgm1 = jnp.reshape(Xp[r1, c1], (-1, 2))  # [card, 2]
    dgm2 = jnp.reshape(Yp[r2, c2], (-1, 2))  # [card, 2]
    return (dgm1, dgm2)

if __name__ == "__main__":
    import jax
    _d = setup_inputs()
    print(jax.jit(kernel)(*tuple(_d.values())))

</pallas_src>

<mosaic_0001>
#map = affine_map<(d0, d1) -> (0)>
#map1 = affine_map<(d0, d1) -> (0, 0)>
module attributes {stable_mosaic.version = 14 : i64} {
  func.func @_sc_body(%arg0: i32, %arg1: i32, %arg2: memref<784xf32, #tpu.memory_space<hbm>>, %arg3: memref<784x784xf32, #tpu.memory_space<hbm>>, %arg4: memref<784x784xf32, #tpu.memory_space<hbm>>, %arg5: memref<50x2xf32, #tpu.memory_space<hbm>>, %arg6: memref<50x2xf32, #tpu.memory_space<hbm>>, %arg7: memref<784xf32, #tpu.memory_space<vmem>>, %arg8: memref<56x784xf32, #tpu.memory_space<vmem>>, %arg9: memref<64xf32, #tpu.memory_space<vmem>>, %arg10: memref<64xf32, #tpu.memory_space<vmem>>, %arg11: memref<128xf32, #tpu.memory_space<vmem>>, %arg12: memref<128xf32, #tpu.memory_space<vmem>>, %arg13: memref<16x128xf32, #tpu.memory_space<vmem>>, %arg14: memref<2x128xf32, #tpu.memory_space<vmem>>, %arg15: memref<50x2xf32, #tpu.memory_space<vmem>>, %arg16: memref<50x2xf32, #tpu.memory_space<vmem>>, %arg17: memref<16x128xf32, #tpu.memory_space<vmem_shared>>, %arg18: memref<2x16x128xf32, #tpu.memory_space<vmem_shared>>, %arg19: memref<2x128xf32, #tpu.memory_space<vmem_shared>>) attributes {dimension_semantics = [#tpu.dimension_semantics<core_parallel>, #tpu.dimension_semantics<subcore_parallel>], iteration_bounds = array<i64: 2, 16>, scalar_prefetch = 0 : i64, scratch_operands = 13 : i64, tpu.core_type = #tpu.core_type<sc_vector_subcore>, window_params = [{transform_indices = #map}, {transform_indices = #map1}, {transform_indices = #map1}, {transform_indices = #map1}, {transform_indices = #map1}]} {
    %iota3A = tpu.iota {dimensions = array<i32: 0>} : vector<16xi32>
    %eq3A = arith.constant 0 : i32
    %eq3A_0 = vector.broadcast %eq3A : i32 to vector<16xi32>
    %eq3A_1 = arith.cmpi eq, %iota3A, %eq3A_0 : vector<16xi32>
    "tpu.region"() ({
      %run_scoped3A_281 = tpu.sem_alloc : memref<!tpu.dma_semaphore, #tpu.memory_space<semaphore_mem>>
      tpu.enqueue_dma source(%arg2 : memref<784xf32, #tpu.memory_space<hbm>>) target(%arg7 : memref<784xf32, #tpu.memory_space<vmem>>) target_semaphore(%run_scoped3A_281 : memref<!tpu.dma_semaphore, #tpu.memory_space<semaphore_mem>>)
      tpu.wait_dma2 semaphore(%run_scoped3A_281 : memref<!tpu.dma_semaphore, #tpu.memory_space<semaphore_mem>>) src(%arg2 : memref<784xf32, #tpu.memory_space<hbm>>) dst(%arg7 : memref<784xf32, #tpu.memory_space<vmem>>)
      tpu.yield
    }) : () -> ()
    %mul3A = arith.constant 48 : i32
    %mul3A_2 = arith.muli %arg1, %mul3A : i32
    %ge3A = arith.constant 14 : i32
    %ge3A_3 = arith.cmpi sge, %arg1, %ge3A : i32
    "tpu.region"() ({
      %run_scoped3A_281 = tpu.sem_alloc : memref<!tpu.dma_semaphore, #tpu.memory_space<semaphore_mem>>
      %dma_start3A = arith.constant 0 : i32
      %dma_start3A_282 = arith.constant 0 : i32
      %dma_start3A_283 = tpu.memref_slice %arg8[%dma_start3A, %dma_start3A_282] : memref<56x784xf32, #tpu.memory_space<vmem>> -> memref<48x784xf32, #tpu.memory_space<vmem>>
      %dma_start3A_284 = arith.constant 0 : i32
      %dma_start3A_285 = tpu.memref_slice %arg3[%mul3A_2, %dma_start3A_284] : memref<784x784xf32, #tpu.memory_space<hbm>> -> memref<48x784xf32, #tpu.memory_space<hbm>>
      %dma_start3A_286 = arith.constant 0 : i32
      %dma_start3A_287 = arith.constant 0 : i32
      %dma_start3A_288 = tpu.memref_slice %arg8[%dma_start3A_286, %dma_start3A_287] : memref<56x784xf32, #tpu.memory_space<vmem>> -> memref<48x784xf32, #tpu.memory_space<vmem>>
      %dma_start3A_289 = arith.constant 0 : i32
      %dma_start3A_290 = tpu.memref_slice %arg3[%mul3A_2, %dma_start3A_289] : memref<784x784xf32, #tpu.memory_space<hbm>> -> memref<48x784xf32, #tpu.memory_space<hbm>>
      tpu.enqueue_dma source(%dma_start3A_290 : memref<48x784xf32, #tpu.memory_space<hbm>>) target(%dma_start3A_288 : memref<48x784xf32, #tpu.memory_space<vmem>>) target_semaphore(%run_scoped3A_281 : memref<!tpu.dma_semaphore, #tpu.memory_space<semaphore_mem>>)
      %dma_wait3A = arith.constant 0 : i32
      %dma_wait3A_291 = arith.constant 0 : i32
      %dma_wait3A_292 = tpu.memref_slice %arg8[%dma_wait3A, %dma_wait3A_291] : memref<56x784xf32, #tpu.memory_space<vmem>> -> memref<48x784xf32, #tpu.memory_space<vmem>>
      %dma_wait3A_293 = arith.constant 0 : i32
      %dma_wait3A_294 = tpu.memref_slice %arg3[%mul3A_2, %dma_wait3A_293] : memref<784x784xf32, #tpu.memory_space<hbm>> -> memref<48x784xf32, #tpu.memory_space<hbm>>
      %dma_wait3A_295 = arith.constant 0 : i32
      %dma_wait3A_296 = arith.constant 0 : i32
      %dma_wait3A_297 = tpu.memref_slice %arg8[%dma_wait3A_295, %dma_wait3A_296] : memref<56x784xf32, #tpu.memory_space<vmem>> -> memref<48x784xf32, #tpu.memory_space<vmem>>
      %dma_wait3A_298 = arith.constant 0 : i32
      %dma_wait3A_299 = tpu.memref_slice %arg3[%mul3A_2, %dma_wait3A_298] : memref<784x784xf32, #tpu.memory_space<hbm>> -> memref<48x784xf32, #tpu.memory_space<hbm>>
      tpu.wait_dma2 semaphore(%run_scoped3A_281 : memref<!tpu.dma_semaphore, #tpu.memory_space<semaphore_mem>>) src(%dma_wait3A_299 : memref<48x784xf32, #tpu.memory_space<hbm>>) dst(%dma_wait3A_297 : memref<48x784xf32, #tpu.memory_space<vmem>>)
      tpu.yield
    }) : () -> ()
    %ne3A = arith.constant 0 : i32
    %ne3A_4 = arith.cmpi ne, %arg0, %ne3A : i32
    %convert_element_type3A = arith.extui %ne3A_4 : i1 to i32
    %cond3A = arith.constant 0 : i32
    %cond3A_5 = arith.cmpi ne, %convert_element_type3A, %cond3A : i32
    scf.if %cond3A_5 {
      "tpu.region"() ({
        %run_scoped3A_281 = tpu.sem_alloc : memref<!tpu.dma_semaphore, #tpu.memory_space<semaphore_mem>>
        %dma_start3A = arith.constant 0 : i32
        %dma_start3A_282 = arith.constant 0 : i32
        %dma_start3A_283 = tpu.memref_slice %arg8[%dma_start3A, %dma_start3A_282] : memref<56x784xf32, #tpu.memory_space<vmem>> -> memref<48x784xf32, #tpu.memory_space<vmem>>
        %dma_start3A_284 = arith.constant 0 : i32
        %dma_start3A_285 = tpu.memref_slice %arg4[%mul3A_2, %dma_start3A_284] : memref<784x784xf32, #tpu.memory_space<hbm>> -> memref<48x784xf32, #tpu.memory_space<hbm>>
        %dma_start3A_286 = arith.constant 0 : i32
        %dma_start3A_287 = arith.constant 0 : i32
        %dma_start3A_288 = tpu.memref_slice %arg8[%dma_start3A_286, %dma_start3A_287] : memref<56x784xf32, #tpu.memory_space<vmem>> -> memref<48x784xf32, #tpu.memory_space<vmem>>
        %dma_start3A_289 = arith.constant 0 : i32
        %dma_start3A_290 = tpu.memref_slice %arg4[%mul3A_2, %dma_start3A_289] : memref<784x784xf32, #tpu.memory_space<hbm>> -> memref<48x784xf32, #tpu.memory_space<hbm>>
        tpu.enqueue_dma source(%dma_start3A_290 : memref<48x784xf32, #tpu.memory_space<hbm>>) target(%dma_start3A_288 : memref<48x784xf32, #tpu.memory_space<vmem>>) target_semaphore(%run_scoped3A_281 : memref<!tpu.dma_semaphore, #tpu.memory_space<semaphore_mem>>)
        %dma_wait3A = arith.constant 0 : i32
        %dma_wait3A_291 = arith.constant 0 : i32
        %dma_wait3A_292 = tpu.memref_slice %arg8[%dma_wait3A, %dma_wait3A_291] : memref<56x784xf32, #tpu.memory_space<vmem>> -> memref<48x784xf32, #tpu.memory_space<vmem>>
        %dma_wait3A_293 = arith.constant 0 : i32
        %dma_wait3A_294 = tpu.memref_slice %arg4[%mul3A_2, %dma_wait3A_293] : memref<784x784xf32, #tpu.memory_space<hbm>> -> memref<48x784xf32, #tpu.memory_space<hbm>>
        %dma_wait3A_295 = arith.constant 0 : i32
        %dma_wait3A_296 = arith.constant 0 : i32
        %dma_wait3A_297 = tpu.memref_slice %arg8[%dma_wait3A_295, %dma_wait3A_296] : memref<56x784xf32, #tpu.memory_space<vmem>> -> memref<48x784xf32, #tpu.memory_space<vmem>>
        %dma_wait3A_298 = arith.constant 0 : i32
        %dma_wait3A_299 = tpu.memref_slice %arg4[%mul3A_2, %dma_wait3A_298] : memref<784x784xf32, #tpu.memory_space<hbm>> -> memref<48x784xf32, #tpu.memory_space<hbm>>
        tpu.wait_dma2 semaphore(%run_scoped3A_281 : memref<!tpu.dma_semaphore, #tpu.memory_space<semaphore_mem>>) src(%dma_wait3A_299 : memref<48x784xf32, #tpu.memory_space<hbm>>) dst(%dma_wait3A_297 : memref<48x784xf32, #tpu.memory_space<vmem>>)
        tpu.yield
      }) : () -> ()
    } else {
    }
    %mul3A_6 = arith.constant 8 : i32
    %mul3A_7 = arith.muli %mul3A_6, %arg1 : i32
    %add3A = arith.constant 656 : i32
    %add3A_8 = arith.addi %mul3A_7, %add3A : i32
    %convert_element_type3A_9 = arith.extui %ge3A_3 : i1 to i32
    %cond3A_10 = arith.constant 0 : i32
    %cond3A_11 = arith.cmpi ne, %convert_element_type3A_9, %cond3A_10 : i32
    scf.if %cond3A_11 {
      "tpu.region"() ({
        %run_scoped3A_286 = tpu.sem_alloc : memref<!tpu.dma_semaphore, #tpu.memory_space<semaphore_mem>>
        %dma_start3A = arith.constant 48 : i32
        %dma_start3A_287 = arith.constant 0 : i32
        %dma_start3A_288 = tpu.memref_slice %arg8[%dma_start3A, %dma_start3A_287] : memref<56x784xf32, #tpu.memory_space<vmem>> -> memref<8x784xf32, #tpu.memory_space<vmem>>
        %dma_start3A_289 = arith.constant 0 : i32
        %dma_start3A_290 = tpu.memref_slice %arg3[%add3A_8, %dma_start3A_289] : memref<784x784xf32, #tpu.memory_space<hbm>> -> memref<8x784xf32, #tpu.memory_space<hbm>>
        %dma_start3A_291 = arith.constant 48 : i32
        %dma_start3A_292 = arith.constant 0 : i32
        %dma_start3A_293 = tpu.memref_slice %arg8[%dma_start3A_291, %dma_start3A_292] : memref<56x784xf32, #tpu.memory_space<vmem>> -> memref<8x784xf32, #tpu.memory_space<vmem>>
        %dma_start3A_294 = arith.constant 0 : i32
        %dma_start3A_295 = tpu.memref_slice %arg3[%add3A_8, %dma_start3A_294] : memref<784x784xf32, #tpu.memory_space<hbm>> -> memref<8x784xf32, #tpu.memory_space<hbm>>
        tpu.enqueue_dma source(%dma_start3A_295 : memref<8x784xf32, #tpu.memory_space<hbm>>) target(%dma_start3A_293 : memref<8x784xf32, #tpu.memory_space<vmem>>) target_semaphore(%run_scoped3A_286 : memref<!tpu.dma_semaphore, #tpu.memory_space<semaphore_mem>>)
        %dma_wait3A = arith.constant 48 : i32
        %dma_wait3A_296 = arith.constant 0 : i32
        %dma_wait3A_297 = tpu.memref_slice %arg8[%dma_wait3A, %dma_wait3A_296] : memref<56x784xf32, #tpu.memory_space<vmem>> -> memref<8x784xf32, #tpu.memory_space<vmem>>
        %dma_wait3A_298 = arith.constant 0 : i32
        %dma_wait3A_299 = tpu.memref_slice %arg3[%add3A_8, %dma_wait3A_298] : memref<784x784xf32, #tpu.memory_space<hbm>> -> memref<8x784xf32, #tpu.memory_space<hbm>>
        %dma_wait3A_300 = arith.constant 48 : i32
        %dma_wait3A_301 = arith.constant 0 : i32
        %dma_wait3A_302 = tpu.memref_slice %arg8[%dma_wait3A_300, %dma_wait3A_301] : memref<56x784xf32, #tpu.memory_space<vmem>> -> memref<8x784xf32, #tpu.memory_space<vmem>>
        %dma_wait3A_303 = arith.constant 0 : i32
        %dma_wait3A_304 = tpu.memref_slice %arg3[%add3A_8, %dma_wait3A_303] : memref<784x784xf32, #tpu.memory_space<hbm>> -> memref<8x784xf32, #tpu.memory_space<hbm>>
        tpu.wait_dma2 semaphore(%run_scoped3A_286 : memref<!tpu.dma_semaphore, #tpu.memory_space<semaphore_mem>>) src(%dma_wait3A_304 : memref<8x784xf32, #tpu.memory_space<hbm>>) dst(%dma_wait3A_302 : memref<8x784xf32, #tpu.memory_space<vmem>>)
        tpu.yield
      }) : () -> ()
      %ne3A_281 = arith.constant 0 : i32
      %ne3A_282 = arith.cmpi ne, %arg0, %ne3A_281 : i32
      %convert_element_type3A_283 = arith.extui %ne3A_282 : i1 to i32
      %cond3A_284 = arith.constant 0 : i32
      %cond3A_285 = arith.cmpi ne, %convert_element_type3A_283, %cond3A_284 : i32
      scf.if %cond3A_285 {
        "tpu.region"() ({
          %run_scoped3A_286 = tpu.sem_alloc : memref<!tpu.dma_semaphore, #tpu.memory_space<semaphore_mem>>
          %dma_start3A = arith.constant 48 : i32
          %dma_start3A_287 = arith.constant 0 : i32
          %dma_start3A_288 = tpu.memref_slice %arg8[%dma_start3A, %dma_start3A_287] : memref<56x784xf32, #tpu.memory_space<vmem>> -> memref<8x784xf32, #tpu.memory_space<vmem>>
          %dma_start3A_289 = arith.constant 0 : i32
          %dma_start3A_290 = tpu.memref_slice %arg4[%add3A_8, %dma_start3A_289] : memref<784x784xf32, #tpu.memory_space<hbm>> -> memref<8x784xf32, #tpu.memory_space<hbm>>
          %dma_start3A_291 = arith.constant 48 : i32
          %dma_start3A_292 = arith.constant 0 : i32
          %dma_start3A_293 = tpu.memref_slice %arg8[%dma_start3A_291, %dma_start3A_292] : memref<56x784xf32, #tpu.memory_space<vmem>> -> memref<8x784xf32, #tpu.memory_space<vmem>>
          %dma_start3A_294 = arith.constant 0 : i32
          %dma_start3A_295 = tpu.memref_slice %arg4[%add3A_8, %dma_start3A_294] : memref<784x784xf32, #tpu.memory_space<hbm>> -> memref<8x784xf32, #tpu.memory_space<hbm>>
          tpu.enqueue_dma source(%dma_start3A_295 : memref<8x784xf32, #tpu.memory_space<hbm>>) target(%dma_start3A_293 : memref<8x784xf32, #tpu.memory_space<vmem>>) target_semaphore(%run_scoped3A_286 : memref<!tpu.dma_semaphore, #tpu.memory_space<semaphore_mem>>)
          %dma_wait3A = arith.constant 48 : i32
          %dma_wait3A_296 = arith.constant 0 : i32
          %dma_wait3A_297 = tpu.memref_slice %arg8[%dma_wait3A, %dma_wait3A_296] : memref<56x784xf32, #tpu.memory_space<vmem>> -> memref<8x784xf32, #tpu.memory_space<vmem>>
          %dma_wait3A_298 = arith.constant 0 : i32
          %dma_wait3A_299 = tpu.memref_slice %arg4[%add3A_8, %dma_wait3A_298] : memref<784x784xf32, #tpu.memory_space<hbm>> -> memref<8x784xf32, #tpu.memory_space<hbm>>
          %dma_wait3A_300 = arith.constant 48 : i32
          %dma_wait3A_301 = arith.constant 0 : i32
          %dma_wait3A_302 = tpu.memref_slice %arg8[%dma_wait3A_300, %dma_wait3A_301] : memref<56x784xf32, #tpu.memory_space<vmem>> -> memref<8x784xf32, #tpu.memory_space<vmem>>
          %dma_wait3A_303 = arith.constant 0 : i32
          %dma_wait3A_304 = tpu.memref_slice %arg4[%add3A_8, %dma_wait3A_303] : memref<784x784xf32, #tpu.memory_space<hbm>> -> memref<8x784xf32, #tpu.memory_space<hbm>>
          tpu.wait_dma2 semaphore(%run_scoped3A_286 : memref<!tpu.dma_semaphore, #tpu.memory_space<semaphore_mem>>) src(%dma_wait3A_304 : memref<8x784xf32, #tpu.memory_space<hbm>>) dst(%dma_wait3A_302 : memref<8x784xf32, #tpu.memory_space<vmem>>)
          tpu.yield
        }) : () -> ()
      } else {
      }
    } else {
    }
    %jit3A = arith.constant 56 : i32
    %jit3A_12 = arith.constant 48 : i32
    %select_n3A = arith.select %ge3A_3, %jit3A, %jit3A_12 : i32
    %jit3A_13 = arith.constant 2 : i32
    %div3A = arith.divsi %select_n3A, %jit3A_13 : i32
    %sign3A = arith.constant 0 : i32
    %sign3A_14 = arith.cmpi sgt, %select_n3A, %sign3A : i32
    %sign3A_15 = arith.extui %sign3A_14 : i1 to i32
    %sign3A_16 = arith.constant 0 : i32
    %sign3A_17 = arith.cmpi slt, %select_n3A, %sign3A_16 : i32
    %sign3A_18 = arith.extui %sign3A_17 : i1 to i32
    %sign3A_19 = arith.subi %sign3A_15, %sign3A_18 : i32
    %sign3A_20 = arith.constant 0 : i32
    %sign3A_21 = arith.cmpi sgt, %jit3A_13, %sign3A_20 : i32
    %sign3A_22 = arith.extui %sign3A_21 : i1 to i32
    %sign3A_23 = arith.constant 0 : i32
    %sign3A_24 = arith.cmpi slt, %jit3A_13, %sign3A_23 : i32
    %sign3A_25 = arith.extui %sign3A_24 : i1 to i32
    %sign3A_26 = arith.subi %sign3A_22, %sign3A_25 : i32
    %ne3A_27 = arith.cmpi ne, %sign3A_19, %sign3A_26 : i32
    %rem3A = arith.remsi %select_n3A, %jit3A_13 : i32
    %ne3A_28 = arith.constant 0 : i32
    %ne3A_29 = arith.cmpi ne, %rem3A, %ne3A_28 : i32
    %and3A = arith.andi %ne3A_27, %ne3A_29 : i1
    %sub3A = arith.constant 1 : i32
    %sub3A_30 = arith.subi %div3A, %sub3A : i32
    %select_n3A_31 = arith.select %and3A, %sub3A_30, %div3A : i32
    %while3A = arith.constant 0 : i32
    %while3A_32 = arith.constant 0 : i32
    %while3A_33 = arith.subi %select_n3A_31, %while3A_32 : i32
    %while3A_34 = arith.addi %while3A_32, %while3A_33 : i32
    %while3A_35 = arith.constant 1 : i32
    %while3A_36 = arith.divsi %while3A_33, %while3A_35 : i32
    %while3A_37 = arith.muli %while3A_36, %while3A_35 : i32
    %while3A_38 = arith.addi %while3A_32, %while3A_37 : i32
    %while3A_39 = arith.constant 1 : i32
    scf.for %while3A_281 = %while3A_32 to %while3A_38 step %while3A_39  : i32 {
      %mul3A_282 = arith.constant 2 : i32
      %mul3A_283 = arith.muli %mul3A_282, %while3A_281 : i32
      %broadcast_in_dim3A_284 = arith.constant 0.000000e+00 : f32
      %broadcast_in_dim3A_285 = vector.broadcast %broadcast_in_dim3A_284 : f32 to vector<16xf32>
      %broadcast_in_dim3A_286 = arith.constant 0.000000e+00 : f32
      %broadcast_in_dim3A_287 = vector.broadcast %broadcast_in_dim3A_286 : f32 to vector<16xf32>
      %get3A_288 = arith.constant 0 : index
      %get3A_289 = tpu.vector_load %arg7[%get3A_288] {strides = array<i32>} : memref<784xf32, #tpu.memory_space<vmem>>, vector<16xf32>,
      %get3A_290 = arith.index_cast %mul3A_283 : i32 to index
      %get3A_291 = arith.constant 0 : index
      %get3A_292 = tpu.vector_load %arg8[%get3A_290, %get3A_291] {strides = array<i32>} : memref<56x784xf32, #tpu.memory_space<vmem>>, vector<16xf32>,
      %mul3A_293 = arith.mulf %get3A_292, %get3A_289 : vector<16xf32>
      %add3A_294 = arith.addf %broadcast_in_dim3A_285, %mul3A_293 : vector<16xf32>
      %add3A_295 = arith.constant 1 : i32
      %add3A_296 = arith.addi %mul3A_283, %add3A_295 : i32
      %get3A_297 = arith.index_cast %add3A_296 : i32 to index
      %get3A_298 = arith.constant 0 : index
      %get3A_299 = tpu.vector_load %arg8[%get3A_297, %get3A_298] {strides = array<i32>} : memref<56x784xf32, #tpu.memory_space<vmem>>, vector<16xf32>,
      %mul3A_300 = arith.mulf %get3A_299, %get3A_289 : vector<16xf32>
      %add3A_301 = arith.addf %broadcast_in_dim3A_287, %mul3A_300 : vector<16xf32>
      %get3A_302 = arith.constant 16 : index
      %get3A_303 = tpu.vector_load %arg7[%get3A_302] {strides = array<i32>} : memref<784xf32, #tpu.memory_space<vmem>>, vector<16xf32>,
      %get3A_304 = arith.index_cast %mul3A_283 : i32 to index
      %get3A_305 = arith.constant 16 : index
      %get3A_306 = tpu.vector_load %arg8[%get3A_304, %get3A_305] {strides = array<i32>} : memref<56x784xf32, #tpu.memory_space<vmem>>, vector<16xf32>,
      %mul3A_307 = arith.mulf %get3A_306, %get3A_303 : vector<16xf32>
      %add3A_308 = arith.addf %add3A_294, %mul3A_307 : vector<16xf32>
      %add3A_309 = arith.constant 1 : i32
      %add3A_310 = arith.addi %mul3A_283, %add3A_309 : i32
      %get3A_311 = arith.index_cast %add3A_310 : i32 to index
      %get3A_312 = arith.constant 16 : index
      %get3A_313 = tpu.vector_load %arg8[%get3A_311, %get3A_312] {strides = array<i32>} : memref<56x784xf32, #tpu.memory_space<vmem>>, vector<16xf32>,
      %mul3A_314 = arith.mulf %get3A_313, %get3A_303 : vector<16xf32>
      %add3A_315 = arith.addf %add3A_301, %mul3A_314 : vector<16xf32>
      %get3A_316 = arith.constant 32 : index
      %get3A_317 = tpu.vector_load %arg7[%get3A_316] {strides = array<i32>} : memref<784xf32, #tpu.memory_space<vmem>>, vector<16xf32>,
      %get3A_318 = arith.index_cast %mul3A_283 : i32 to index
      %get3A_319 = arith.constant 32 : index
      %get3A_320 = tpu.vector_load %arg8[%get3A_318, %get3A_319] {strides = array<i32>} : memref<56x784xf32, #tpu.memory_space<vmem>>, vector<16xf32>,
      %mul3A_321 = arith.mulf %get3A_320, %get3A_317 : vector<16xf32>
      %add3A_322 = arith.addf %add3A_308, %mul3A_321 : vector<16xf32>
      %add3A_323 = arith.constant 1 : i32
      %add3A_324 = arith.addi %mul3A_283, %add3A_323 : i32
      %get3A_325 = arith.index_cast %add3A_324 : i32 to index
      %get3A_326 = arith.constant 32 : index
      %get3A_327 = tpu.vector_load %arg8[%get3A_325, %get3A_326] {strides = array<i32>} : memref<56x784xf32, #tpu.memory_space<vmem>>, vector<16xf32>,
      %mul3A_328 = arith.mulf %get3A_327, %get3A_317 : vector<16xf32>
      %add3A_329 = arith.addf %add3A_315, %mul3A_328 : vector<16xf32>
      %get3A_330 = arith.constant 48 : index
      %get3A_331 = tpu.vector_load %arg7[%get3A_330] {strides = array<i32>} : memref<784xf32, #tpu.memory_space<vmem>>, vector<16xf32>,
      %get3A_332 = arith.index_cast %mul3A_283 : i32 to index
      %get3A_333 = arith.constant 48 : index
      %get3A_334 = tpu.vector_load %arg8[%get3A_332, %get3A_333] {strides = array<i32>} : memref<56x784xf32, #tpu.memory_space<vmem>>, vector<16xf32>,
      %mul3A_335 = arith.mulf %get3A_334, %get3A_331 : vector<16xf32>
      %add3A_336 = arith.addf %add3A_322, %mul3A_335 : vector<16xf32>
      %add3A_337 = arith.constant 1 : i32
      %add3A_338 = arith.addi %mul3A_283, %add3A_337 : i32
      %get3A_339 = arith.index_cast %add3A_338 : i32 to index
      %get3A_340 = arith.constant 48 : index
      %get3A_341 = tpu.vector_load %arg8[%get3A_339, %get3A_340] {strides = array<i32>} : memref<56x784xf32, #tpu.memory_space<vmem>>, vector<16xf32>,
      %mul3A_342 = arith.mulf %get3A_341, %get3A_331 : vector<16xf32>
      %add3A_343 = arith.addf %add3A_329, %mul3A_342 : vector<16xf32>
      %get3A_344 = arith.constant 64 : index
      %get3A_345 = tpu.vector_load %arg7[%get3A_344] {strides = array<i32>} : memref<784xf32, #tpu.memory_space<vmem>>, vector<16xf32>,
      %get3A_346 = arith.index_cast %mul3A_283 : i32 to index
      %get3A_347 = arith.constant 64 : index
      %get3A_348 = tpu.vector_load %arg8[%get3A_346, %get3A_347] {strides = array<i32>} : memref<56x784xf32, #tpu.memory_space<vmem>>, vector<16xf32>,
      %mul3A_349 = arith.mulf %get3A_348, %get3A_345 : vector<16xf32>
      %add3A_350 = arith.addf %add3A_336, %mul3A_349 : vector<16xf32>
      %add3A_351 = arith.constant 1 : i32
      %add3A_352 = arith.addi %mul3A_283, %add3A_351 : i32
      %get3A_353 = arith.index_cast %add3A_352 : i32 to index
      %get3A_354 = arith.constant 64 : index
      %get3A_355 = tpu.vector_load %arg8[%get3A_353, %get3A_354] {strides = array<i32>} : memref<56x784xf32, #tpu.memory_space<vmem>>, vector<16xf32>,
      %mul3A_356 = arith.mulf %get3A_355, %get3A_345 : vector<16xf32>
      %add3A_357 = arith.addf %add3A_343, %mul3A_356 : vector<16xf32>
      %get3A_358 = arith.constant 80 : index
      %get3A_359 = tpu.vector_load %arg7[%get3A_358] {strides = array<i32>} : memref<784xf32, #tpu.memory_space<vmem>>, vector<16xf32>,
      %get3A_360 = arith.index_cast %mul3A_283 : i32 to index
      %get3A_361 = arith.constant 80 : index
      %get3A_362 = tpu.vector_load %arg8[%get3A_360, %get3A_361] {strides = array<i32>} : memref<56x784xf32, #tpu.memory_space<vmem>>, vector<16xf32>,
      %mul3A_363 = arith.mulf %get3A_362, %get3A_359 : vector<16xf32>
      %add3A_364 = arith.addf %add3A_350, %mul3A_363 : vector<16xf32>
      %add3A_365 = arith.constant 1 : i32
      %add3A_366 = arith.addi %mul3A_283, %add3A_365 : i32
      %get3A_367 = arith.index_cast %add3A_366 : i32 to index
      %get3A_368 = arith.constant 80 : index
      %get3A_369 = tpu.vector_load %arg8[%get3A_367, %get3A_368] {strides = array<i32>} : memref<56x784xf32, #tpu.memory_space<vmem>>, vector<16xf32>,
      %mul3A_370 = arith.mulf %get3A_369, %get3A_359 : vector<16xf32>
      %add3A_371 = arith.addf %add3A_357, %mul3A_370 : vector<16xf32>
      %get3A_372 = arith.constant 96 : index
      %get3A_373 = tpu.vector_load %arg7[%get3A_372] {strides = array<i32>} : memref<784xf32, #tpu.memory_space<vmem>>, vector<16xf32>,
      %get3A_374 = arith.index_cast %mul3A_283 : i32 to index
      %get3A_375 = arith.constant 96 : index
      %get3A_376 = tpu.vector_load %arg8[%get3A_374, %get3A_375] {strides = array<i32>} : memref<56x784xf32, #tpu.memory_space<vmem>>, vector<16xf32>,
      %mul3A_377 = arith.mulf %get3A_376, %get3A_373 : vector<16xf32>
      %add3A_378 = arith.addf %add3A_364, %mul3A_377 : vector<16xf32>
      %add3A_379 = arith.constant 1 : i32
      %add3A_380 = arith.addi %mul3A_283, %add3A_379 : i32
      %get3A_381 = arith.index_cast %add3A_380 : i32 to index
      %get3A_382 = arith.constant 96 : index
      %get3A_383 = tpu.vector_load %arg8[%get3A_381, %get3A_382] {strides = array<i32>} : memref<56x784xf32, #tpu.memory_space<vmem>>, vector<16xf32>,
      %mul3A_384 = arith.mulf %get3A_383, %get3A_373 : vector<16xf32>
      %add3A_385 = arith.addf %add3A_371, %mul3A_384 : vector<16xf32>
      %get3A_386 = arith.constant 112 : index
      %get3A_387 = tpu.vector_load %arg7[%get3A_386] {strides = array<i32>} : memref<784xf32, #tpu.memory_space<vmem>>, vector<16xf32>,
      %get3A_388 = arith.index_cast %mul3A_283 : i32 to index
      %get3A_389 = arith.constant 112 : index
      %get3A_390 = tpu.vector_load %arg8[%get3A_388, %get3A_389] {strides = array<i32>} : memref<56x784xf32, #tpu.memory_space<vmem>>, vector<16xf32>,
      %mul3A_391 = arith.mulf %get3A_390, %get3A_387 : vector<16xf32>
      %add3A_392 = arith.addf %add3A_378, %mul3A_391 : vector<16xf32>
      %add3A_393 = arith.constant 1 : i32
      %add3A_394 = arith.addi %mul3A_283, %add3A_393 : i32
      %get3A_395 = arith.index_cast %add3A_394 : i32 to index
      %get3A_396 = arith.constant 112 : index
      %get3A_397 = tpu.vector_load %arg8[%get3A_395, %get3A_396] {strides = array<i32>} : memref<56x784xf32, #tpu.memory_space<vmem>>, vector<16xf32>,
      %mul3A_398 = arith.mulf %get3A_397, %get3A_387 : vector<16xf32>
      %add3A_399 = arith.addf %add3A_385, %mul3A_398 : vector<16xf32>
      %get3A_400 = arith.constant 128 : index
      %get3A_401 = tpu.vector_load %arg7[%get3A_400] {strides = array<i32>} : memref<784xf32, #tpu.memory_space<vmem>>, vector<16xf32>,
      %get3A_402 = arith.index_cast %mul3A_283 : i32 to index
      %get3A_403 = arith.constant 128 : index
      %get3A_404 = tpu.vector_load %arg8[%get3A_402, %get3A_403] {strides = array<i32>} : memref<56x784xf32, #tpu.memory_space<vmem>>, vector<16xf32>,
      %mul3A_405 = arith.mulf %get3A_404, %get3A_401 : vector<16xf32>
      %add3A_406 = arith.addf %add3A_392, %mul3A_405 : vector<16xf32>
      %add3A_407 = arith.constant 1 : i32
      %add3A_408 = arith.addi %mul3A_283, %add3A_407 : i32
      %get3A_409 = arith.index_cast %add3A_408 : i32 to index
      %get3A_410 = arith.constant 128 : index
      %get3A_411 = tpu.vector_load %arg8[%get3A_409, %get3A_410] {strides = array<i32>} : memref<56x784xf32, #tpu.memory_space<vmem>>, vector<16xf32>,
      %mul3A_412 = arith.mulf %get3A_411, %get3A_401 : vector<16xf32>
      %add3A_413 = arith.addf %add3A_399, %mul3A_412 : vector<16xf32>
      %get3A_414 = arith.constant 144 : index
      %get3A_415 = tpu.vector_load %arg7[%get3A_414] {strides = array<i32>} : memref<784xf32, #tpu.memory_space<vmem>>, vector<16xf32>,
      %get3A_416 = arith.index_cast %mul3A_283 : i32 to index
      %get3A_417 = arith.constant 144 : index
      %get3A_418 = tpu.vector_load %arg8[%get3A_416, %get3A_417] {strides = array<i32>} : memref<56x784xf32, #tpu.memory_space<vmem>>, vector<16xf32>,
      %mul3A_419 = arith.mulf %get3A_418, %get3A_415 : vector<16xf32>
      %add3A_420 = arith.addf %add3A_406, %mul3A_419 : vector<16xf32>
      %add3A_421 = arith.constant 1 : i32
      %add3A_422 = arith.addi %mul3A_283, %add3A_421 : i32
      %get3A_423 = arith.index_cast %add3A_422 : i32 to index
      %get3A_424 = arith.constant 144 : index
      %get3A_425 = tpu.vector_load %arg8[%get3A_423, %get3A_424] {strides = array<i32>} : memref<56x784xf32, #tpu.memory_space<vmem>>, vector<16xf32>,
      %mul3A_426 = arith.mulf %get3A_425, %get3A_415 : vector<16xf32>
      %add3A_427 = arith.addf %add3A_413, %mul3A_426 : vector<16xf32>
      %get3A_428 = arith.constant 160 : index
      %get3A_429 = tpu.vector_load %arg7[%get3A_428] {strides = array<i32>} : memref<784xf32, #tpu.memory_space<vmem>>, vector<16xf32>,
      %get3A_430 = arith.index_cast %mul3A_283 : i32 to index
      %get3A_431 = arith.constant 160 : index
      %get3A_432 = tpu.vector_load %arg8[%get3A_430, %get3A_431] {strides = array<i32>} : memref<56x784xf32, #tpu.memory_space<vmem>>, vector<16xf32>,
      %mul3A_433 = arith.mulf %get3A_432, %get3A_429 : vector<16xf32>
      %add3A_434 = arith.addf %add3A_420, %mul3A_433 : vector<16xf32>
      %add3A_435 = arith.constant 1 : i32
      %add3A_436 = arith.addi %mul3A_283, %add3A_435 : i32
      %get3A_437 = arith.index_cast %add3A_436 : i32 to index
      %get3A_438 = arith.constant 160 : index
      %get3A_439 = tpu.vector_load %arg8[%get3A_437, %get3A_438] {strides = array<i32>} : memref<56x784xf32, #tpu.memory_space<vmem>>, vector<16xf32>,
      %mul3A_440 = arith.mulf %get3A_439, %get3A_429 : vector<16xf32>
      %add3A_441 = arith.addf %add3A_427, %mul3A_440 : vector<16xf32>
      %get3A_442 = arith.constant 176 : index
      %get3A_443 = tpu.vector_load %arg7[%get3A_442] {strides = array<i32>} : memref<784xf32, #tpu.memory_space<vmem>>, vector<16xf32>,
      %get3A_444 = arith.index_cast %mul3A_283 : i32 to index
      %get3A_445 = arith.constant 176 : index
      %get3A_446 = tpu.vector_load %arg8[%get3A_444, %get3A_445] {strides = array<i32>} : memref<56x784xf32, #tpu.memory_space<vmem>>, vector<16xf32>,
      %mul3A_447 = arith.mulf %get3A_446, %get3A_443 : vector<16xf32>
      %add3A_448 = arith.addf %add3A_434, %mul3A_447 : vector<16xf32>
      %add3A_449 = arith.constant 1 : i32
      %add3A_450 = arith.addi %mul3A_283, %add3A_449 : i32
      %get3A_451 = arith.index_cast %add3A_450 : i32 to index
      %get3A_452 = arith.constant 176 : index
      %get3A_453 = tpu.vector_load %arg8[%get3A_451, %get3A_452] {strides = array<i32>} : memref<56x784xf32, #tpu.memory_space<vmem>>, vector<16xf32>,
      %mul3A_454 = arith.mulf %get3A_453, %get3A_443 : vector<16xf32>
      %add3A_455 = arith.addf %add3A_441, %mul3A_454 : vector<16xf32>
      %get3A_456 = arith.constant 192 : index
      %get3A_457 = tpu.vector_load %arg7[%get3A_456] {strides = array<i32>} : memref<784xf32, #tpu.memory_space<vmem>>, vector<16xf32>,
      %get3A_458 = arith.index_cast %mul3A_283 : i32 to index
      %get3A_459 = arith.constant 192 : index
      %get3A_460 = tpu.vector_load %arg8[%get3A_458, %get3A_459] {strides = array<i32>} : memref<56x784xf32, #tpu.memory_space<vmem>>, vector<16xf32>,
      %mul3A_461 = arith.mulf %get3A_460, %get3A_457 : vector<16xf32>
      %add3A_462 = arith.addf %add3A_448, %mul3A_461 : vector<16xf32>
      %add3A_463 = arith.constant 1 : i32
      %add3A_464 = arith.addi %mul3A_283, %add3A_463 : i32
      %get3A_465 = arith.index_cast %add3A_464 : i32 to index
      %get3A_466 = arith.constant 192 : index
      %get3A_467 = tpu.vector_load %arg8[%get3A_465, %get3A_466] {strides = array<i32>} : memref<56x784xf32, #tpu.memory_space<vmem>>, vector<16xf32>,
      %mul3A_468 = arith.mulf %get3A_467, %get3A_457 : vector<16xf32>
      %add3A_469 = arith.addf %add3A_455, %mul3A_468 : vector<16xf32>
      %get3A_470 = arith.constant 208 : index
      %get3A_471 = tpu.vector_load %arg7[%get3A_470] {strides = array<i32>} : memref<784xf32, #tpu.memory_space<vmem>>, vector<16xf32>,
      %get3A_472 = arith.index_cast %mul3A_283 : i32 to index
      %get3A_473 = arith.constant 208 : index
      %get3A_474 = tpu.vector_load %arg8[%get3A_472, %get3A_473] {strides = array<i32>} : memref<56x784xf32, #tpu.memory_space<vmem>>, vector<16xf32>,
      %mul3A_475 = arith.mulf %get3A_474, %get3A_471 : vector<16xf32>
      %add3A_476 = arith.addf %add3A_462, %mul3A_475 : vector<16xf32>
      %add3A_477 = arith.constant 1 : i32
      %add3A_478 = arith.addi %mul3A_283, %add3A_477 : i32
      %get3A_479 = arith.index_cast %add3A_478 : i32 to index
      %get3A_480 = arith.constant 208 : index
      %get3A_481 = tpu.vector_load %arg8[%get3A_479, %get3A_480] {strides = array<i32>} : memref<56x784xf32, #tpu.memory_space<vmem>>, vector<16xf32>,
      %mul3A_482 = arith.mulf %get3A_481, %get3A_471 : vector<16xf32>
      %add3A_483 = arith.addf %add3A_469, %mul3A_482 : vector<16xf32>
      %get3A_484 = arith.constant 224 : index
      %get3A_485 = tpu.vector_load %arg7[%get3A_484] {strides = array<i32>} : memref<784xf32, #tpu.memory_space<vmem>>, vector<16xf32>,
      %get3A_486 = arith.index_cast %mul3A_283 : i32 to index
      %get3A_487 = arith.constant 224 : index
      %get3A_488 = tpu.vector_load %arg8[%get3A_486, %get3A_487] {strides = array<i32>} : memref<56x784xf32, #tpu.memory_space<vmem>>, vector<16xf32>,
      %mul3A_489 = arith.mulf %get3A_488, %get3A_485 : vector<16xf32>
      %add3A_490 = arith.addf %add3A_476, %mul3A_489 : vector<16xf32>
      %add3A_491 = arith.constant 1 : i32
      %add3A_492 = arith.addi %mul3A_283, %add3A_491 : i32
      %get3A_493 = arith.index_cast %add3A_492 : i32 to index
      %get3A_494 = arith.constant 224 : index
      %get3A_495 = tpu.vector_load %arg8[%get3A_493, %get3A_494] {strides = array<i32>} : memref<56x784xf32, #tpu.memory_space<vmem>>, vector<16xf32>,
      %mul3A_496 = arith.mulf %get3A_495, %get3A_485 : vector<16xf32>
      %add3A_497 = arith.addf %add3A_483, %mul3A_496 : vector<16xf32>
      %get3A_498 = arith.constant 240 : index
      %get3A_499 = tpu.vector_load %arg7[%get3A_498] {strides = array<i32>} : memref<784xf32, #tpu.memory_space<vmem>>, vector<16xf32>,
      %get3A_500 = arith.index_cast %mul3A_283 : i32 to index
      %get3A_501 = arith.constant 240 : index
      %get3A_502 = tpu.vector_load %arg8[%get3A_500, %get3A_501] {strides = array<i32>} : memref<56x784xf32, #tpu.memory_space<vmem>>, vector<16xf32>,
      %mul3A_503 = arith.mulf %get3A_502, %get3A_499 : vector<16xf32>
      %add3A_504 = arith.addf %add3A_490, %mul3A_503 : vector<16xf32>
      %add3A_505 = arith.constant 1 : i32
      %add3A_506 = arith.addi %mul3A_283, %add3A_505 : i32
      %get3A_507 = arith.index_cast %add3A_506 : i32 to index
      %get3A_508 = arith.constant 240 : index
      %get3A_509 = tpu.vector_load %arg8[%get3A_507, %get3A_508] {strides = array<i32>} : memref<56x784xf32, #tpu.memory_space<vmem>>, vector<16xf32>,
      %mul3A_510 = arith.mulf %get3A_509, %get3A_499 : vector<16xf32>
      %add3A_511 = arith.addf %add3A_497, %mul3A_510 : vector<16xf32>
      %get3A_512 = arith.constant 256 : index
      %get3A_513 = tpu.vector_load %arg7[%get3A_512] {strides = array<i32>} : memref<784xf32, #tpu.memory_space<vmem>>, vector<16xf32>,
      %get3A_514 = arith.index_cast %mul3A_283 : i32 to index
      %get3A_515 = arith.constant 256 : index
      %get3A_516 = tpu.vector_load %arg8[%get3A_514, %get3A_515] {strides = array<i32>} : memref<56x784xf32, #tpu.memory_space<vmem>>, vector<16xf32>,
      %mul3A_517 = arith.mulf %get3A_516, %get3A_513 : vector<16xf32>
      %add3A_518 = arith.addf %add3A_504, %mul3A_517 : vector<16xf32>
      %add3A_519 = arith.constant 1 : i32
      %add3A_520 = arith.addi %mul3A_283, %add3A_519 : i32
      %get3A_521 = arith.index_cast %add3A_520 : i32 to index
      %get3A_522 = arith.constant 256 : index
      %get3A_523 = tpu.vector_load %arg8[%get3A_521, %get3A_522] {strides = array<i32>} : memref<56x784xf32, #tpu.memory_space<vmem>>, vector<16xf32>,
      %mul3A_524 = arith.mulf %get3A_523, %get3A_513 : vector<16xf32>
      %add3A_525 = arith.addf %add3A_511, %mul3A_524 : vector<16xf32>
      %get3A_526 = arith.constant 272 : index
      %get3A_527 = tpu.vector_load %arg7[%get3A_526] {strides = array<i32>} : memref<784xf32, #tpu.memory_space<vmem>>, vector<16xf32>,
      %get3A_528 = arith.index_cast %mul3A_283 : i32 to index
      %get3A_529 = arith.constant 272 : index
      %get3A_530 = tpu.vector_load %arg8[%get3A_528, %get3A_529] {strides = array<i32>} : memref<56x784xf32, #tpu.memory_space<vmem>>, vector<16xf32>,
      %mul3A_531 = arith.mulf %get3A_530, %get3A_527 : vector<16xf32>
      %add3A_532 = arith.addf %add3A_518, %mul3A_531 : vector<16xf32>
      %add3A_533 = arith.constant 1 : i32
      %add3A_534 = arith.addi %mul3A_283, %add3A_533 : i32
      %get3A_535 = arith.index_cast %add3A_534 : i32 to index
      %get3A_536 = arith.constant 272 : index
      %get3A_537 = tpu.vector_load %arg8[%get3A_535, %get3A_536] {strides = array<i32>} : memref<56x784xf32, #tpu.memory_space<vmem>>, vector<16xf32>,
      %mul3A_538 = arith.mulf %get3A_537, %get3A_527 : vector<16xf32>
      %add3A_539 = arith.addf %add3A_525, %mul3A_538 : vector<16xf32>
      %get3A_540 = arith.constant 288 : index
      %get3A_541 = tpu.vector_load %arg7[%get3A_540] {strides = array<i32>} : memref<784xf32, #tpu.memory_space<vmem>>, vector<16xf32>,
      %get3A_542 = arith.index_cast %mul3A_283 : i32 to index
      %get3A_543 = arith.constant 288 : index
      %get3A_544 = tpu.vector_load %arg8[%get3A_542, %get3A_543] {strides = array<i32>} : memref<56x784xf32, #tpu.memory_space<vmem>>, vector<16xf32>,
      %mul3A_545 = arith.mulf %get3A_544, %get3A_541 : vector<16xf32>
      %add3A_546 = arith.addf %add3A_532, %mul3A_545 : vector<16xf32>
      %add3A_547 = arith.constant 1 : i32
      %add3A_548 = arith.addi %mul3A_283, %add3A_547 : i32
      %get3A_549 = arith.index_cast %add3A_548 : i32 to index
      %get3A_550 = arith.constant 288 : index
      %get3A_551 = tpu.vector_load %arg8[%get3A_549, %get3A_550] {strides = array<i32>} : memref<56x784xf32, #tpu.memory_space<vmem>>, vector<16xf32>,
      %mul3A_552 = arith.mulf %get3A_551, %get3A_541 : vector<16xf32>
      %add3A_553 = arith.addf %add3A_539, %mul3A_552 : vector<16xf32>
      %get3A_554 = arith.constant 304 : index
      %get3A_555 = tpu.vector_load %arg7[%get3A_554] {strides = array<i32>} : memref<784xf32, #tpu.memory_space<vmem>>, vector<16xf32>,
      %get3A_556 = arith.index_cast %mul3A_283 : i32 to index
      %get3A_557 = arith.constant 304 : index
      %get3A_558 = tpu.vector_load %arg8[%get3A_556, %get3A_557] {strides = array<i32>} : memref<56x784xf32, #tpu.memory_space<vmem>>, vector<16xf32>,
      %mul3A_559 = arith.mulf %get3A_558, %get3A_555 : vector<16xf32>
      %add3A_560 = arith.addf %add3A_546, %mul3A_559 : vector<16xf32>
      %add3A_561 = arith.constant 1 : i32
      %add3A_562 = arith.addi %mul3A_283, %add3A_561 : i32
      %get3A_563 = arith.index_cast %add3A_562 : i32 to index
      %get3A_564 = arith.constant 304 : index
      %get3A_565 = tpu.vector_load %arg8[%get3A_563, %get3A_564] {strides = array<i32>} : memref<56x784xf32, #tpu.memory_space<vmem>>, vector<16xf32>,
      %mul3A_566 = arith.mulf %get3A_565, %get3A_555 : vector<16xf32>
      %add3A_567 = arith.addf %add3A_553, %mul3A_566 : vector<16xf32>
      %get3A_568 = arith.constant 320 : index
      %get3A_569 = tpu.vector_load %arg7[%get3A_568] {strides = array<i32>} : memref<784xf32, #tpu.memory_space<vmem>>, vector<16xf32>,
      %get3A_570 = arith.index_cast %mul3A_283 : i32 to index
      %get3A_571 = arith.constant 320 : index
      %get3A_572 = tpu.vector_load %arg8[%get3A_570, %get3A_571] {strides = array<i32>} : memref<56x784xf32, #tpu.memory_space<vmem>>, vector<16xf32>,
      %mul3A_573 = arith.mulf %get3A_572, %get3A_569 : vector<16xf32>
      %add3A_574 = arith.addf %add3A_560, %mul3A_573 : vector<16xf32>
      %add3A_575 = arith.constant 1 : i32
      %add3A_576 = arith.addi %mul3A_283, %add3A_575 : i32
      %get3A_577 = arith.index_cast %add3A_576 : i32 to index
      %get3A_578 = arith.constant 320 : index
      %get3A_579 = tpu.vector_load %arg8[%get3A_577, %get3A_578] {strides = array<i32>} : memref<56x784xf32, #tpu.memory_space<vmem>>, vector<16xf32>,
      %mul3A_580 = arith.mulf %get3A_579, %get3A_569 : vector<16xf32>
      %add3A_581 = arith.addf %add3A_567, %mul3A_580 : vector<16xf32>
      %get3A_582 = arith.constant 336 : index
      %get3A_583 = tpu.vector_load %arg7[%get3A_582] {strides = array<i32>} : memref<784xf32, #tpu.memory_space<vmem>>, vector<16xf32>,
      %get3A_584 = arith.index_cast %mul3A_283 : i32 to index
      %get3A_585 = arith.constant 336 : index
      %get3A_586 = tpu.vector_load %arg8[%get3A_584, %get3A_585] {strides = array<i32>} : memref<56x784xf32, #tpu.memory_space<vmem>>, vector<16xf32>,
      %mul3A_587 = arith.mulf %get3A_586, %get3A_583 : vector<16xf32>
      %add3A_588 = arith.addf %add3A_574, %mul3A_587 : vector<16xf32>
      %add3A_589 = arith.constant 1 : i32
      %add3A_590 = arith.addi %mul3A_283, %add3A_589 : i32
      %get3A_591 = arith.index_cast %add3A_590 : i32 to index
      %get3A_592 = arith.constant 336 : index
      %get3A_593 = tpu.vector_load %arg8[%get3A_591, %get3A_592] {strides = array<i32>} : memref<56x784xf32, #tpu.memory_space<vmem>>, vector<16xf32>,
      %mul3A_594 = arith.mulf %get3A_593, %get3A_583 : vector<16xf32>
      %add3A_595 = arith.addf %add3A_581, %mul3A_594 : vector<16xf32>
      %get3A_596 = arith.constant 352 : index
      %get3A_597 = tpu.vector_load %arg7[%get3A_596] {strides = array<i32>} : memref<784xf32, #tpu.memory_space<vmem>>, vector<16xf32>,
      %get3A_598 = arith.index_cast %mul3A_283 : i32 to index
      %get3A_599 = arith.constant 352 : index
      %get3A_600 = tpu.vector_load %arg8[%get3A_598, %get3A_599] {strides = array<i32>} : memref<56x784xf32, #tpu.memory_space<vmem>>, vector<16xf32>,
      %mul3A_601 = arith.mulf %get3A_600, %get3A_597 : vector<16xf32>
      %add3A_602 = arith.addf %add3A_588, %mul3A_601 : vector<16xf32>
      %add3A_603 = arith.constant 1 : i32
      %add3A_604 = arith.addi %mul3A_283, %add3A_603 : i32
      %get3A_605 = arith.index_cast %add3A_604 : i32 to index
      %get3A_606 = arith.constant 352 : index
      %get3A_607 = tpu.vector_load %arg8[%get3A_605, %get3A_606] {strides = array<i32>} : memref<56x784xf32, #tpu.memory_space<vmem>>, vector<16xf32>,
      %mul3A_608 = arith.mulf %get3A_607, %get3A_597 : vector<16xf32>
      %add3A_609 = arith.addf %add3A_595, %mul3A_608 : vector<16xf32>
      %get3A_610 = arith.constant 368 : index
      %get3A_611 = tpu.vector_load %arg7[%get3A_610] {strides = array<i32>} : memref<784xf32, #tpu.memory_space<vmem>>, vector<16xf32>,
      %get3A_612 = arith.index_cast %mul3A_283 : i32 to index
      %get3A_613 = arith.constant 368 : index
      %get3A_614 = tpu.vector_load %arg8[%get3A_612, %get3A_613] {strides = array<i32>} : memref<56x784xf32, #tpu.memory_space<vmem>>, vector<16xf32>,
      %mul3A_615 = arith.mulf %get3A_614, %get3A_611 : vector<16xf32>
      %add3A_616 = arith.addf %add3A_602, %mul3A_615 : vector<16xf32>
      %add3A_617 = arith.constant 1 : i32
      %add3A_618 = arith.addi %mul3A_283, %add3A_617 : i32
      %get3A_619 = arith.index_cast %add3A_618 : i32 to index
      %get3A_620 = arith.constant 368 : index
      %get3A_621 = tpu.vector_load %arg8[%get3A_619, %get3A_620] {strides = array<i32>} : memref<56x784xf32, #tpu.memory_space<vmem>>, vector<16xf32>,
      %mul3A_622 = arith.mulf %get3A_621, %get3A_611 : vector<16xf32>
      %add3A_623 = arith.addf %add3A_609, %mul3A_622 : vector<16xf32>
      %get3A_624 = arith.constant 384 : index
      %get3A_625 = tpu.vector_load %arg7[%get3A_624] {strides = array<i32>} : memref<784xf32, #tpu.memory_space<vmem>>, vector<16xf32>,
      %get3A_626 = arith.index_cast %mul3A_283 : i32 to index
      %get3A_627 = arith.constant 384 : index
      %get3A_628 = tpu.vector_load %arg8[%get3A_626, %get3A_627] {strides = array<i32>} : memref<56x784xf32, #tpu.memory_space<vmem>>, vector<16xf32>,
      %mul3A_629 = arith.mulf %get3A_628, %get3A_625 : vector<16xf32>
      %add3A_630 = arith.addf %add3A_616, %mul3A_629 : vector<16xf32>
      %add3A_631 = arith.constant 1 : i32
      %add3A_632 = arith.addi %mul3A_283, %add3A_631 : i32
      %get3A_633 = arith.index_cast %add3A_632 : i32 to index
      %get3A_634 = arith.constant 384 : index
      %get3A_635 = tpu.vector_load %arg8[%get3A_633, %get3A_634] {strides = array<i32>} : memref<56x784xf32, #tpu.memory_space<vmem>>, vector<16xf32>,
      %mul3A_636 = arith.mulf %get3A_635, %get3A_625 : vector<16xf32>
      %add3A_637 = arith.addf %add3A_623, %mul3A_636 : vector<16xf32>
      %get3A_638 = arith.constant 400 : index
      %get3A_639 = tpu.vector_load %arg7[%get3A_638] {strides = array<i32>} : memref<784xf32, #tpu.memory_space<vmem>>, vector<16xf32>,
      %get3A_640 = arith.index_cast %mul3A_283 : i32 to index
      %get3A_641 = arith.constant 400 : index
      %get3A_642 = tpu.vector_load %arg8[%get3A_640, %get3A_641] {strides = array<i32>} : memref<56x784xf32, #tpu.memory_space<vmem>>, vector<16xf32>,
      %mul3A_643 = arith.mulf %get3A_642, %get3A_639 : vector<16xf32>
      %add3A_644 = arith.addf %add3A_630, %mul3A_643 : vector<16xf32>
      %add3A_645 = arith.constant 1 : i32
      %add3A_646 = arith.addi %mul3A_283, %add3A_645 : i32
      %get3A_647 = arith.index_cast %add3A_646 : i32 to index
      %get3A_648 = arith.constant 400 : index
      %get3A_649 = tpu.vector_load %arg8[%get3A_647, %get3A_648] {strides = array<i32>} : memref<56x784xf32, #tpu.memory_space<vmem>>, vector<16xf32>,
      %mul3A_650 = arith.mulf %get3A_649, %get3A_639 : vector<16xf32>
      %add3A_651 = arith.addf %add3A_637, %mul3A_650 : vector<16xf32>
      %get3A_652 = arith.constant 416 : index
      %get3A_653 = tpu.vector_load %arg7[%get3A_652] {strides = array<i32>} : memref<784xf32, #tpu.memory_space<vmem>>, vector<16xf32>,
      %get3A_654 = arith.index_cast %mul3A_283 : i32 to index
      %get3A_655 = arith.constant 416 : index
      %get3A_656 = tpu.vector_load %arg8[%get3A_654, %get3A_655] {strides = array<i32>} : memref<56x784xf32, #tpu.memory_space<vmem>>, vector<16xf32>,
      %mul3A_657 = arith.mulf %get3A_656, %get3A_653 : vector<16xf32>
      %add3A_658 = arith.addf %add3A_644, %mul3A_657 : vector<16xf32>
      %add3A_659 = arith.constant 1 : i32
      %add3A_660 = arith.addi %mul3A_283, %add3A_659 : i32
      %get3A_661 = arith.index_cast %add3A_660 : i32 to index
      %get3A_662 = arith.constant 416 : index
      %get3A_663 = tpu.vector_load %arg8[%get3A_661, %get3A_662] {strides = array<i32>} : memref<56x784xf32, #tpu.memory_space<vmem>>, vector<16xf32>,
      %mul3A_664 = arith.mulf %get3A_663, %get3A_653 : vector<16xf32>
      %add3A_665 = arith.addf %add3A_651, %mul3A_664 : vector<16xf32>
      %get3A_666 = arith.constant 432 : index
      %get3A_667 = tpu.vector_load %arg7[%get3A_666] {strides = array<i32>} : memref<784xf32, #tpu.memory_space<vmem>>, vector<16xf32>,
      %get3A_668 = arith.index_cast %mul3A_283 : i32 to index
      %get3A_669 = arith.constant 432 : index
      %get3A_670 = tpu.vector_load %arg8[%get3A_668, %get3A_669] {strides = array<i32>} : memref<56x784xf32, #tpu.memory_space<vmem>>, vector<16xf32>,
      %mul3A_671 = arith.mulf %get3A_670, %get3A_667 : vector<16xf32>
      %add3A_672 = arith.addf %add3A_658, %mul3A_671 : vector<16xf32>
      %add3A_673 = arith.constant 1 : i32
      %add3A_674 = arith.addi %mul3A_283, %add3A_673 : i32
      %get3A_675 = arith.index_cast %add3A_674 : i32 to index
      %get3A_676 = arith.constant 432 : index
      %get3A_677 = tpu.vector_load %arg8[%get3A_675, %get3A_676] {strides = array<i32>} : memref<56x784xf32, #tpu.memory_space<vmem>>, vector<16xf32>,
      %mul3A_678 = arith.mulf %get3A_677, %get3A_667 : vector<16xf32>
      %add3A_679 = arith.addf %add3A_665, %mul3A_678 : vector<16xf32>
      %get3A_680 = arith.constant 448 : index
      %get3A_681 = tpu.vector_load %arg7[%get3A_680] {strides = array<i32>} : memref<784xf32, #tpu.memory_space<vmem>>, vector<16xf32>,
      %get3A_682 = arith.index_cast %mul3A_283 : i32 to index
      %get3A_683 = arith.constant 448 : index
      %get3A_684 = tpu.vector_load %arg8[%get3A_682, %get3A_683] {strides = array<i32>} : memref<56x784xf32, #tpu.memory_space<vmem>>, vector<16xf32>,
      %mul3A_685 = arith.mulf %get3A_684, %get3A_681 : vector<16xf32>
      %add3A_686 = arith.addf %add3A_672, %mul3A_685 : vector<16xf32>
      %add3A_687 = arith.constant 1 : i32
      %add3A_688 = arith.addi %mul3A_283, %add3A_687 : i32
      %get3A_689 = arith.index_cast %add3A_688 : i32 to index
      %get3A_690 = arith.constant 448 : index
      %get3A_691 = tpu.vector_load %arg8[%get3A_689, %get3A_690] {strides = array<i32>} : memref<56x784xf32, #tpu.memory_space<vmem>>, vector<16xf32>,
      %mul3A_692 = arith.mulf %get3A_691, %get3A_681 : vector<16xf32>
      %add3A_693 = arith.addf %add3A_679, %mul3A_692 : vector<16xf32>
      %get3A_694 = arith.constant 464 : index
      %get3A_695 = tpu.vector_load %arg7[%get3A_694] {strides = array<i32>} : memref<784xf32, #tpu.memory_space<vmem>>, vector<16xf32>,
      %get3A_696 = arith.index_cast %mul3A_283 : i32 to index
      %get3A_697 = arith.constant 464 : index
      %get3A_698 = tpu.vector_load %arg8[%get3A_696, %get3A_697] {strides = array<i32>} : memref<56x784xf32, #tpu.memory_space<vmem>>, vector<16xf32>,
      %mul3A_699 = arith.mulf %get3A_698, %get3A_695 : vector<16xf32>
      %add3A_700 = arith.addf %add3A_686, %mul3A_699 : vector<16xf32>
      %add3A_701 = arith.constant 1 : i32
      %add3A_702 = arith.addi %mul3A_283, %add3A_701 : i32
      %get3A_703 = arith.index_cast %add3A_702 : i32 to index
      %get3A_704 = arith.constant 464 : index
      %get3A_705 = tpu.vector_load %arg8[%get3A_703, %get3A_704] {strides = array<i32>} : memref<56x784xf32, #tpu.memory_space<vmem>>, vector<16xf32>,
      %mul3A_706 = arith.mulf %get3A_705, %get3A_695 : vector<16xf32>
      %add3A_707 = arith.addf %add3A_693, %mul3A_706 : vector<16xf32>
      %get3A_708 = arith.constant 480 : index
      %get3A_709 = tpu.vector_load %arg7[%get3A_708] {strides = array<i32>} : memref<784xf32, #tpu.memory_space<vmem>>, vector<16xf32>,
      %get3A_710 = arith.index_cast %mul3A_283 : i32 to index
      %get3A_711 = arith.constant 480 : index
      %get3A_712 = tpu.vector_load %arg8[%get3A_710, %get3A_711] {strides = array<i32>} : memref<56x784xf32, #tpu.memory_space<vmem>>, vector<16xf32>,
      %mul3A_713 = arith.mulf %get3A_712, %get3A_709 : vector<16xf32>
      %add3A_714 = arith.addf %add3A_700, %mul3A_713 : vector<16xf32>
      %add3A_715 = arith.constant 1 : i32
      %add3A_716 = arith.addi %mul3A_283, %add3A_715 : i32
      %get3A_717 = arith.index_cast %add3A_716 : i32 to index
      %get3A_718 = arith.constant 480 : index
      %get3A_719 = tpu.vector_load %arg8[%get3A_717, %get3A_718] {strides = array<i32>} : memref<56x784xf32, #tpu.memory_space<vmem>>, vector<16xf32>,
      %mul3A_720 = arith.mulf %get3A_719, %get3A_709 : vector<16xf32>
      %add3A_721 = arith.addf %add3A_707, %mul3A_720 : vector<16xf32>
      %get3A_722 = arith.constant 496 : index
      %get3A_723 = tpu.vector_load %arg7[%get3A_722] {strides = array<i32>} : memref<784xf32, #tpu.memory_space<vmem>>, vector<16xf32>,
      %get3A_724 = arith.index_cast %mul3A_283 : i32 to index
      %get3A_725 = arith.constant 496 : index
      %get3A_726 = tpu.vector_load %arg8[%get3A_724, %get3A_725] {strides = array<i32>} : memref<56x784xf32, #tpu.memory_space<vmem>>, vector<16xf32>,
      %mul3A_727 = arith.mulf %get3A_726, %get3A_723 : vector<16xf32>
      %add3A_728 = arith.addf %add3A_714, %mul3A_727 : vector<16xf32>
      %add3A_729 = arith.constant 1 : i32
      %add3A_730 = arith.addi %mul3A_283, %add3A_729 : i32
      %get3A_731 = arith.index_cast %add3A_730 : i32 to index
      %get3A_732 = arith.constant 496 : index
      %get3A_733 = tpu.vector_load %arg8[%get3A_731, %get3A_732] {strides = array<i32>} : memref<56x784xf32, #tpu.memory_space<vmem>>, vector<16xf32>,
      %mul3A_734 = arith.mulf %get3A_733, %get3A_723 : vector<16xf32>
      %add3A_735 = arith.addf %add3A_721, %mul3A_734 : vector<16xf32>
      %get3A_736 = arith.constant 512 : index
      %get3A_737 = tpu.vector_load %arg7[%get3A_736] {strides = array<i32>} : memref<784xf32, #tpu.memory_space<vmem>>, vector<16xf32>,
      %get3A_738 = arith.index_cast %mul3A_283 : i32 to index
      %get3A_739 = arith.constant 512 : index
      %get3A_740 = tpu.vector_load %arg8[%get3A_738, %get3A_739] {strides = array<i32>} : memref<56x784xf32, #tpu.memory_space<vmem>>, vector<16xf32>,
      %mul3A_741 = arith.mulf %get3A_740, %get3A_737 : vector<16xf32>
      %add3A_742 = arith.addf %add3A_728, %mul3A_741 : vector<16xf32>
      %add3A_743 = arith.constant 1 : i32
      %add3A_744 = arith.addi %mul3A_283, %add3A_743 : i32
      %get3A_745 = arith.index_cast %add3A_744 : i32 to index
      %get3A_746 = arith.constant 512 : index
      %get3A_747 = tpu.vector_load %arg8[%get3A_745, %get3A_746] {strides = array<i32>} : memref<56x784xf32, #tpu.memory_space<vmem>>, vector<16xf32>,
      %mul3A_748 = arith.mulf %get3A_747, %get3A_737 : vector<16xf32>
      %add3A_749 = arith.addf %add3A_735, %mul3A_748 : vector<16xf32>
      %get3A_750 = arith.constant 528 : index
      %get3A_751 = tpu.vector_load %arg7[%get3A_750] {strides = array<i32>} : memref<784xf32, #tpu.memory_space<vmem>>, vector<16xf32>,
      %get3A_752 = arith.index_cast %mul3A_283 : i32 to index
      %get3A_753 = arith.constant 528 : index
      %get3A_754 = tpu.vector_load %arg8[%get3A_752, %get3A_753] {strides = array<i32>} : memref<56x784xf32, #tpu.memory_space<vmem>>, vector<16xf32>,
      %mul3A_755 = arith.mulf %get3A_754, %get3A_751 : vector<16xf32>
      %add3A_756 = arith.addf %add3A_742, %mul3A_755 : vector<16xf32>
      %add3A_757 = arith.constant 1 : i32
      %add3A_758 = arith.addi %mul3A_283, %add3A_757 : i32
      %get3A_759 = arith.index_cast %add3A_758 : i32 to index
      %get3A_760 = arith.constant 528 : index
      %get3A_761 = tpu.vector_load %arg8[%get3A_759, %get3A_760] {strides = array<i32>} : memref<56x784xf32, #tpu.memory_space<vmem>>, vector<16xf32>,
      %mul3A_762 = arith.mulf %get3A_761, %get3A_751 : vector<16xf32>
      %add3A_763 = arith.addf %add3A_749, %mul3A_762 : vector<16xf32>
      %get3A_764 = arith.constant 544 : index
      %get3A_765 = tpu.vector_load %arg7[%get3A_764] {strides = array<i32>} : memref<784xf32, #tpu.memory_space<vmem>>, vector<16xf32>,
      %get3A_766 = arith.index_cast %mul3A_283 : i32 to index
      %get3A_767 = arith.constant 544 : index
      %get3A_768 = tpu.vector_load %arg8[%get3A_766, %get3A_767] {strides = array<i32>} : memref<56x784xf32, #tpu.memory_space<vmem>>, vector<16xf32>,
      %mul3A_769 = arith.mulf %get3A_768, %get3A_765 : vector<16xf32>
      %add3A_770 = arith.addf %add3A_756, %mul3A_769 : vector<16xf32>
      %add3A_771 = arith.constant 1 : i32
      %add3A_772 = arith.addi %mul3A_283, %add3A_771 : i32
      %get3A_773 = arith.index_cast %add3A_772 : i32 to index
      %get3A_774 = arith.constant 544 : index
      %get3A_775 = tpu.vector_load %arg8[%get3A_773, %get3A_774] {strides = array<i32>} : memref<56x784xf32, #tpu.memory_space<vmem>>, vector<16xf32>,
      %mul3A_776 = arith.mulf %get3A_775, %get3A_765 : vector<16xf32>
      %add3A_777 = arith.addf %add3A_763, %mul3A_776 : vector<16xf32>
      %get3A_778 = arith.constant 560 : index
      %get3A_779 = tpu.vector_load %arg7[%get3A_778] {strides = array<i32>} : memref<784xf32, #tpu.memory_space<vmem>>, vector<16xf32>,
      %get3A_780 = arith.index_cast %mul3A_283 : i32 to index
      %get3A_781 = arith.constant 560 : index
      %get3A_782 = tpu.vector_load %arg8[%get3A_780, %get3A_781] {strides = array<i32>} : memref<56x784xf32, #tpu.memory_space<vmem>>, vector<16xf32>,
      %mul3A_783 = arith.mulf %get3A_782, %get3A_779 : vector<16xf32>
      %add3A_784 = arith.addf %add3A_770, %mul3A_783 : vector<16xf32>
      %add3A_785 = arith.constant 1 : i32
      %add3A_786 = arith.addi %mul3A_283, %add3A_785 : i32
      %get3A_787 = arith.index_cast %add3A_786 : i32 to index
      %get3A_788 = arith.constant 560 : index
      %get3A_789 = tpu.vector_load %arg8[%get3A_787, %get3A_788] {strides = array<i32>} : memref<56x784xf32, #tpu.memory_space<vmem>>, vector<16xf32>,
      %mul3A_790 = arith.mulf %get3A_789, %get3A_779 : vector<16xf32>
      %add3A_791 = arith.addf %add3A_777, %mul3A_790 : vector<16xf32>
      %get3A_792 = arith.constant 576 : index
      %get3A_793 = tpu.vector_load %arg7[%get3A_792] {strides = array<i32>} : memref<784xf32, #tpu.memory_space<vmem>>, vector<16xf32>,
      %get3A_794 = arith.index_cast %mul3A_283 : i32 to index
      %get3A_795 = arith.constant 576 : index
      %get3A_796 = tpu.vector_load %arg8[%get3A_794, %get3A_795] {strides = array<i32>} : memref<56x784xf32, #tpu.memory_space<vmem>>, vector<16xf32>,
      %mul3A_797 = arith.mulf %get3A_796, %get3A_793 : vector<16xf32>
      %add3A_798 = arith.addf %add3A_784, %mul3A_797 : vector<16xf32>
      %add3A_799 = arith.constant 1 : i32
      %add3A_800 = arith.addi %mul3A_283, %add3A_799 : i32
      %get3A_801 = arith.index_cast %add3A_800 : i32 to index
      %get3A_802 = arith.constant 576 : index
      %get3A_803 = tpu.vector_load %arg8[%get3A_801, %get3A_802] {strides = array<i32>} : memref<56x784xf32, #tpu.memory_space<vmem>>, vector<16xf32>,
      %mul3A_804 = arith.mulf %get3A_803, %get3A_793 : vector<16xf32>
      %add3A_805 = arith.addf %add3A_791, %mul3A_804 : vector<16xf32>
      %get3A_806 = arith.constant 592 : index
      %get3A_807 = tpu.vector_load %arg7[%get3A_806] {strides = array<i32>} : memref<784xf32, #tpu.memory_space<vmem>>, vector<16xf32>,
      %get3A_808 = arith.index_cast %mul3A_283 : i32 to index
      %get3A_809 = arith.constant 592 : index
      %get3A_810 = tpu.vector_load %arg8[%get3A_808, %get3A_809] {strides = array<i32>} : memref<56x784xf32, #tpu.memory_space<vmem>>, vector<16xf32>,
      %mul3A_811 = arith.mulf %get3A_810, %get3A_807 : vector<16xf32>
      %add3A_812 = arith.addf %add3A_798, %mul3A_811 : vector<16xf32>
      %add3A_813 = arith.constant 1 : i32
      %add3A_814 = arith.addi %mul3A_283, %add3A_813 : i32
      %get3A_815 = arith.index_cast %add3A_814 : i32 to index
      %get3A_816 = arith.constant 592 : index
      %get3A_817 = tpu.vector_load %arg8[%get3A_815, %get3A_816] {strides = array<i32>} : memref<56x784xf32, #tpu.memory_space<vmem>>, vector<16xf32>,
      %mul3A_818 = arith.mulf %get3A_817, %get3A_807 : vector<16xf32>
      %add3A_819 = arith.addf %add3A_805, %mul3A_818 : vector<16xf32>
      %get3A_820 = arith.constant 608 : index
      %get3A_821 = tpu.vector_load %arg7[%get3A_820] {strides = array<i32>} : memref<784xf32, #tpu.memory_space<vmem>>, vector<16xf32>,
      %get3A_822 = arith.index_cast %mul3A_283 : i32 to index
      %get3A_823 = arith.constant 608 : index
      %get3A_824 = tpu.vector_load %arg8[%get3A_822, %get3A_823] {strides = array<i32>} : memref<56x784xf32, #tpu.memory_space<vmem>>, vector<16xf32>,
      %mul3A_825 = arith.mulf %get3A_824, %get3A_821 : vector<16xf32>
      %add3A_826 = arith.addf %add3A_812, %mul3A_825 : vector<16xf32>
      %add3A_827 = arith.constant 1 : i32
      %add3A_828 = arith.addi %mul3A_283, %add3A_827 : i32
      %get3A_829 = arith.index_cast %add3A_828 : i32 to index
      %get3A_830 = arith.constant 608 : index
      %get3A_831 = tpu.vector_load %arg8[%get3A_829, %get3A_830] {strides = array<i32>} : memref<56x784xf32, #tpu.memory_space<vmem>>, vector<16xf32>,
      %mul3A_832 = arith.mulf %get3A_831, %get3A_821 : vector<16xf32>
      %add3A_833 = arith.addf %add3A_819, %mul3A_832 : vector<16xf32>
      %get3A_834 = arith.constant 624 : index
      %get3A_835 = tpu.vector_load %arg7[%get3A_834] {strides = array<i32>} : memref<784xf32, #tpu.memory_space<vmem>>, vector<16xf32>,
      %get3A_836 = arith.index_cast %mul3A_283 : i32 to index
      %get3A_837 = arith.constant 624 : index
      %get3A_838 = tpu.vector_load %arg8[%get3A_836, %get3A_837] {strides = array<i32>} : memref<56x784xf32, #tpu.memory_space<vmem>>, vector<16xf32>,
      %mul3A_839 = arith.mulf %get3A_838, %get3A_835 : vector<16xf32>
      %add3A_840 = arith.addf %add3A_826, %mul3A_839 : vector<16xf32>
      %add3A_841 = arith.constant 1 : i32
      %add3A_842 = arith.addi %mul3A_283, %add3A_841 : i32
      %get3A_843 = arith.index_cast %add3A_842 : i32 to index
      %get3A_844 = arith.constant 624 : index
      %get3A_845 = tpu.vector_load %arg8[%get3A_843, %get3A_844] {strides = array<i32>} : memref<56x784xf32, #tpu.memory_space<vmem>>, vector<16xf32>,
      %mul3A_846 = arith.mulf %get3A_845, %get3A_835 : vector<16xf32>
      %add3A_847 = arith.addf %add3A_833, %mul3A_846 : vector<16xf32>
      %get3A_848 = arith.constant 640 : index
      %get3A_849 = tpu.vector_load %arg7[%get3A_848] {strides = array<i32>} : memref<784xf32, #tpu.memory_space<vmem>>, vector<16xf32>,
      %get3A_850 = arith.index_cast %mul3A_283 : i32 to index
      %get3A_851 = arith.constant 640 : index
      %get3A_852 = tpu.vector_load %arg8[%get3A_850, %get3A_851] {strides = array<i32>} : memref<56x784xf32, #tpu.memory_space<vmem>>, vector<16xf32>,
      %mul3A_853 = arith.mulf %get3A_852, %get3A_849 : vector<16xf32>
      %add3A_854 = arith.addf %add3A_840, %mul3A_853 : vector<16xf32>
      %add3A_855 = arith.constant 1 : i32
      %add3A_856 = arith.addi %mul3A_283, %add3A_855 : i32
      %get3A_857 = arith.index_cast %add3A_856 : i32 to index
      %get3A_858 = arith.constant 640 : index
      %get3A_859 = tpu.vector_load %arg8[%get3A_857, %get3A_858] {strides = array<i32>} : memref<56x784xf32, #tpu.memory_space<vmem>>, vector<16xf32>,
      %mul3A_860 = arith.mulf %get3A_859, %get3A_849 : vector<16xf32>
      %add3A_861 = arith.addf %add3A_847, %mul3A_860 : vector<16xf32>
      %get3A_862 = arith.constant 656 : index
      %get3A_863 = tpu.vector_load %arg7[%get3A_862] {strides = array<i32>} : memref<784xf32, #tpu.memory_space<vmem>>, vector<16xf32>,
      %get3A_864 = arith.index_cast %mul3A_283 : i32 to index
      %get3A_865 = arith.constant 656 : index
      %get3A_866 = tpu.vector_load %arg8[%get3A_864, %get3A_865] {strides = array<i32>} : memref<56x784xf32, #tpu.memory_space<vmem>>, vector<16xf32>,
      %mul3A_867 = arith.mulf %get3A_866, %get3A_863 : vector<16xf32>
      %add3A_868 = arith.addf %add3A_854, %mul3A_867 : vector<16xf32>
      %add3A_869 = arith.constant 1 : i32
      %add3A_870 = arith.addi %mul3A_283, %add3A_869 : i32
      %get3A_871 = arith.index_cast %add3A_870 : i32 to index
      %get3A_872 = arith.constant 656 : index
      %get3A_873 = tpu.vector_load %arg8[%get3A_871, %get3A_872] {strides = array<i32>} : memref<56x784xf32, #tpu.memory_space<vmem>>, vector<16xf32>,
      %mul3A_874 = arith.mulf %get3A_873, %get3A_863 : vector<16xf32>
      %add3A_875 = arith.addf %add3A_861, %mul3A_874 : vector<16xf32>
      %get3A_876 = arith.constant 672 : index
      %get3A_877 = tpu.vector_load %arg7[%get3A_876] {strides = array<i32>} : memref<784xf32, #tpu.memory_space<vmem>>, vector<16xf32>,
      %get3A_878 = arith.index_cast %mul3A_283 : i32 to index
      %get3A_879 = arith.constant 672 : index
      %get3A_880 = tpu.vector_load %arg8[%get3A_878, %get3A_879] {strides = array<i32>} : memref<56x784xf32, #tpu.memory_space<vmem>>, vector<16xf32>,
      %mul3A_881 = arith.mulf %get3A_880, %get3A_877 : vector<16xf32>
      %add3A_882 = arith.addf %add3A_868, %mul3A_881 : vector<16xf32>
      %add3A_883 = arith.constant 1 : i32
      %add3A_884 = arith.addi %mul3A_283, %add3A_883 : i32
      %get3A_885 = arith.index_cast %add3A_884 : i32 to index
      %get3A_886 = arith.constant 672 : index
      %get3A_887 = tpu.vector_load %arg8[%get3A_885, %get3A_886] {strides = array<i32>} : memref<56x784xf32, #tpu.memory_space<vmem>>, vector<16xf32>,
      %mul3A_888 = arith.mulf %get3A_887, %get3A_877 : vector<16xf32>
      %add3A_889 = arith.addf %add3A_875, %mul3A_888 : vector<16xf32>
      %get3A_890 = arith.constant 688 : index
      %get3A_891 = tpu.vector_load %arg7[%get3A_890] {strides = array<i32>} : memref<784xf32, #tpu.memory_space<vmem>>, vector<16xf32>,
      %get3A_892 = arith.index_cast %mul3A_283 : i32 to index
      %get3A_893 = arith.constant 688 : index
      %get3A_894 = tpu.vector_load %arg8[%get3A_892, %get3A_893] {strides = array<i32>} : memref<56x784xf32, #tpu.memory_space<vmem>>, vector<16xf32>,
      %mul3A_895 = arith.mulf %get3A_894, %get3A_891 : vector<16xf32>
      %add3A_896 = arith.addf %add3A_882, %mul3A_895 : vector<16xf32>
      %add3A_897 = arith.constant 1 : i32
      %add3A_898 = arith.addi %mul3A_283, %add3A_897 : i32
      %get3A_899 = arith.index_cast %add3A_898 : i32 to index
      %get3A_900 = arith.constant 688 : index
      %get3A_901 = tpu.vector_load %arg8[%get3A_899, %get3A_900] {strides = array<i32>} : memref<56x784xf32, #tpu.memory_space<vmem>>, vector<16xf32>,
      %mul3A_902 = arith.mulf %get3A_901, %get3A_891 : vector<16xf32>
      %add3A_903 = arith.addf %add3A_889, %mul3A_902 : vector<16xf32>
      %get3A_904 = arith.constant 704 : index
      %get3A_905 = tpu.vector_load %arg7[%get3A_904] {strides = array<i32>} : memref<784xf32, #tpu.memory_space<vmem>>, vector<16xf32>,
      %get3A_906 = arith.index_cast %mul3A_283 : i32 to index
      %get3A_907 = arith.constant 704 : index
      %get3A_908 = tpu.vector_load %arg8[%get3A_906, %get3A_907] {strides = array<i32>} : memref<56x784xf32, #tpu.memory_space<vmem>>, vector<16xf32>,
      %mul3A_909 = arith.mulf %get3A_908, %get3A_905 : vector<16xf32>
      %add3A_910 = arith.addf %add3A_896, %mul3A_909 : vector<16xf32>
      %add3A_911 = arith.constant 1 : i32
      %add3A_912 = arith.addi %mul3A_283, %add3A_911 : i32
      %get3A_913 = arith.index_cast %add3A_912 : i32 to index
      %get3A_914 = arith.constant 704 : index
      %get3A_915 = tpu.vector_load %arg8[%get3A_913, %get3A_914] {strides = array<i32>} : memref<56x784xf32, #tpu.memory_space<vmem>>, vector<16xf32>,
      %mul3A_916 = arith.mulf %get3A_915, %get3A_905 : vector<16xf32>
      %add3A_917 = arith.addf %add3A_903, %mul3A_916 : vector<16xf32>
      %get3A_918 = arith.constant 720 : index
      %get3A_919 = tpu.vector_load %arg7[%get3A_918] {strides = array<i32>} : memref<784xf32, #tpu.memory_space<vmem>>, vector<16xf32>,
      %get3A_920 = arith.index_cast %mul3A_283 : i32 to index
      %get3A_921 = arith.constant 720 : index
      %get3A_922 = tpu.vector_load %arg8[%get3A_920, %get3A_921] {strides = array<i32>} : memref<56x784xf32, #tpu.memory_space<vmem>>, vector<16xf32>,
      %mul3A_923 = arith.mulf %get3A_922, %get3A_919 : vector<16xf32>
      %add3A_924 = arith.addf %add3A_910, %mul3A_923 : vector<16xf32>
      %add3A_925 = arith.constant 1 : i32
      %add3A_926 = arith.addi %mul3A_283, %add3A_925 : i32
      %get3A_927 = arith.index_cast %add3A_926 : i32 to index
      %get3A_928 = arith.constant 720 : index
      %get3A_929 = tpu.vector_load %arg8[%get3A_927, %get3A_928] {strides = array<i32>} : memref<56x784xf32, #tpu.memory_space<vmem>>, vector<16xf32>,
      %mul3A_930 = arith.mulf %get3A_929, %get3A_919 : vector<16xf32>
      %add3A_931 = arith.addf %add3A_917, %mul3A_930 : vector<16xf32>
      %get3A_932 = arith.constant 736 : index
      %get3A_933 = tpu.vector_load %arg7[%get3A_932] {strides = array<i32>} : memref<784xf32, #tpu.memory_space<vmem>>, vector<16xf32>,
      %get3A_934 = arith.index_cast %mul3A_283 : i32 to index
      %get3A_935 = arith.constant 736 : index
      %get3A_936 = tpu.vector_load %arg8[%get3A_934, %get3A_935] {strides = array<i32>} : memref<56x784xf32, #tpu.memory_space<vmem>>, vector<16xf32>,
      %mul3A_937 = arith.mulf %get3A_936, %get3A_933 : vector<16xf32>
      %add3A_938 = arith.addf %add3A_924, %mul3A_937 : vector<16xf32>
      %add3A_939 = arith.constant 1 : i32
      %add3A_940 = arith.addi %mul3A_283, %add3A_939 : i32
      %get3A_941 = arith.index_cast %add3A_940 : i32 to index
      %get3A_942 = arith.constant 736 : index
      %get3A_943 = tpu.vector_load %arg8[%get3A_941, %get3A_942] {strides = array<i32>} : memref<56x784xf32, #tpu.memory_space<vmem>>, vector<16xf32>,
      %mul3A_944 = arith.mulf %get3A_943, %get3A_933 : vector<16xf32>
      %add3A_945 = arith.addf %add3A_931, %mul3A_944 : vector<16xf32>
      %get3A_946 = arith.constant 752 : index
      %get3A_947 = tpu.vector_load %arg7[%get3A_946] {strides = array<i32>} : memref<784xf32, #tpu.memory_space<vmem>>, vector<16xf32>,
      %get3A_948 = arith.index_cast %mul3A_283 : i32 to index
      %get3A_949 = arith.constant 752 : index
      %get3A_950 = tpu.vector_load %arg8[%get3A_948, %get3A_949] {strides = array<i32>} : memref<56x784xf32, #tpu.memory_space<vmem>>, vector<16xf32>,
      %mul3A_951 = arith.mulf %get3A_950, %get3A_947 : vector<16xf32>
      %add3A_952 = arith.addf %add3A_938, %mul3A_951 : vector<16xf32>
      %add3A_953 = arith.constant 1 : i32
      %add3A_954 = arith.addi %mul3A_283, %add3A_953 : i32
      %get3A_955 = arith.index_cast %add3A_954 : i32 to index
      %get3A_956 = arith.constant 752 : index
      %get3A_957 = tpu.vector_load %arg8[%get3A_955, %get3A_956] {strides = array<i32>} : memref<56x784xf32, #tpu.memory_space<vmem>>, vector<16xf32>,
      %mul3A_958 = arith.mulf %get3A_957, %get3A_947 : vector<16xf32>
      %add3A_959 = arith.addf %add3A_945, %mul3A_958 : vector<16xf32>
      %get3A_960 = arith.constant 768 : index
      %get3A_961 = tpu.vector_load %arg7[%get3A_960] {strides = array<i32>} : memref<784xf32, #tpu.memory_space<vmem>>, vector<16xf32>,
      %get3A_962 = arith.index_cast %mul3A_283 : i32 to index
      %get3A_963 = arith.constant 768 : index
      %get3A_964 = tpu.vector_load %arg8[%get3A_962, %get3A_963] {strides = array<i32>} : memref<56x784xf32, #tpu.memory_space<vmem>>, vector<16xf32>,
      %mul3A_965 = arith.mulf %get3A_964, %get3A_961 : vector<16xf32>
      %add3A_966 = arith.addf %add3A_952, %mul3A_965 : vector<16xf32>
      %add3A_967 = arith.constant 1 : i32
      %add3A_968 = arith.addi %mul3A_283, %add3A_967 : i32
      %get3A_969 = arith.index_cast %add3A_968 : i32 to index
      %get3A_970 = arith.constant 768 : index
      %get3A_971 = tpu.vector_load %arg8[%get3A_969, %get3A_970] {strides = array<i32>} : memref<56x784xf32, #tpu.memory_space<vmem>>, vector<16xf32>,
      %mul3A_972 = arith.mulf %get3A_971, %get3A_961 : vector<16xf32>
      %add3A_973 = arith.addf %add3A_959, %mul3A_972 : vector<16xf32>
      %broadcast_in_dim3A_974 = vector.broadcast %mul3A_283 : i32 to vector<16xi32>
      %iota3A_975 = tpu.iota {dimensions = array<i32: 0>} : vector<16xi32>
      %xor3A = arith.constant 8 : i32
      %xor3A_976 = vector.broadcast %xor3A : i32 to vector<16xi32>
      %xor3A_977 = arith.xori %iota3A_975, %xor3A_976 : vector<16xi32>
      %broadcast_in_dim3A_978 = vector.shape_cast %xor3A_977 : vector<16xi32> to vector<16x1xi32>
      %gather3A = vector.shape_cast %broadcast_in_dim3A_978 : vector<16x1xi32> to vector<16xi32>
      %gather3A_979 = tpu.dynamic_gather %add3A_966[%gather3A] in [0] : vector<16xf32>, vector<16xi32> -> vector<16xf32>
      %add3A_980 = arith.addf %add3A_966, %gather3A_979 : vector<16xf32>
      %xor3A_981 = arith.constant 4 : i32
      %xor3A_982 = vector.broadcast %xor3A_981 : i32 to vector<16xi32>
      %xor3A_983 = arith.xori %iota3A_975, %xor3A_982 : vector<16xi32>
      %broadcast_in_dim3A_984 = vector.shape_cast %xor3A_983 : vector<16xi32> to vector<16x1xi32>
      %gather3A_985 = vector.shape_cast %broadcast_in_dim3A_984 : vector<16x1xi32> to vector<16xi32>
      %gather3A_986 = tpu.dynamic_gather %add3A_980[%gather3A_985] in [0] : vector<16xf32>, vector<16xi32> -> vector<16xf32>
      %add3A_987 = arith.addf %add3A_980, %gather3A_986 : vector<16xf32>
      %xor3A_988 = arith.constant 2 : i32
      %xor3A_989 = vector.broadcast %xor3A_988 : i32 to vector<16xi32>
      %xor3A_990 = arith.xori %iota3A_975, %xor3A_989 : vector<16xi32>
      %broadcast_in_dim3A_991 = vector.shape_cast %xor3A_990 : vector<16xi32> to vector<16x1xi32>
      %gather3A_992 = vector.shape_cast %broadcast_in_dim3A_991 : vector<16x1xi32> to vector<16xi32>
      %gather3A_993 = tpu.dynamic_gather %add3A_987[%gather3A_992] in [0] : vector<16xf32>, vector<16xi32> -> vector<16xf32>
      %add3A_994 = arith.addf %add3A_987, %gather3A_993 : vector<16xf32>
      %xor3A_995 = arith.constant 1 : i32
      %xor3A_996 = vector.broadcast %xor3A_995 : i32 to vector<16xi32>
      %xor3A_997 = arith.xori %iota3A_975, %xor3A_996 : vector<16xi32>
      %broadcast_in_dim3A_998 = vector.shape_cast %xor3A_997 : vector<16xi32> to vector<16x1xi32>
      %gather3A_999 = vector.shape_cast %broadcast_in_dim3A_998 : vector<16x1xi32> to vector<16xi32>
      %gather3A_1000 = tpu.dynamic_gather %add3A_994[%gather3A_999] in [0] : vector<16xf32>, vector<16xi32> -> vector<16xf32>
      %add3A_1001 = arith.addf %add3A_994, %gather3A_1000 : vector<16xf32>
      tpu.vector_store_idx %arg9[%broadcast_in_dim3A_974], %add3A_1001 masked %eq3A_1 : memref<64xf32, #tpu.memory_space<vmem>>[vector<16xi32>], vector<16xf32>, vector<16xi1>
      %add3A_1002 = arith.constant 1 : i32
      %add3A_1003 = arith.addi %mul3A_283, %add3A_1002 : i32
      %broadcast_in_dim3A_1004 = vector.broadcast %add3A_1003 : i32 to vector<16xi32>
      %iota3A_1005 = tpu.iota {dimensions = array<i32: 0>} : vector<16xi32>
      %xor3A_1006 = arith.constant 8 : i32
      %xor3A_1007 = vector.broadcast %xor3A_1006 : i32 to vector<16xi32>
      %xor3A_1008 = arith.xori %iota3A_1005, %xor3A_1007 : vector<16xi32>
      %broadcast_in_dim3A_1009 = vector.shape_cast %xor3A_1008 : vector<16xi32> to vector<16x1xi32>
      %gather3A_1010 = vector.shape_cast %broadcast_in_dim3A_1009 : vector<16x1xi32> to vector<16xi32>
      %gather3A_1011 = tpu.dynamic_gather %add3A_973[%gather3A_1010] in [0] : vector<16xf32>, vector<16xi32> -> vector<16xf32>
      %add3A_1012 = arith.addf %add3A_973, %gather3A_1011 : vector<16xf32>
      %xor3A_1013 = arith.constant 4 : i32
      %xor3A_1014 = vector.broadcast %xor3A_1013 : i32 to vector<16xi32>
      %xor3A_1015 = arith.xori %iota3A_1005, %xor3A_1014 : vector<16xi32>
      %broadcast_in_dim3A_1016 = vector.shape_cast %xor3A_1015 : vector<16xi32> to vector<16x1xi32>
      %gather3A_1017 = vector.shape_cast %broadcast_in_dim3A_1016 : vector<16x1xi32> to vector<16xi32>
      %gather3A_1018 = tpu.dynamic_gather %add3A_1012[%gather3A_1017] in [0] : vector<16xf32>, vector<16xi32> -> vector<16xf32>
      %add3A_1019 = arith.addf %add3A_1012, %gather3A_1018 : vector<16xf32>
      %xor3A_1020 = arith.constant 2 : i32
      %xor3A_1021 = vector.broadcast %xor3A_1020 : i32 to vector<16xi32>
      %xor3A_1022 = arith.xori %iota3A_1005, %xor3A_1021 : vector<16xi32>
      %broadcast_in_dim3A_1023 = vector.shape_cast %xor3A_1022 : vector<16xi32> to vector<16x1xi32>
      %gather3A_1024 = vector.shape_cast %broadcast_in_dim3A_1023 : vector<16x1xi32> to vector<16xi32>
      %gather3A_1025 = tpu.dynamic_gather %add3A_1019[%gather3A_1024] in [0] : vector<16xf32>, vector<16xi32> -> vector<16xf32>
      %add3A_1026 = arith.addf %add3A_1019, %gather3A_1025 : vector<16xf32>
      %xor3A_1027 = arith.constant 1 : i32
      %xor3A_1028 = vector.broadcast %xor3A_1027 : i32 to vector<16xi32>
      %xor3A_1029 = arith.xori %iota3A_1005, %xor3A_1028 : vector<16xi32>
      %broadcast_in_dim3A_1030 = vector.shape_cast %xor3A_1029 : vector<16xi32> to vector<16x1xi32>
      %gather3A_1031 = vector.shape_cast %broadcast_in_dim3A_1030 : vector<16x1xi32> to vector<16xi32>
      %gather3A_1032 = tpu.dynamic_gather %add3A_1026[%gather3A_1031] in [0] : vector<16xf32>, vector<16xi32> -> vector<16xf32>
      %add3A_1033 = arith.addf %add3A_1026, %gather3A_1032 : vector<16xf32>
      tpu.vector_store_idx %arg9[%broadcast_in_dim3A_1004], %add3A_1033 masked %eq3A_1 : memref<64xf32, #tpu.memory_space<vmem>>[vector<16xi32>], vector<16xf32>, vector<16xi1>
    }
    %while3A_40 = arith.constant 1 : i32
    scf.for %while3A_281 = %while3A_38 to %while3A_34 step %while3A_40  : i32 {
      %mul3A_282 = arith.constant 2 : i32
      %mul3A_283 = arith.muli %mul3A_282, %while3A_281 : i32
      %broadcast_in_dim3A_284 = arith.constant 0.000000e+00 : f32
      %broadcast_in_dim3A_285 = vector.broadcast %broadcast_in_dim3A_284 : f32 to vector<16xf32>
      %broadcast_in_dim3A_286 = arith.constant 0.000000e+00 : f32
      %broadcast_in_dim3A_287 = vector.broadcast %broadcast_in_dim3A_286 : f32 to vector<16xf32>
      %get3A_288 = arith.constant 0 : index
      %get3A_289 = tpu.vector_load %arg7[%get3A_288] {strides = array<i32>} : memref<784xf32, #tpu.memory_space<vmem>>, vector<16xf32>,
      %get3A_290 = arith.index_cast %mul3A_283 : i32 to index
      %get3A_291 = arith.constant 0 : index
      %get3A_292 = tpu.vector_load %arg8[%get3A_290, %get3A_291] {strides = array<i32>} : memref<56x784xf32, #tpu.memory_space<vmem>>, vector<16xf32>,
      %mul3A_293 = arith.mulf %get3A_292, %get3A_289 : vector<16xf32>
      %add3A_294 = arith.addf %broadcast_in_dim3A_285, %mul3A_293 : vector<16xf32>
      %add3A_295 = arith.constant 1 : i32
      %add3A_296 = arith.addi %mul3A_283, %add3A_295 : i32
      %get3A_297 = arith.index_cast %add3A_296 : i32 to index
      %get3A_298 = arith.constant 0 : index
      %get3A_299 = tpu.vector_load %arg8[%get3A_297, %get3A_298] {strides = array<i32>} : memref<56x784xf32, #tpu.memory_space<vmem>>, vector<16xf32>,
      %mul3A_300 = arith.mulf %get3A_299, %get3A_289 : vector<16xf32>
      %add3A_301 = arith.addf %broadcast_in_dim3A_287, %mul3A_300 : vector<16xf32>
      %get3A_302 = arith.constant 16 : index
      %get3A_303 = tpu.vector_load %arg7[%get3A_302] {strides = array<i32>} : memref<784xf32, #tpu.memory_space<vmem>>, vector<16xf32>,
      %get3A_304 = arith.index_cast %mul3A_283 : i32 to index
      %get3A_305 = arith.constant 16 : index
      %get3A_306 = tpu.vector_load %arg8[%get3A_304, %get3A_305] {strides = array<i32>} : memref<56x784xf32, #tpu.memory_space<vmem>>, vector<16xf32>,
      %mul3A_307 = arith.mulf %get3A_306, %get3A_303 : vector<16xf32>
      %add3A_308 = arith.addf %add3A_294, %mul3A_307 : vector<16xf32>
      %add3A_309 = arith.constant 1 : i32
      %add3A_310 = arith.addi %mul3A_283, %add3A_309 : i32
      %get3A_311 = arith.index_cast %add3A_310 : i32 to index
      %get3A_312 = arith.constant 16 : index
      %get3A_313 = tpu.vector_load %arg8[%get3A_311, %get3A_312] {strides = array<i32>} : memref<56x784xf32, #tpu.memory_space<vmem>>, vector<16xf32>,
      %mul3A_314 = arith.mulf %get3A_313, %get3A_303 : vector<16xf32>
      %add3A_315 = arith.addf %add3A_301, %mul3A_314 : vector<16xf32>
      %get3A_316 = arith.constant 32 : index
      %get3A_317 = tpu.vector_load %arg7[%get3A_316] {strides = array<i32>} : memref<784xf32, #tpu.memory_space<vmem>>, vector<16xf32>,
      %get3A_318 = arith.index_cast %mul3A_283 : i32 to index
      %get3A_319 = arith.constant 32 : index
      %get3A_320 = tpu.vector_load %arg8[%get3A_318, %get3A_319] {strides = array<i32>} : memref<56x784xf32, #tpu.memory_space<vmem>>, vector<16xf32>,
      %mul3A_321 = arith.mulf %get3A_320, %get3A_317 : vector<16xf32>
      %add3A_322 = arith.addf %add3A_308, %mul3A_321 : vector<16xf32>
      %add3A_323 = arith.constant 1 : i32
      %add3A_324 = arith.addi %mul3A_283, %add3A_323 : i32
      %get3A_325 = arith.index_cast %add3A_324 : i32 to index
      %get3A_326 = arith.constant 32 : index
      %get3A_327 = tpu.vector_load %arg8[%get3A_325, %get3A_326] {strides = array<i32>} : memref<56x784xf32, #tpu.memory_space<vmem>>, vector<16xf32>,
      %mul3A_328 = arith.mulf %get3A_327, %get3A_317 : vector<16xf32>
      %add3A_329 = arith.addf %add3A_315, %mul3A_328 : vector<16xf32>
      %get3A_330 = arith.constant 48 : index
      %get3A_331 = tpu.vector_load %arg7[%get3A_330] {strides = array<i32>} : memref<784xf32, #tpu.memory_space<vmem>>, vector<16xf32>,
      %get3A_332 = arith.index_cast %mul3A_283 : i32 to index
      %get3A_333 = arith.constant 48 : index
      %get3A_334 = tpu.vector_load %arg8[%get3A_332, %get3A_333] {strides = array<i32>} : memref<56x784xf32, #tpu.memory_space<vmem>>, vector<16xf32>,
      %mul3A_335 = arith.mulf %get3A_334, %get3A_331 : vector<16xf32>
      %add3A_336 = arith.addf %add3A_322, %mul3A_335 : vector<16xf32>
      %add3A_337 = arith.constant 1 : i32
      %add3A_338 = arith.addi %mul3A_283, %add3A_337 : i32
      %get3A_339 = arith.index_cast %add3A_338 : i32 to index
      %get3A_340 = arith.constant 48 : index
      %get3A_341 = tpu.vector_load %arg8[%get3A_339, %get3A_340] {strides = array<i32>} : memref<56x784xf32, #tpu.memory_space<vmem>>, vector<16xf32>,
      %mul3A_342 = arith.mulf %get3A_341, %get3A_331 : vector<16xf32>
      %add3A_343 = arith.addf %add3A_329, %mul3A_342 : vector<16xf32>
      %get3A_344 = arith.constant 64 : index
      %get3A_345 = tpu.vector_load %arg7[%get3A_344] {strides = array<i32>} : memref<784xf32, #tpu.memory_space<vmem>>, vector<16xf32>,
      %get3A_346 = arith.index_cast %mul3A_283 : i32 to index
      %get3A_347 = arith.constant 64 : index
      %get3A_348 = tpu.vector_load %arg8[%get3A_346, %get3A_347] {strides = array<i32>} : memref<56x784xf32, #tpu.memory_space<vmem>>, vector<16xf32>,
      %mul3A_349 = arith.mulf %get3A_348, %get3A_345 : vector<16xf32>
      %add3A_350 = arith.addf %add3A_336, %mul3A_349 : vector<16xf32>
      %add3A_351 = arith.constant 1 : i32
      %add3A_352 = arith.addi %mul3A_283, %add3A_351 : i32
      %get3A_353 = arith.index_cast %add3A_352 : i32 to index
      %get3A_354 = arith.constant 64 : index
      %get3A_355 = tpu.vector_load %arg8[%get3A_353, %get3A_354] {strides = array<i32>} : memref<56x784xf32, #tpu.memory_space<vmem>>, vector<16xf32>,
      %mul3A_356 = arith.mulf %get3A_355, %get3A_345 : vector<16xf32>
      %add3A_357 = arith.addf %add3A_343, %mul3A_356 : vector<16xf32>
      %get3A_358 = arith.constant 80 : index
      %get3A_359 = tpu.vector_load %arg7[%get3A_358] {strides = array<i32>} : memref<784xf32, #tpu.memory_space<vmem>>, vector<16xf32>,
      %get3A_360 = arith.index_cast %mul3A_283 : i32 to index
      %get3A_361 = arith.constant 80 : index
      %get3A_362 = tpu.vector_load %arg8[%get3A_360, %get3A_361] {strides = array<i32>} : memref<56x784xf32, #tpu.memory_space<vmem>>, vector<16xf32>,
      %mul3A_363 = arith.mulf %get3A_362, %get3A_359 : vector<16xf32>
      %add3A_364 = arith.addf %add3A_350, %mul3A_363 : vector<16xf32>
      %add3A_365 = arith.constant 1 : i32
      %add3A_366 = arith.addi %mul3A_283, %add3A_365 : i32
      %get3A_367 = arith.index_cast %add3A_366 : i32 to index
      %get3A_368 = arith.constant 80 : index
      %get3A_369 = tpu.vector_load %arg8[%get3A_367, %get3A_368] {strides = array<i32>} : memref<56x784xf32, #tpu.memory_space<vmem>>, vector<16xf32>,
      %mul3A_370 = arith.mulf %get3A_369, %get3A_359 : vector<16xf32>
      %add3A_371 = arith.addf %add3A_357, %mul3A_370 : vector<16xf32>
      %get3A_372 = arith.constant 96 : index
      %get3A_373 = tpu.vector_load %arg7[%get3A_372] {strides = array<i32>} : memref<784xf32, #tpu.memory_space<vmem>>, vector<16xf32>,
      %get3A_374 = arith.index_cast %mul3A_283 : i32 to index
      %get3A_375 = arith.constant 96 : index
      %get3A_376 = tpu.vector_load %arg8[%get3A_374, %get3A_375] {strides = array<i32>} : memref<56x784xf32, #tpu.memory_space<vmem>>, vector<16xf32>,
      %mul3A_377 = arith.mulf %get3A_376, %get3A_373 : vector<16xf32>
      %add3A_378 = arith.addf %add3A_364, %mul3A_377 : vector<16xf32>
      %add3A_379 = arith.constant 1 : i32
      %add3A_380 = arith.addi %mul3A_283, %add3A_379 : i32
      %get3A_381 = arith.index_cast %add3A_380 : i32 to index
      %get3A_382 = arith.constant 96 : index
      %get3A_383 = tpu.vector_load %arg8[%get3A_381, %get3A_382] {strides = array<i32>} : memref<56x784xf32, #tpu.memory_space<vmem>>, vector<16xf32>,
      %mul3A_384 = arith.mulf %get3A_383, %get3A_373 : vector<16xf32>
      %add3A_385 = arith.addf %add3A_371, %mul3A_384 : vector<16xf32>
      %get3A_386 = arith.constant 112 : index
      %get3A_387 = tpu.vector_load %arg7[%get3A_386] {strides = array<i32>} : memref<784xf32, #tpu.memory_space<vmem>>, vector<16xf32>,
      %get3A_388 = arith.index_cast %mul3A_283 : i32 to index
      %get3A_389 = arith.constant 112 : index
      %get3A_390 = tpu.vector_load %arg8[%get3A_388, %get3A_389] {strides = array<i32>} : memref<56x784xf32, #tpu.memory_space<vmem>>, vector<16xf32>,
      %mul3A_391 = arith.mulf %get3A_390, %get3A_387 : vector<16xf32>
      %add3A_392 = arith.addf %add3A_378, %mul3A_391 : vector<16xf32>
      %add3A_393 = arith.constant 1 : i32
      %add3A_394 = arith.addi %mul3A_283, %add3A_393 : i32
      %get3A_395 = arith.index_cast %add3A_394 : i32 to index
      %get3A_396 = arith.constant 112 : index
      %get3A_397 = tpu.vector_load %arg8[%get3A_395, %get3A_396] {strides = array<i32>} : memref<56x784xf32, #tpu.memory_space<vmem>>, vector<16xf32>,
      %mul3A_398 = arith.mulf %get3A_397, %get3A_387 : vector<16xf32>
      %add3A_399 = arith.addf %add3A_385, %mul3A_398 : vector<16xf32>
      %get3A_400 = arith.constant 128 : index
      %get3A_401 = tpu.vector_load %arg7[%get3A_400] {strides = array<i32>} : memref<784xf32, #tpu.memory_space<vmem>>, vector<16xf32>,
      %get3A_402 = arith.index_cast %mul3A_283 : i32 to index
      %get3A_403 = arith.constant 128 : index
      %get3A_404 = tpu.vector_load %arg8[%get3A_402, %get3A_403] {strides = array<i32>} : memref<56x784xf32, #tpu.memory_space<vmem>>, vector<16xf32>,
      %mul3A_405 = arith.mulf %get3A_404, %get3A_401 : vector<16xf32>
      %add3A_406 = arith.addf %add3A_392, %mul3A_405 : vector<16xf32>
      %add3A_407 = arith.constant 1 : i32
      %add3A_408 = arith.addi %mul3A_283, %add3A_407 : i32
      %get3A_409 = arith.index_cast %add3A_408 : i32 to index
      %get3A_410 = arith.constant 128 : index
      %get3A_411 = tpu.vector_load %arg8[%get3A_409, %get3A_410] {strides = array<i32>} : memref<56x784xf32, #tpu.memory_space<vmem>>, vector<16xf32>,
      %mul3A_412 = arith.mulf %get3A_411, %get3A_401 : vector<16xf32>
      %add3A_413 = arith.addf %add3A_399, %mul3A_412 : vector<16xf32>
      %get3A_414 = arith.constant 144 : index
      %get3A_415 = tpu.vector_load %arg7[%get3A_414] {strides = array<i32>} : memref<784xf32, #tpu.memory_space<vmem>>, vector<16xf32>,
      %get3A_416 = arith.index_cast %mul3A_283 : i32 to index
      %get3A_417 = arith.constant 144 : index
      %get3A_418 = tpu.vector_load %arg8[%get3A_416, %get3A_417] {strides = array<i32>} : memref<56x784xf32, #tpu.memory_space<vmem>>, vector<16xf32>,
      %mul3A_419 = arith.mulf %get3A_418, %get3A_415 : vector<16xf32>
      %add3A_420 = arith.addf %add3A_406, %mul3A_419 : vector<16xf32>
      %add3A_421 = arith.constant 1 : i32
      %add3A_422 = arith.addi %mul3A_283, %add3A_421 : i32
      %get3A_423 = arith.index_cast %add3A_422 : i32 to index
      %get3A_424 = arith.constant 144 : index
      %get3A_425 = tpu.vector_load %arg8[%get3A_423, %get3A_424] {strides = array<i32>} : memref<56x784xf32, #tpu.memory_space<vmem>>, vector<16xf32>,
      %mul3A_426 = arith.mulf %get3A_425, %get3A_415 : vector<16xf32>
      %add3A_427 = arith.addf %add3A_413, %mul3A_426 : vector<16xf32>
      %get3A_428 = arith.constant 160 : index
      %get3A_429 = tpu.vector_load %arg7[%get3A_428] {strides = array<i32>} : memref<784xf32, #tpu.memory_space<vmem>>, vector<16xf32>,
      %get3A_430 = arith.index_cast %mul3A_283 : i32 to index
      %get3A_431 = arith.constant 160 : index
      %get3A_432 = tpu.vector_load %arg8[%get3A_430, %get3A_431] {strides = array<i32>} : memref<56x784xf32, #tpu.memory_space<vmem>>, vector<16xf32>,
      %mul3A_433 = arith.mulf %get3A_432, %get3A_429 : vector<16xf32>
      %add3A_434 = arith.addf %add3A_420, %mul3A_433 : vector<16xf32>
      %add3A_435 = arith.constant 1 : i32
      %add3A_436 = arith.addi %mul3A_283, %add3A_435 : i32
      %get3A_437 = arith.index_cast %add3A_436 : i32 to index
      %get3A_438 = arith.constant 160 : index
      %get3A_439 = tpu.vector_load %arg8[%get3A_437, %get3A_438] {strides = array<i32>} : memref<56x784xf32, #tpu.memory_space<vmem>>, vector<16xf32>,
      %mul3A_440 = arith.mulf %get3A_439, %get3A_429 : vector<16xf32>
      %add3A_441 = arith.addf %add3A_427, %mul3A_440 : vector<16xf32>
      %get3A_442 = arith.constant 176 : index
      %get3A_443 = tpu.vector_load %arg7[%get3A_442] {strides = array<i32>} : memref<784xf32, #tpu.memory_space<vmem>>, vector<16xf32>,
      %get3A_444 = arith.index_cast %mul3A_283 : i32 to index
      %get3A_445 = arith.constant 176 : index
      %get3A_446 = tpu.vector_load %arg8[%get3A_444, %get3A_445] {strides = array<i32>} : memref<56x784xf32, #tpu.memory_space<vmem>>, vector<16xf32>,
      %mul3A_447 = arith.mulf %get3A_446, %get3A_443 : vector<16xf32>
      %add3A_448 = arith.addf %add3A_434, %mul3A_447 : vector<16xf32>
      %add3A_449 = arith.constant 1 : i32
      %add3A_450 = arith.addi %mul3A_283, %add3A_449 : i32
      %get3A_451 = arith.index_cast %add3A_450 : i32 to index
      %get3A_452 = arith.constant 176 : index
      %get3A_453 = tpu.vector_load %arg8[%get3A_451, %get3A_452] {strides = array<i32>} : memref<56x784xf32, #tpu.memory_space<vmem>>, vector<16xf32>,
      %mul3A_454 = arith.mulf %get3A_453, %get3A_443 : vector<16xf32>
      %add3A_455 = arith.addf %add3A_441, %mul3A_454 : vector<16xf32>
      %get3A_456 = arith.constant 192 : index
      %get3A_457 = tpu.vector_load %arg7[%get3A_456] {strides = array<i32>} : memref<784xf32, #tpu.memory_space<vmem>>, vector<16xf32>,
      %get3A_458 = arith.index_cast %mul3A_283 : i32 to index
      %get3A_459 = arith.constant 192 : index
      %get3A_460 = tpu.vector_load %arg8[%get3A_458, %get3A_459] {strides = array<i32>} : memref<56x784xf32, #tpu.memory_space<vmem>>, vector<16xf32>,
      %mul3A_461 = arith.mulf %get3A_460, %get3A_457 : vector<16xf32>
      %add3A_462 = arith.addf %add3A_448, %mul3A_461 : vector<16xf32>
      %add3A_463 = arith.constant 1 : i32
      %add3A_464 = arith.addi %mul3A_283, %add3A_463 : i32
      %get3A_465 = arith.index_cast %add3A_464 : i32 to index
      %get3A_466 = arith.constant 192 : index
      %get3A_467 = tpu.vector_load %arg8[%get3A_465, %get3A_466] {strides = array<i32>} : memref<56x784xf32, #tpu.memory_space<vmem>>, vector<16xf32>,
      %mul3A_468 = arith.mulf %get3A_467, %get3A_457 : vector<16xf32>
      %add3A_469 = arith.addf %add3A_455, %mul3A_468 : vector<16xf32>
      %get3A_470 = arith.constant 208 : index
      %get3A_471 = tpu.vector_load %arg7[%get3A_470] {strides = array<i32>} : memref<784xf32, #tpu.memory_space<vmem>>, vector<16xf32>,
      %get3A_472 = arith.index_cast %mul3A_283 : i32 to index
      %get3A_473 = arith.constant 208 : index
      %get3A_474 = tpu.vector_load %arg8[%get3A_472, %get3A_473] {strides = array<i32>} : memref<56x784xf32, #tpu.memory_space<vmem>>, vector<16xf32>,
      %mul3A_475 = arith.mulf %get3A_474, %get3A_471 : vector<16xf32>
      %add3A_476 = arith.addf %add3A_462, %mul3A_475 : vector<16xf32>
      %add3A_477 = arith.constant 1 : i32
      %add3A_478 = arith.addi %mul3A_283, %add3A_477 : i32
      %get3A_479 = arith.index_cast %add3A_478 : i32 to index
      %get3A_480 = arith.constant 208 : index
      %get3A_481 = tpu.vector_load %arg8[%get3A_479, %get3A_480] {strides = array<i32>} : memref<56x784xf32, #tpu.memory_space<vmem>>, vector<16xf32>,
      %mul3A_482 = arith.mulf %get3A_481, %get3A_471 : vector<16xf32>
      %add3A_483 = arith.addf %add3A_469, %mul3A_482 : vector<16xf32>
      %get3A_484 = arith.constant 224 : index
      %get3A_485 = tpu.vector_load %arg7[%get3A_484] {strides = array<i32>} : memref<784xf32, #tpu.memory_space<vmem>>, vector<16xf32>,
      %get3A_486 = arith.index_cast %mul3A_283 : i32 to index
      %get3A_487 = arith.constant 224 : index
      %get3A_488 = tpu.vector_load %arg8[%get3A_486, %get3A_487] {strides = array<i32>} : memref<56x784xf32, #tpu.memory_space<vmem>>, vector<16xf32>,
      %mul3A_489 = arith.mulf %get3A_488, %get3A_485 : vector<16xf32>
      %add3A_490 = arith.addf %add3A_476, %mul3A_489 : vector<16xf32>
      %add3A_491 = arith.constant 1 : i32
      %add3A_492 = arith.addi %mul3A_283, %add3A_491 : i32
      %get3A_493 = arith.index_cast %add3A_492 : i32 to index
      %get3A_494 = arith.constant 224 : index
      %get3A_495 = tpu.vector_load %arg8[%get3A_493, %get3A_494] {strides = array<i32>} : memref<56x784xf32, #tpu.memory_space<vmem>>, vector<16xf32>,
      %mul3A_496 = arith.mulf %get3A_495, %get3A_485 : vector<16xf32>
      %add3A_497 = arith.addf %add3A_483, %mul3A_496 : vector<16xf32>
      %get3A_498 = arith.constant 240 : index
      %get3A_499 = tpu.vector_load %arg7[%get3A_498] {strides = array<i32>} : memref<784xf32, #tpu.memory_space<vmem>>, vector<16xf32>,
      %get3A_500 = arith.index_cast %mul3A_283 : i32 to index
      %get3A_501 = arith.constant 240 : index
      %get3A_502 = tpu.vector_load %arg8[%get3A_500, %get3A_501] {strides = array<i32>} : memref<56x784xf32, #tpu.memory_space<vmem>>, vector<16xf32>,
      %mul3A_503 = arith.mulf %get3A_502, %get3A_499 : vector<16xf32>
      %add3A_504 = arith.addf %add3A_490, %mul3A_503 : vector<16xf32>
      %add3A_505 = arith.constant 1 : i32
      %add3A_506 = arith.addi %mul3A_283, %add3A_505 : i32
      %get3A_507 = arith.index_cast %add3A_506 : i32 to index
      %get3A_508 = arith.constant 240 : index
      %get3A_509 = tpu.vector_load %arg8[%get3A_507, %get3A_508] {strides = array<i32>} : memref<56x784xf32, #tpu.memory_space<vmem>>, vector<16xf32>,
      %mul3A_510 = arith.mulf %get3A_509, %get3A_499 : vector<16xf32>
      %add3A_511 = arith.addf %add3A_497, %mul3A_510 : vector<16xf32>
      %get3A_512 = arith.constant 256 : index
      %get3A_513 = tpu.vector_load %arg7[%get3A_512] {strides = array<i32>} : memref<784xf32, #tpu.memory_space<vmem>>, vector<16xf32>,
      %get3A_514 = arith.index_cast %mul3A_283 : i32 to index
      %get3A_515 = arith.constant 256 : index
      %get3A_516 = tpu.vector_load %arg8[%get3A_514, %get3A_515] {strides = array<i32>} : memref<56x784xf32, #tpu.memory_space<vmem>>, vector<16xf32>,
      %mul3A_517 = arith.mulf %get3A_516, %get3A_513 : vector<16xf32>
      %add3A_518 = arith.addf %add3A_504, %mul3A_517 : vector<16xf32>
      %add3A_519 = arith.constant 1 : i32
      %add3A_520 = arith.addi %mul3A_283, %add3A_519 : i32
      %get3A_521 = arith.index_cast %add3A_520 : i32 to index
      %get3A_522 = arith.constant 256 : index
      %get3A_523 = tpu.vector_load %arg8[%get3A_521, %get3A_522] {strides = array<i32>} : memref<56x784xf32, #tpu.memory_space<vmem>>, vector<16xf32>,
      %mul3A_524 = arith.mulf %get3A_523, %get3A_513 : vector<16xf32>
      %add3A_525 = arith.addf %add3A_511, %mul3A_524 : vector<16xf32>
      %get3A_526 = arith.constant 272 : index
      %get3A_527 = tpu.vector_load %arg7[%get3A_526] {strides = array<i32>} : memref<784xf32, #tpu.memory_space<vmem>>, vector<16xf32>,
      %get3A_528 = arith.index_cast %mul3A_283 : i32 to index
      %get3A_529 = arith.constant 272 : index
      %get3A_530 = tpu.vector_load %arg8[%get3A_528, %get3A_529] {strides = array<i32>} : memref<56x784xf32, #tpu.memory_space<vmem>>, vector<16xf32>,
      %mul3A_531 = arith.mulf %get3A_530, %get3A_527 : vector<16xf32>
      %add3A_532 = arith.addf %add3A_518, %mul3A_531 : vector<16xf32>
      %add3A_533 = arith.constant 1 : i32
      %add3A_534 = arith.addi %mul3A_283, %add3A_533 : i32
      %get3A_535 = arith.index_cast %add3A_534 : i32 to index
      %get3A_536 = arith.constant 272 : index
      %get3A_537 = tpu.vector_load %arg8[%get3A_535, %get3A_536] {strides = array<i32>} : memref<56x784xf32, #tpu.memory_space<vmem>>, vector<16xf32>,
      %mul3A_538 = arith.mulf %get3A_537, %get3A_527 : vector<16xf32>
      %add3A_539 = arith.addf %add3A_525, %mul3A_538 : vector<16xf32>
      %get3A_540 = arith.constant 288 : index
      %get3A_541 = tpu.vector_load %arg7[%get3A_540] {strides = array<i32>} : memref<784xf32, #tpu.memory_space<vmem>>, vector<16xf32>,
      %get3A_542 = arith.index_cast %mul3A_283 : i32 to index
      %get3A_543 = arith.constant 288 : index
      %get3A_544 = tpu.vector_load %arg8[%get3A_542, %get3A_543] {strides = array<i32>} : memref<56x784xf32, #tpu.memory_space<vmem>>, vector<16xf32>,
      %mul3A_545 = arith.mulf %get3A_544, %get3A_541 : vector<16xf32>
      %add3A_546 = arith.addf %add3A_532, %mul3A_545 : vector<16xf32>
      %add3A_547 = arith.constant 1 : i32
      %add3A_548 = arith.addi %mul3A_283, %add3A_547 : i32
      %get3A_549 = arith.index_cast %add3A_548 : i32 to index
      %get3A_550 = arith.constant 288 : index
      %get3A_551 = tpu.vector_load %arg8[%get3A_549, %get3A_550] {strides = array<i32>} : memref<56x784xf32, #tpu.memory_space<vmem>>, vector<16xf32>,
      %mul3A_552 = arith.mulf %get3A_551, %get3A_541 : vector<16xf32>
      %add3A_553 = arith.addf %add3A_539, %mul3A_552 : vector<16xf32>
      %get3A_554 = arith.constant 304 : index
      %get3A_555 = tpu.vector_load %arg7[%get3A_554] {strides = array<i32>} : memref<784xf32, #tpu.memory_space<vmem>>, vector<16xf32>,
      %get3A_556 = arith.index_cast %mul3A_283 : i32 to index
      %get3A_557 = arith.constant 304 : index
      %get3A_558 = tpu.vector_load %arg8[%get3A_556, %get3A_557] {strides = array<i32>} : memref<56x784xf32, #tpu.memory_space<vmem>>, vector<16xf32>,
      %mul3A_559 = arith.mulf %get3A_558, %get3A_555 : vector<16xf32>
      %add3A_560 = arith.addf %add3A_546, %mul3A_559 : vector<16xf32>
      %add3A_561 = arith.constant 1 : i32
      %add3A_562 = arith.addi %mul3A_283, %add3A_561 : i32
      %get3A_563 = arith.index_cast %add3A_562 : i32 to index
      %get3A_564 = arith.constant 304 : index
      %get3A_565 = tpu.vector_load %arg8[%get3A_563, %get3A_564] {strides = array<i32>} : memref<56x784xf32, #tpu.memory_space<vmem>>, vector<16xf32>,
      %mul3A_566 = arith.mulf %get3A_565, %get3A_555 : vector<16xf32>
      %add3A_567 = arith.addf %add3A_553, %mul3A_566 : vector<16xf32>
      %get3A_568 = arith.constant 320 : index
      %get3A_569 = tpu.vector_load %arg7[%get3A_568] {strides = array<i32>} : memref<784xf32, #tpu.memory_space<vmem>>, vector<16xf32>,
      %get3A_570 = arith.index_cast %mul3A_283 : i32 to index
      %get3A_571 = arith.constant 320 : index
      %get3A_572 = tpu.vector_load %arg8[%get3A_570, %get3A_571] {strides = array<i32>} : memref<56x784xf32, #tpu.memory_space<vmem>>, vector<16xf32>,
      %mul3A_573 = arith.mulf %get3A_572, %get3A_569 : vector<16xf32>
      %add3A_574 = arith.addf %add3A_560, %mul3A_573 : vector<16xf32>
      %add3A_575 = arith.constant 1 : i32
      %add3A_576 = arith.addi %mul3A_283, %add3A_575 : i32
      %get3A_577 = arith.index_cast %add3A_576 : i32 to index
      %get3A_578 = arith.constant 320 : index
      %get3A_579 = tpu.vector_load %arg8[%get3A_577, %get3A_578] {strides = array<i32>} : memref<56x784xf32, #tpu.memory_space<vmem>>, vector<16xf32>,
      %mul3A_580 = arith.mulf %get3A_579, %get3A_569 : vector<16xf32>
      %add3A_581 = arith.addf %add3A_567, %mul3A_580 : vector<16xf32>
      %get3A_582 = arith.constant 336 : index
      %get3A_583 = tpu.vector_load %arg7[%get3A_582] {strides = array<i32>} : memref<784xf32, #tpu.memory_space<vmem>>, vector<16xf32>,
      %get3A_584 = arith.index_cast %mul3A_283 : i32 to index
      %get3A_585 = arith.constant 336 : index
      %get3A_586 = tpu.vector_load %arg8[%get3A_584, %get3A_585] {strides = array<i32>} : memref<56x784xf32, #tpu.memory_space<vmem>>, vector<16xf32>,
      %mul3A_587 = arith.mulf %get3A_586, %get3A_583 : vector<16xf32>
      %add3A_588 = arith.addf %add3A_574, %mul3A_587 : vector<16xf32>
      %add3A_589 = arith.constant 1 : i32
      %add3A_590 = arith.addi %mul3A_283, %add3A_589 : i32
      %get3A_591 = arith.index_cast %add3A_590 : i32 to index
      %get3A_592 = arith.constant 336 : index
      %get3A_593 = tpu.vector_load %arg8[%get3A_591, %get3A_592] {strides = array<i32>} : memref<56x784xf32, #tpu.memory_space<vmem>>, vector<16xf32>,
      %mul3A_594 = arith.mulf %get3A_593, %get3A_583 : vector<16xf32>
      %add3A_595 = arith.addf %add3A_581, %mul3A_594 : vector<16xf32>
      %get3A_596 = arith.constant 352 : index
      %get3A_597 = tpu.vector_load %arg7[%get3A_596] {strides = array<i32>} : memref<784xf32, #tpu.memory_space<vmem>>, vector<16xf32>,
      %get3A_598 = arith.index_cast %mul3A_283 : i32 to index
      %get3A_599 = arith.constant 352 : index
      %get3A_600 = tpu.vector_load %arg8[%get3A_598, %get3A_599] {strides = array<i32>} : memref<56x784xf32, #tpu.memory_space<vmem>>, vector<16xf32>,
      %mul3A_601 = arith.mulf %get3A_600, %get3A_597 : vector<16xf32>
      %add3A_602 = arith.addf %add3A_588, %mul3A_601 : vector<16xf32>
      %add3A_603 = arith.constant 1 : i32
      %add3A_604 = arith.addi %mul3A_283, %add3A_603 : i32
      %get3A_605 = arith.index_cast %add3A_604 : i32 to index
      %get3A_606 = arith.constant 352 : index
      %get3A_607 = tpu.vector_load %arg8[%get3A_605, %get3A_606] {strides = array<i32>} : memref<56x784xf32, #tpu.memory_space<vmem>>, vector<16xf32>,
      %mul3A_608 = arith.mulf %get3A_607, %get3A_597 : vector<16xf32>
      %add3A_609 = arith.addf %add3A_595, %mul3A_608 : vector<16xf32>
      %get3A_610 = arith.constant 368 : index
      %get3A_611 = tpu.vector_load %arg7[%get3A_610] {strides = array<i32>} : memref<784xf32, #tpu.memory_space<vmem>>, vector<16xf32>,
      %get3A_612 = arith.index_cast %mul3A_283 : i32 to index
      %get3A_613 = arith.constant 368 : index
      %get3A_614 = tpu.vector_load %arg8[%get3A_612, %get3A_613] {strides = array<i32>} : memref<56x784xf32, #tpu.memory_space<vmem>>, vector<16xf32>,
      %mul3A_615 = arith.mulf %get3A_614, %get3A_611 : vector<16xf32>
      %add3A_616 = arith.addf %add3A_602, %mul3A_615 : vector<16xf32>
      %add3A_617 = arith.constant 1 : i32
      %add3A_618 = arith.addi %mul3A_283, %add3A_617 : i32
      %get3A_619 = arith.index_cast %add3A_618 : i32 to index
      %get3A_620 = arith.constant 368 : index
      %get3A_621 = tpu.vector_load %arg8[%get3A_619, %get3A_620] {strides = array<i32>} : memref<56x784xf32, #tpu.memory_space<vmem>>, vector<16xf32>,
      %mul3A_622 = arith.mulf %get3A_621, %get3A_611 : vector<16xf32>
      %add3A_623 = arith.addf %add3A_609, %mul3A_622 : vector<16xf32>
      %get3A_624 = arith.constant 384 : index
      %get3A_625 = tpu.vector_load %arg7[%get3A_624] {strides = array<i32>} : memref<784xf32, #tpu.memory_space<vmem>>, vector<16xf32>,
      %get3A_626 = arith.index_cast %mul3A_283 : i32 to index
      %get3A_627 = arith.constant 384 : index
      %get3A_628 = tpu.vector_load %arg8[%get3A_626, %get3A_627] {strides = array<i32>} : memref<56x784xf32, #tpu.memory_space<vmem>>, vector<16xf32>,
      %mul3A_629 = arith.mulf %get3A_628, %get3A_625 : vector<16xf32>
      %add3A_630 = arith.addf %add3A_616, %mul3A_629 : vector<16xf32>
      %add3A_631 = arith.constant 1 : i32
      %add3A_632 = arith.addi %mul3A_283, %add3A_631 : i32
      %get3A_633 = arith.index_cast %add3A_632 : i32 to index
      %get3A_634 = arith.constant 384 : index
      %get3A_635 = tpu.vector_load %arg8[%get3A_633, %get3A_634] {strides = array<i32>} : memref<56x784xf32, #tpu.memory_space<vmem>>, vector<16xf32>,
      %mul3A_636 = arith.mulf %get3A_635, %get3A_625 : vector<16xf32>
      %add3A_637 = arith.addf %add3A_623, %mul3A_636 : vector<16xf32>
      %get3A_638 = arith.constant 400 : index
      %get3A_639 = tpu.vector_load %arg7[%get3A_638] {strides = array<i32>} : memref<784xf32, #tpu.memory_space<vmem>>, vector<16xf32>,
      %get3A_640 = arith.index_cast %mul3A_283 : i32 to index
      %get3A_641 = arith.constant 400 : index
      %get3A_642 = tpu.vector_load %arg8[%get3A_640, %get3A_641] {strides = array<i32>} : memref<56x784xf32, #tpu.memory_space<vmem>>, vector<16xf32>,
      %mul3A_643 = arith.mulf %get3A_642, %get3A_639 : vector<16xf32>
      %add3A_644 = arith.addf %add3A_630, %mul3A_643 : vector<16xf32>
      %add3A_645 = arith.constant 1 : i32
      %add3A_646 = arith.addi %mul3A_283, %add3A_645 : i32
      %get3A_647 = arith.index_cast %add3A_646 : i32 to index
      %get3A_648 = arith.constant 400 : index
      %get3A_649 = tpu.vector_load %arg8[%get3A_647, %get3A_648] {strides = array<i32>} : memref<56x784xf32, #tpu.memory_space<vmem>>, vector<16xf32>,
      %mul3A_650 = arith.mulf %get3A_649, %get3A_639 : vector<16xf32>
      %add3A_651 = arith.addf %add3A_637, %mul3A_650 : vector<16xf32>
      %get3A_652 = arith.constant 416 : index
      %get3A_653 = tpu.vector_load %arg7[%get3A_652] {strides = array<i32>} : memref<784xf32, #tpu.memory_space<vmem>>, vector<16xf32>,
      %get3A_654 = arith.index_cast %mul3A_283 : i32 to index
      %get3A_655 = arith.constant 416 : index
      %get3A_656 = tpu.vector_load %arg8[%get3A_654, %get3A_655] {strides = array<i32>} : memref<56x784xf32, #tpu.memory_space<vmem>>, vector<16xf32>,
      %mul3A_657 = arith.mulf %get3A_656, %get3A_653 : vector<16xf32>
      %add3A_658 = arith.addf %add3A_644, %mul3A_657 : vector<16xf32>
      %add3A_659 = arith.constant 1 : i32
      %add3A_660 = arith.addi %mul3A_283, %add3A_659 : i32
      %get3A_661 = arith.index_cast %add3A_660 : i32 to index
      %get3A_662 = arith.constant 416 : index
      %get3A_663 = tpu.vector_load %arg8[%get3A_661, %get3A_662] {strides = array<i32>} : memref<56x784xf32, #tpu.memory_space<vmem>>, vector<16xf32>,
      %mul3A_664 = arith.mulf %get3A_663, %get3A_653 : vector<16xf32>
      %add3A_665 = arith.addf %add3A_651, %mul3A_664 : vector<16xf32>
      %get3A_666 = arith.constant 432 : index
      %get3A_667 = tpu.vector_load %arg7[%get3A_666] {strides = array<i32>} : memref<784xf32, #tpu.memory_space<vmem>>, vector<16xf32>,
      %get3A_668 = arith.index_cast %mul3A_283 : i32 to index
      %get3A_669 = arith.constant 432 : index
      %get3A_670 = tpu.vector_load %arg8[%get3A_668, %get3A_669] {strides = array<i32>} : memref<56x784xf32, #tpu.memory_space<vmem>>, vector<16xf32>,
      %mul3A_671 = arith.mulf %get3A_670, %get3A_667 : vector<16xf32>
      %add3A_672 = arith.addf %add3A_658, %mul3A_671 : vector<16xf32>
      %add3A_673 = arith.constant 1 : i32
      %add3A_674 = arith.addi %mul3A_283, %add3A_673 : i32
      %get3A_675 = arith.index_cast %add3A_674 : i32 to index
      %get3A_676 = arith.constant 432 : index
      %get3A_677 = tpu.vector_load %arg8[%get3A_675, %get3A_676] {strides = array<i32>} : memref<56x784xf32, #tpu.memory_space<vmem>>, vector<16xf32>,
      %mul3A_678 = arith.mulf %get3A_677, %get3A_667 : vector<16xf32>
      %add3A_679 = arith.addf %add3A_665, %mul3A_678 : vector<16xf32>
      %get3A_680 = arith.constant 448 : index
      %get3A_681 = tpu.vector_load %arg7[%get3A_680] {strides = array<i32>} : memref<784xf32, #tpu.memory_space<vmem>>, vector<16xf32>,
      %get3A_682 = arith.index_cast %mul3A_283 : i32 to index
      %get3A_683 = arith.constant 448 : index
      %get3A_684 = tpu.vector_load %arg8[%get3A_682, %get3A_683] {strides = array<i32>} : memref<56x784xf32, #tpu.memory_space<vmem>>, vector<16xf32>,
      %mul3A_685 = arith.mulf %get3A_684, %get3A_681 : vector<16xf32>
      %add3A_686 = arith.addf %add3A_672, %mul3A_685 : vector<16xf32>
      %add3A_687 = arith.constant 1 : i32
      %add3A_688 = arith.addi %mul3A_283, %add3A_687 : i32
      %get3A_689 = arith.index_cast %add3A_688 : i32 to index
      %get3A_690 = arith.constant 448 : index
      %get3A_691 = tpu.vector_load %arg8[%get3A_689, %get3A_690] {strides = array<i32>} : memref<56x784xf32, #tpu.memory_space<vmem>>, vector<16xf32>,
      %mul3A_692 = arith.mulf %get3A_691, %get3A_681 : vector<16xf32>
      %add3A_693 = arith.addf %add3A_679, %mul3A_692 : vector<16xf32>
      %get3A_694 = arith.constant 464 : index
      %get3A_695 = tpu.vector_load %arg7[%get3A_694] {strides = array<i32>} : memref<784xf32, #tpu.memory_space<vmem>>, vector<16xf32>,
      %get3A_696 = arith.index_cast %mul3A_283 : i32 to index
      %get3A_697 = arith.constant 464 : index
      %get3A_698 = tpu.vector_load %arg8[%get3A_696, %get3A_697] {strides = array<i32>} : memref<56x784xf32, #tpu.memory_space<vmem>>, vector<16xf32>,
      %mul3A_699 = arith.mulf %get3A_698, %get3A_695 : vector<16xf32>
      %add3A_700 = arith.addf %add3A_686, %mul3A_699 : vector<16xf32>
      %add3A_701 = arith.constant 1 : i32
      %add3A_702 = arith.addi %mul3A_283, %add3A_701 : i32
      %get3A_703 = arith.index_cast %add3A_702 : i32 to index
      %get3A_704 = arith.constant 464 : index
      %get3A_705 = tpu.vector_load %arg8[%get3A_703, %get3A_704] {strides = array<i32>} : memref<56x784xf32, #tpu.memory_space<vmem>>, vector<16xf32>,
      %mul3A_706 = arith.mulf %get3A_705, %get3A_695 : vector<16xf32>
      %add3A_707 = arith.addf %add3A_693, %mul3A_706 : vector<16xf32>
      %get3A_708 = arith.constant 480 : index
      %get3A_709 = tpu.vector_load %arg7[%get3A_708] {strides = array<i32>} : memref<784xf32, #tpu.memory_space<vmem>>, vector<16xf32>,
      %get3A_710 = arith.index_cast %mul3A_283 : i32 to index
      %get3A_711 = arith.constant 480 : index
      %get3A_712 = tpu.vector_load %arg8[%get3A_710, %get3A_711] {strides = array<i32>} : memref<56x784xf32, #tpu.memory_space<vmem>>, vector<16xf32>,
      %mul3A_713 = arith.mulf %get3A_712, %get3A_709 : vector<16xf32>
      %add3A_714 = arith.addf %add3A_700, %mul3A_713 : vector<16xf32>
      %add3A_715 = arith.constant 1 : i32
      %add3A_716 = arith.addi %mul3A_283, %add3A_715 : i32
      %get3A_717 = arith.index_cast %add3A_716 : i32 to index
      %get3A_718 = arith.constant 480 : index
      %get3A_719 = tpu.vector_load %arg8[%get3A_717, %get3A_718] {strides = array<i32>} : memref<56x784xf32, #tpu.memory_space<vmem>>, vector<16xf32>,
      %mul3A_720 = arith.mulf %get3A_719, %get3A_709 : vector<16xf32>
      %add3A_721 = arith.addf %add3A_707, %mul3A_720 : vector<16xf32>
      %get3A_722 = arith.constant 496 : index
      %get3A_723 = tpu.vector_load %arg7[%get3A_722] {strides = array<i32>} : memref<784xf32, #tpu.memory_space<vmem>>, vector<16xf32>,
      %get3A_724 = arith.index_cast %mul3A_283 : i32 to index
      %get3A_725 = arith.constant 496 : index
      %get3A_726 = tpu.vector_load %arg8[%get3A_724, %get3A_725] {strides = array<i32>} : memref<56x784xf32, #tpu.memory_space<vmem>>, vector<16xf32>,
      %mul3A_727 = arith.mulf %get3A_726, %get3A_723 : vector<16xf32>
      %add3A_728 = arith.addf %add3A_714, %mul3A_727 : vector<16xf32>
      %add3A_729 = arith.constant 1 : i32
      %add3A_730 = arith.addi %mul3A_283, %add3A_729 : i32
      %get3A_731 = arith.index_cast %add3A_730 : i32 to index
      %get3A_732 = arith.constant 496 : index
      %get3A_733 = tpu.vector_load %arg8[%get3A_731, %get3A_732] {strides = array<i32>} : memref<56x784xf32, #tpu.memory_space<vmem>>, vector<16xf32>,
      %mul3A_734 = arith.mulf %get3A_733, %get3A_723 : vector<16xf32>
      %add3A_735 = arith.addf %add3A_721, %mul3A_734 : vector<16xf32>
      %get3A_736 = arith.constant 512 : index
      %get3A_737 = tpu.vector_load %arg7[%get3A_736] {strides = array<i32>} : memref<784xf32, #tpu.memory_space<vmem>>, vector<16xf32>,
      %get3A_738 = arith.index_cast %mul3A_283 : i32 to index
      %get3A_739 = arith.constant 512 : index
      %get3A_740 = tpu.vector_load %arg8[%get3A_738, %get3A_739] {strides = array<i32>} : memref<56x784xf32, #tpu.memory_space<vmem>>, vector<16xf32>,
      %mul3A_741 = arith.mulf %get3A_740, %get3A_737 : vector<16xf32>
      %add3A_742 = arith.addf %add3A_728, %mul3A_741 : vector<16xf32>
      %add3A_743 = arith.constant 1 : i32
      %add3A_744 = arith.addi %mul3A_283, %add3A_743 : i32
      %get3A_745 = arith.index_cast %add3A_744 : i32 to index
      %get3A_746 = arith.constant 512 : index
      %get3A_747 = tpu.vector_load %arg8[%get3A_745, %get3A_746] {strides = array<i32>} : memref<56x784xf32, #tpu.memory_space<vmem>>, vector<16xf32>,
      %mul3A_748 = arith.mulf %get3A_747, %get3A_737 : vector<16xf32>
      %add3A_749 = arith.addf %add3A_735, %mul3A_748 : vector<16xf32>
      %get3A_750 = arith.constant 528 : index
      %get3A_751 = tpu.vector_load %arg7[%get3A_750] {strides = array<i32>} : memref<784xf32, #tpu.memory_space<vmem>>, vector<16xf32>,
      %get3A_752 = arith.index_cast %mul3A_283 : i32 to index
      %get3A_753 = arith.constant 528 : index
      %get3A_754 = tpu.vector_load %arg8[%get3A_752, %get3A_753] {strides = array<i32>} : memref<56x784xf32, #tpu.memory_space<vmem>>, vector<16xf32>,
      %mul3A_755 = arith.mulf %get3A_754, %get3A_751 : vector<16xf32>
      %add3A_756 = arith.addf %add3A_742, %mul3A_755 : vector<16xf32>
      %add3A_757 = arith.constant 1 : i32
      %add3A_758 = arith.addi %mul3A_283, %add3A_757 : i32
      %get3A_759 = arith.index_cast %add3A_758 : i32 to index
      %get3A_760 = arith.constant 528 : index
      %get3A_761 = tpu.vector_load %arg8[%get3A_759, %get3A_760] {strides = array<i32>} : memref<56x784xf32, #tpu.memory_space<vmem>>, vector<16xf32>,
      %mul3A_762 = arith.mulf %get3A_761, %get3A_751 : vector<16xf32>
      %add3A_763 = arith.addf %add3A_749, %mul3A_762 : vector<16xf32>
      %get3A_764 = arith.constant 544 : index
      %get3A_765 = tpu.vector_load %arg7[%get3A_764] {strides = array<i32>} : memref<784xf32, #tpu.memory_space<vmem>>, vector<16xf32>,
      %get3A_766 = arith.index_cast %mul3A_283 : i32 to index
      %get3A_767 = arith.constant 544 : index
      %get3A_768 = tpu.vector_load %arg8[%get3A_766, %get3A_767] {strides = array<i32>} : memref<56x784xf32, #tpu.memory_space<vmem>>, vector<16xf32>,
      %mul3A_769 = arith.mulf %get3A_768, %get3A_765 : vector<16xf32>
      %add3A_770 = arith.addf %add3A_756, %mul3A_769 : vector<16xf32>
      %add3A_771 = arith.constant 1 : i32
      %add3A_772 = arith.addi %mul3A_283, %add3A_771 : i32
      %get3A_773 = arith.index_cast %add3A_772 : i32 to index
      %get3A_774 = arith.constant 544 : index
      %get3A_775 = tpu.vector_load %arg8[%get3A_773, %get3A_774] {strides = array<i32>} : memref<56x784xf32, #tpu.memory_space<vmem>>, vector<16xf32>,
      %mul3A_776 = arith.mulf %get3A_775, %get3A_765 : vector<16xf32>
      %add3A_777 = arith.addf %add3A_763, %mul3A_776 : vector<16xf32>
      %get3A_778 = arith.constant 560 : index
      %get3A_779 = tpu.vector_load %arg7[%get3A_778] {strides = array<i32>} : memref<784xf32, #tpu.memory_space<vmem>>, vector<16xf32>,
      %get3A_780 = arith.index_cast %mul3A_283 : i32 to index
      %get3A_781 = arith.constant 560 : index
      %get3A_782 = tpu.vector_load %arg8[%get3A_780, %get3A_781] {strides = array<i32>} : memref<56x784xf32, #tpu.memory_space<vmem>>, vector<16xf32>,
      %mul3A_783 = arith.mulf %get3A_782, %get3A_779 : vector<16xf32>
      %add3A_784 = arith.addf %add3A_770, %mul3A_783 : vector<16xf32>
      %add3A_785 = arith.constant 1 : i32
      %add3A_786 = arith.addi %mul3A_283, %add3A_785 : i32
      %get3A_787 = arith.index_cast %add3A_786 : i32 to index
      %get3A_788 = arith.constant 560 : index
      %get3A_789 = tpu.vector_load %arg8[%get3A_787, %get3A_788] {strides = array<i32>} : memref<56x784xf32, #tpu.memory_space<vmem>>, vector<16xf32>,
      %mul3A_790 = arith.mulf %get3A_789, %get3A_779 : vector<16xf32>
      %add3A_791 = arith.addf %add3A_777, %mul3A_790 : vector<16xf32>
      %get3A_792 = arith.constant 576 : index
      %get3A_793 = tpu.vector_load %arg7[%get3A_792] {strides = array<i32>} : memref<784xf32, #tpu.memory_space<vmem>>, vector<16xf32>,
      %get3A_794 = arith.index_cast %mul3A_283 : i32 to index
      %get3A_795 = arith.constant 576 : index
      %get3A_796 = tpu.vector_load %arg8[%get3A_794, %get3A_795] {strides = array<i32>} : memref<56x784xf32, #tpu.memory_space<vmem>>, vector<16xf32>,
      %mul3A_797 = arith.mulf %get3A_796, %get3A_793 : vector<16xf32>
      %add3A_798 = arith.addf %add3A_784, %mul3A_797 : vector<16xf32>
      %add3A_799 = arith.constant 1 : i32
      %add3A_800 = arith.addi %mul3A_283, %add3A_799 : i32
      %get3A_801 = arith.index_cast %add3A_800 : i32 to index
      %get3A_802 = arith.constant 576 : index
      %get3A_803 = tpu.vector_load %arg8[%get3A_801, %get3A_802] {strides = array<i32>} : memref<56x784xf32, #tpu.memory_space<vmem>>, vector<16xf32>,
      %mul3A_804 = arith.mulf %get3A_803, %get3A_793 : vector<16xf32>
      %add3A_805 = arith.addf %add3A_791, %mul3A_804 : vector<16xf32>
      %get3A_806 = arith.constant 592 : index
      %get3A_807 = tpu.vector_load %arg7[%get3A_806] {strides = array<i32>} : memref<784xf32, #tpu.memory_space<vmem>>, vector<16xf32>,
      %get3A_808 = arith.index_cast %mul3A_283 : i32 to index
      %get3A_809 = arith.constant 592 : index
      %get3A_810 = tpu.vector_load %arg8[%get3A_808, %get3A_809] {strides = array<i32>} : memref<56x784xf32, #tpu.memory_space<vmem>>, vector<16xf32>,
      %mul3A_811 = arith.mulf %get3A_810, %get3A_807 : vector<16xf32>
      %add3A_812 = arith.addf %add3A_798, %mul3A_811 : vector<16xf32>
      %add3A_813 = arith.constant 1 : i32
      %add3A_814 = arith.addi %mul3A_283, %add3A_813 : i32
      %get3A_815 = arith.index_cast %add3A_814 : i32 to index
      %get3A_816 = arith.constant 592 : index
      %get3A_817 = tpu.vector_load %arg8[%get3A_815, %get3A_816] {strides = array<i32>} : memref<56x784xf32, #tpu.memory_space<vmem>>, vector<16xf32>,
      %mul3A_818 = arith.mulf %get3A_817, %get3A_807 : vector<16xf32>
      %add3A_819 = arith.addf %add3A_805, %mul3A_818 : vector<16xf32>
      %get3A_820 = arith.constant 608 : index
      %get3A_821 = tpu.vector_load %arg7[%get3A_820] {strides = array<i32>} : memref<784xf32, #tpu.memory_space<vmem>>, vector<16xf32>,
      %get3A_822 = arith.index_cast %mul3A_283 : i32 to index
      %get3A_823 = arith.constant 608 : index
      %get3A_824 = tpu.vector_load %arg8[%get3A_822, %get3A_823] {strides = array<i32>} : memref<56x784xf32, #tpu.memory_space<vmem>>, vector<16xf32>,
      %mul3A_825 = arith.mulf %get3A_824, %get3A_821 : vector<16xf32>
      %add3A_826 = arith.addf %add3A_812, %mul3A_825 : vector<16xf32>
      %add3A_827 = arith.constant 1 : i32
      %add3A_828 = arith.addi %mul3A_283, %add3A_827 : i32
      %get3A_829 = arith.index_cast %add3A_828 : i32 to index
      %get3A_830 = arith.constant 608 : index
      %get3A_831 = tpu.vector_load %arg8[%get3A_829, %get3A_830] {strides = array<i32>} : memref<56x784xf32, #tpu.memory_space<vmem>>, vector<16xf32>,
      %mul3A_832 = arith.mulf %get3A_831, %get3A_821 : vector<16xf32>
      %add3A_833 = arith.addf %add3A_819, %mul3A_832 : vector<16xf32>
      %get3A_834 = arith.constant 624 : index
      %get3A_835 = tpu.vector_load %arg7[%get3A_834] {strides = array<i32>} : memref<784xf32, #tpu.memory_space<vmem>>, vector<16xf32>,
      %get3A_836 = arith.index_cast %mul3A_283 : i32 to index
      %get3A_837 = arith.constant 624 : index
      %get3A_838 = tpu.vector_load %arg8[%get3A_836, %get3A_837] {strides = array<i32>} : memref<56x784xf32, #tpu.memory_space<vmem>>, vector<16xf32>,
      %mul3A_839 = arith.mulf %get3A_838, %get3A_835 : vector<16xf32>
      %add3A_840 = arith.addf %add3A_826, %mul3A_839 : vector<16xf32>
      %add3A_841 = arith.constant 1 : i32
      %add3A_842 = arith.addi %mul3A_283, %add3A_841 : i32
      %get3A_843 = arith.index_cast %add3A_842 : i32 to index
      %get3A_844 = arith.constant 624 : index
      %get3A_845 = tpu.vector_load %arg8[%get3A_843, %get3A_844] {strides = array<i32>} : memref<56x784xf32, #tpu.memory_space<vmem>>, vector<16xf32>,
      %mul3A_846 = arith.mulf %get3A_845, %get3A_835 : vector<16xf32>
      %add3A_847 = arith.addf %add3A_833, %mul3A_846 : vector<16xf32>
      %get3A_848 = arith.constant 640 : index
      %get3A_849 = tpu.vector_load %arg7[%get3A_848] {strides = array<i32>} : memref<784xf32, #tpu.memory_space<vmem>>, vector<16xf32>,
      %get3A_850 = arith.index_cast %mul3A_283 : i32 to index
      %get3A_851 = arith.constant 640 : index
      %get3A_852 = tpu.vector_load %arg8[%get3A_850, %get3A_851] {strides = array<i32>} : memref<56x784xf32, #tpu.memory_space<vmem>>, vector<16xf32>,
      %mul3A_853 = arith.mulf %get3A_852, %get3A_849 : vector<16xf32>
      %add3A_854 = arith.addf %add3A_840, %mul3A_853 : vector<16xf32>
      %add3A_855 = arith.constant 1 : i32
      %add3A_856 = arith.addi %mul3A_283, %add3A_855 : i32
      %get3A_857 = arith.index_cast %add3A_856 : i32 to index
      %get3A_858 = arith.constant 640 : index
      %get3A_859 = tpu.vector_load %arg8[%get3A_857, %get3A_858] {strides = array<i32>} : memref<56x784xf32, #tpu.memory_space<vmem>>, vector<16xf32>,
      %mul3A_860 = arith.mulf %get3A_859, %get3A_849 : vector<16xf32>
      %add3A_861 = arith.addf %add3A_847, %mul3A_860 : vector<16xf32>
      %get3A_862 = arith.constant 656 : index
      %get3A_863 = tpu.vector_load %arg7[%get3A_862] {strides = array<i32>} : memref<784xf32, #tpu.memory_space<vmem>>, vector<16xf32>,
      %get3A_864 = arith.index_cast %mul3A_283 : i32 to index
      %get3A_865 = arith.constant 656 : index
      %get3A_866 = tpu.vector_load %arg8[%get3A_864, %get3A_865] {strides = array<i32>} : memref<56x784xf32, #tpu.memory_space<vmem>>, vector<16xf32>,
      %mul3A_867 = arith.mulf %get3A_866, %get3A_863 : vector<16xf32>
      %add3A_868 = arith.addf %add3A_854, %mul3A_867 : vector<16xf32>
      %add3A_869 = arith.constant 1 : i32
      %add3A_870 = arith.addi %mul3A_283, %add3A_869 : i32
      %get3A_871 = arith.index_cast %add3A_870 : i32 to index
      %get3A_872 = arith.constant 656 : index
      %get3A_873 = tpu.vector_load %arg8[%get3A_871, %get3A_872] {strides = array<i32>} : memref<56x784xf32, #tpu.memory_space<vmem>>, vector<16xf32>,
      %mul3A_874 = arith.mulf %get3A_873, %get3A_863 : vector<16xf32>
      %add3A_875 = arith.addf %add3A_861, %mul3A_874 : vector<16xf32>
      %get3A_876 = arith.constant 672 : index
      %get3A_877 = tpu.vector_load %arg7[%get3A_876] {strides = array<i32>} : memref<784xf32, #tpu.memory_space<vmem>>, vector<16xf32>,
      %get3A_878 = arith.index_cast %mul3A_283 : i32 to index
      %get3A_879 = arith.constant 672 : index
      %get3A_880 = tpu.vector_load %arg8[%get3A_878, %get3A_879] {strides = array<i32>} : memref<56x784xf32, #tpu.memory_space<vmem>>, vector<16xf32>,
      %mul3A_881 = arith.mulf %get3A_880, %get3A_877 : vector<16xf32>
      %add3A_882 = arith.addf %add3A_868, %mul3A_881 : vector<16xf32>
      %add3A_883 = arith.constant 1 : i32
      %add3A_884 = arith.addi %mul3A_283, %add3A_883 : i32
      %get3A_885 = arith.index_cast %add3A_884 : i32 to index
      %get3A_886 = arith.constant 672 : index
      %get3A_887 = tpu.vector_load %arg8[%get3A_885, %get3A_886] {strides = array<i32>} : memref<56x784xf32, #tpu.memory_space<vmem>>, vector<16xf32>,
      %mul3A_888 = arith.mulf %get3A_887, %get3A_877 : vector<16xf32>
      %add3A_889 = arith.addf %add3A_875, %mul3A_888 : vector<16xf32>
      %get3A_890 = arith.constant 688 : index
      %get3A_891 = tpu.vector_load %arg7[%get3A_890] {strides = array<i32>} : memref<784xf32, #tpu.memory_space<vmem>>, vector<16xf32>,
      %get3A_892 = arith.index_cast %mul3A_283 : i32 to index
      %get3A_893 = arith.constant 688 : index
      %get3A_894 = tpu.vector_load %arg8[%get3A_892, %get3A_893] {strides = array<i32>} : memref<56x784xf32, #tpu.memory_space<vmem>>, vector<16xf32>,
      %mul3A_895 = arith.mulf %get3A_894, %get3A_891 : vector<16xf32>
      %add3A_896 = arith.addf %add3A_882, %mul3A_895 : vector<16xf32>
      %add3A_897 = arith.constant 1 : i32
      %add3A_898 = arith.addi %mul3A_283, %add3A_897 : i32
      %get3A_899 = arith.index_cast %add3A_898 : i32 to index
      %get3A_900 = arith.constant 688 : index
      %get3A_901 = tpu.vector_load %arg8[%get3A_899, %get3A_900] {strides = array<i32>} : memref<56x784xf32, #tpu.memory_space<vmem>>, vector<16xf32>,
      %mul3A_902 = arith.mulf %get3A_901, %get3A_891 : vector<16xf32>
      %add3A_903 = arith.addf %add3A_889, %mul3A_902 : vector<16xf32>
      %get3A_904 = arith.constant 704 : index
      %get3A_905 = tpu.vector_load %arg7[%get3A_904] {strides = array<i32>} : memref<784xf32, #tpu.memory_space<vmem>>, vector<16xf32>,
      %get3A_906 = arith.index_cast %mul3A_283 : i32 to index
      %get3A_907 = arith.constant 704 : index
      %get3A_908 = tpu.vector_load %arg8[%get3A_906, %get3A_907] {strides = array<i32>} : memref<56x784xf32, #tpu.memory_space<vmem>>, vector<16xf32>,
      %mul3A_909 = arith.mulf %get3A_908, %get3A_905 : vector<16xf32>
      %add3A_910 = arith.addf %add3A_896, %mul3A_909 : vector<16xf32>
      %add3A_911 = arith.constant 1 : i32
      %add3A_912 = arith.addi %mul3A_283, %add3A_911 : i32
      %get3A_913 = arith.index_cast %add3A_912 : i32 to index
      %get3A_914 = arith.constant 704 : index
      %get3A_915 = tpu.vector_load %arg8[%get3A_913, %get3A_914] {strides = array<i32>} : memref<56x784xf32, #tpu.memory_space<vmem>>, vector<16xf32>,
      %mul3A_916 = arith.mulf %get3A_915, %get3A_905 : vector<16xf32>
      %add3A_917 = arith.addf %add3A_903, %mul3A_916 : vector<16xf32>
      %get3A_918 = arith.constant 720 : index
      %get3A_919 = tpu.vector_load %arg7[%get3A_918] {strides = array<i32>} : memref<784xf32, #tpu.memory_space<vmem>>, vector<16xf32>,
      %get3A_920 = arith.index_cast %mul3A_283 : i32 to index
      %get3A_921 = arith.constant 720 : index
      %get3A_922 = tpu.vector_load %arg8[%get3A_920, %get3A_921] {strides = array<i32>} : memref<56x784xf32, #tpu.memory_space<vmem>>, vector<16xf32>,
      %mul3A_923 = arith.mulf %get3A_922, %get3A_919 : vector<16xf32>
      %add3A_924 = arith.addf %add3A_910, %mul3A_923 : vector<16xf32>
      %add3A_925 = arith.constant 1 : i32
      %add3A_926 = arith.addi %mul3A_283, %add3A_925 : i32
      %get3A_927 = arith.index_cast %add3A_926 : i32 to index
      %get3A_928 = arith.constant 720 : index
      %get3A_929 = tpu.vector_load %arg8[%get3A_927, %get3A_928] {strides = array<i32>} : memref<56x784xf32, #tpu.memory_space<vmem>>, vector<16xf32>,
      %mul3A_930 = arith.mulf %get3A_929, %get3A_919 : vector<16xf32>
      %add3A_931 = arith.addf %add3A_917, %mul3A_930 : vector<16xf32>
      %get3A_932 = arith.constant 736 : index
      %get3A_933 = tpu.vector_load %arg7[%get3A_932] {strides = array<i32>} : memref<784xf32, #tpu.memory_space<vmem>>, vector<16xf32>,
      %get3A_934 = arith.index_cast %mul3A_283 : i32 to index
      %get3A_935 = arith.constant 736 : index
      %get3A_936 = tpu.vector_load %arg8[%get3A_934, %get3A_935] {strides = array<i32>} : memref<56x784xf32, #tpu.memory_space<vmem>>, vector<16xf32>,
      %mul3A_937 = arith.mulf %get3A_936, %get3A_933 : vector<16xf32>
      %add3A_938 = arith.addf %add3A_924, %mul3A_937 : vector<16xf32>
      %add3A_939 = arith.constant 1 : i32
      %add3A_940 = arith.addi %mul3A_283, %add3A_939 : i32
      %get3A_941 = arith.index_cast %add3A_940 : i32 to index
      %get3A_942 = arith.constant 736 : index
      %get3A_943 = tpu.vector_load %arg8[%get3A_941, %get3A_942] {strides = array<i32>} : memref<56x784xf32, #tpu.memory_space<vmem>>, vector<16xf32>,
      %mul3A_944 = arith.mulf %get3A_943, %get3A_933 : vector<16xf32>
      %add3A_945 = arith.addf %add3A_931, %mul3A_944 : vector<16xf32>
      %get3A_946 = arith.constant 752 : index
      %get3A_947 = tpu.vector_load %arg7[%get3A_946] {strides = array<i32>} : memref<784xf32, #tpu.memory_space<vmem>>, vector<16xf32>,
      %get3A_948 = arith.index_cast %mul3A_283 : i32 to index
      %get3A_949 = arith.constant 752 : index
      %get3A_950 = tpu.vector_load %arg8[%get3A_948, %get3A_949] {strides = array<i32>} : memref<56x784xf32, #tpu.memory_space<vmem>>, vector<16xf32>,
      %mul3A_951 = arith.mulf %get3A_950, %get3A_947 : vector<16xf32>
      %add3A_952 = arith.addf %add3A_938, %mul3A_951 : vector<16xf32>
      %add3A_953 = arith.constant 1 : i32
      %add3A_954 = arith.addi %mul3A_283, %add3A_953 : i32
      %get3A_955 = arith.index_cast %add3A_954 : i32 to index
      %get3A_956 = arith.constant 752 : index
      %get3A_957 = tpu.vector_load %arg8[%get3A_955, %get3A_956] {strides = array<i32>} : memref<56x784xf32, #tpu.memory_space<vmem>>, vector<16xf32>,
      %mul3A_958 = arith.mulf %get3A_957, %get3A_947 : vector<16xf32>
      %add3A_959 = arith.addf %add3A_945, %mul3A_958 : vector<16xf32>
      %get3A_960 = arith.constant 768 : index
      %get3A_961 = tpu.vector_load %arg7[%get3A_960] {strides = array<i32>} : memref<784xf32, #tpu.memory_space<vmem>>, vector<16xf32>,
      %get3A_962 = arith.index_cast %mul3A_283 : i32 to index
      %get3A_963 = arith.constant 768 : index
      %get3A_964 = tpu.vector_load %arg8[%get3A_962, %get3A_963] {strides = array<i32>} : memref<56x784xf32, #tpu.memory_space<vmem>>, vector<16xf32>,
      %mul3A_965 = arith.mulf %get3A_964, %get3A_961 : vector<16xf32>
      %add3A_966 = arith.addf %add3A_952, %mul3A_965 : vector<16xf32>
      %add3A_967 = arith.constant 1 : i32
      %add3A_968 = arith.addi %mul3A_283, %add3A_967 : i32
      %get3A_969 = arith.index_cast %add3A_968 : i32 to index
      %get3A_970 = arith.constant 768 : index
      %get3A_971 = tpu.vector_load %arg8[%get3A_969, %get3A_970] {strides = array<i32>} : memref<56x784xf32, #tpu.memory_space<vmem>>, vector<16xf32>,
      %mul3A_972 = arith.mulf %get3A_971, %get3A_961 : vector<16xf32>
      %add3A_973 = arith.addf %add3A_959, %mul3A_972 : vector<16xf32>
      %broadcast_in_dim3A_974 = vector.broadcast %mul3A_283 : i32 to vector<16xi32>
      %iota3A_975 = tpu.iota {dimensions = array<i32: 0>} : vector<16xi32>
      %xor3A = arith.constant 8 : i32
      %xor3A_976 = vector.broadcast %xor3A : i32 to vector<16xi32>
      %xor3A_977 = arith.xori %iota3A_975, %xor3A_976 : vector<16xi32>
      %broadcast_in_dim3A_978 = vector.shape_cast %xor3A_977 : vector<16xi32> to vector<16x1xi32>
      %gather3A = vector.shape_cast %broadcast_in_dim3A_978 : vector<16x1xi32> to vector<16xi32>
      %gather3A_979 = tpu.dynamic_gather %add3A_966[%gather3A] in [0] : vector<16xf32>, vector<16xi32> -> vector<16xf32>
      %add3A_980 = arith.addf %add3A_966, %gather3A_979 : vector<16xf32>
      %xor3A_981 = arith.constant 4 : i32
      %xor3A_982 = vector.broadcast %xor3A_981 : i32 to vector<16xi32>
      %xor3A_983 = arith.xori %iota3A_975, %xor3A_982 : vector<16xi32>
      %broadcast_in_dim3A_984 = vector.shape_cast %xor3A_983 : vector<16xi32> to vector<16x1xi32>
      %gather3A_985 = vector.shape_cast %broadcast_in_dim3A_984 : vector<16x1xi32> to vector<16xi32>
      %gather3A_986 = tpu.dynamic_gather %add3A_980[%gather3A_985] in [0] : vector<16xf32>, vector<16xi32> -> vector<16xf32>
      %add3A_987 = arith.addf %add3A_980, %gather3A_986 : vector<16xf32>
      %xor3A_988 = arith.constant 2 : i32
      %xor3A_989 = vector.broadcast %xor3A_988 : i32 to vector<16xi32>
      %xor3A_990 = arith.xori %iota3A_975, %xor3A_989 : vector<16xi32>
      %broadcast_in_dim3A_991 = vector.shape_cast %xor3A_990 : vector<16xi32> to vector<16x1xi32>
      %gather3A_992 = vector.shape_cast %broadcast_in_dim3A_991 : vector<16x1xi32> to vector<16xi32>
      %gather3A_993 = tpu.dynamic_gather %add3A_987[%gather3A_992] in [0] : vector<16xf32>, vector<16xi32> -> vector<16xf32>
      %add3A_994 = arith.addf %add3A_987, %gather3A_993 : vector<16xf32>
      %xor3A_995 = arith.constant 1 : i32
      %xor3A_996 = vector.broadcast %xor3A_995 : i32 to vector<16xi32>
      %xor3A_997 = arith.xori %iota3A_975, %xor3A_996 : vector<16xi32>
      %broadcast_in_dim3A_998 = vector.shape_cast %xor3A_997 : vector<16xi32> to vector<16x1xi32>
      %gather3A_999 = vector.shape_cast %broadcast_in_dim3A_998 : vector<16x1xi32> to vector<16xi32>
      %gather3A_1000 = tpu.dynamic_gather %add3A_994[%gather3A_999] in [0] : vector<16xf32>, vector<16xi32> -> vector<16xf32>
      %add3A_1001 = arith.addf %add3A_994, %gather3A_1000 : vector<16xf32>
      tpu.vector_store_idx %arg9[%broadcast_in_dim3A_974], %add3A_1001 masked %eq3A_1 : memref<64xf32, #tpu.memory_space<vmem>>[vector<16xi32>], vector<16xf32>, vector<16xi1>
      %add3A_1002 = arith.constant 1 : i32
      %add3A_1003 = arith.addi %mul3A_283, %add3A_1002 : i32
      %broadcast_in_dim3A_1004 = vector.broadcast %add3A_1003 : i32 to vector<16xi32>
      %iota3A_1005 = tpu.iota {dimensions = array<i32: 0>} : vector<16xi32>
      %xor3A_1006 = arith.constant 8 : i32
      %xor3A_1007 = vector.broadcast %xor3A_1006 : i32 to vector<16xi32>
      %xor3A_1008 = arith.xori %iota3A_1005, %xor3A_1007 : vector<16xi32>
      %broadcast_in_dim3A_1009 = vector.shape_cast %xor3A_1008 : vector<16xi32> to vector<16x1xi32>
      %gather3A_1010 = vector.shape_cast %broadcast_in_dim3A_1009 : vector<16x1xi32> to vector<16xi32>
      %gather3A_1011 = tpu.dynamic_gather %add3A_973[%gather3A_1010] in [0] : vector<16xf32>, vector<16xi32> -> vector<16xf32>
      %add3A_1012 = arith.addf %add3A_973, %gather3A_1011 : vector<16xf32>
      %xor3A_1013 = arith.constant 4 : i32
      %xor3A_1014 = vector.broadcast %xor3A_1013 : i32 to vector<16xi32>
      %xor3A_1015 = arith.xori %iota3A_1005, %xor3A_1014 : vector<16xi32>
      %broadcast_in_dim3A_1016 = vector.shape_cast %xor3A_1015 : vector<16xi32> to vector<16x1xi32>
      %gather3A_1017 = vector.shape_cast %broadcast_in_dim3A_1016 : vector<16x1xi32> to vector<16xi32>
      %gather3A_1018 = tpu.dynamic_gather %add3A_1012[%gather3A_1017] in [0] : vector<16xf32>, vector<16xi32> -> vector<16xf32>
      %add3A_1019 = arith.addf %add3A_1012, %gather3A_1018 : vector<16xf32>
      %xor3A_1020 = arith.constant 2 : i32
      %xor3A_1021 = vector.broadcast %xor3A_1020 : i32 to vector<16xi32>
      %xor3A_1022 = arith.xori %iota3A_1005, %xor3A_1021 : vector<16xi32>
      %broadcast_in_dim3A_1023 = vector.shape_cast %xor3A_1022 : vector<16xi32> to vector<16x1xi32>
      %gather3A_1024 = vector.shape_cast %broadcast_in_dim3A_1023 : vector<16x1xi32> to vector<16xi32>
      %gather3A_1025 = tpu.dynamic_gather %add3A_1019[%gather3A_1024] in [0] : vector<16xf32>, vector<16xi32> -> vector<16xf32>
      %add3A_1026 = arith.addf %add3A_1019, %gather3A_1025 : vector<16xf32>
      %xor3A_1027 = arith.constant 1 : i32
      %xor3A_1028 = vector.broadcast %xor3A_1027 : i32 to vector<16xi32>
      %xor3A_1029 = arith.xori %iota3A_1005, %xor3A_1028 : vector<16xi32>
      %broadcast_in_dim3A_1030 = vector.shape_cast %xor3A_1029 : vector<16xi32> to vector<16x1xi32>
      %gather3A_1031 = vector.shape_cast %broadcast_in_dim3A_1030 : vector<16x1xi32> to vector<16xi32>
      %gather3A_1032 = tpu.dynamic_gather %add3A_1026[%gather3A_1031] in [0] : vector<16xf32>, vector<16xi32> -> vector<16xf32>
      %add3A_1033 = arith.addf %add3A_1026, %gather3A_1032 : vector<16xf32>
      tpu.vector_store_idx %arg9[%broadcast_in_dim3A_1004], %add3A_1033 masked %eq3A_1 : memref<64xf32, #tpu.memory_space<vmem>>[vector<16xi32>], vector<16xf32>, vector<16xi1>
    }
    "tpu.region"() ({
      %run_scoped3A_281 = tpu.sem_alloc : memref<!tpu.dma_semaphore, #tpu.memory_space<semaphore_mem>>
      %dma_start3A = arith.constant 0 : i32
      %dma_start3A_282 = tpu.memref_slice %arg17[%arg1, %dma_start3A] : memref<16x128xf32, #tpu.memory_space<vmem_shared>> -> memref<1x64xf32, #tpu.memory_space<vmem_shared>>
      %dma_start3A_283 = tpu.memref_squeeze %dma_start3A_282 : memref<1x64xf32, #tpu.memory_space<vmem_shared>> -> memref<64xf32, #tpu.memory_space<vmem_shared>>
      %dma_start3A_284 = arith.constant 0 : i32
      %dma_start3A_285 = tpu.memref_slice %arg17[%arg1, %dma_start3A_284] : memref<16x128xf32, #tpu.memory_space<vmem_shared>> -> memref<1x64xf32, #tpu.memory_space<vmem_shared>>
      %dma_start3A_286 = tpu.memref_squeeze %dma_start3A_285 : memref<1x64xf32, #tpu.memory_space<vmem_shared>> -> memref<64xf32, #tpu.memory_space<vmem_shared>>
      tpu.enqueue_dma source(%arg9 : memref<64xf32, #tpu.memory_space<vmem>>) target(%dma_start3A_286 : memref<64xf32, #tpu.memory_space<vmem_shared>>) target_semaphore(%run_scoped3A_281 : memref<!tpu.dma_semaphore, #tpu.memory_space<semaphore_mem>>)
      %dma_wait3A = arith.constant 0 : i32
      %dma_wait3A_287 = tpu.memref_slice %arg17[%arg1, %dma_wait3A] : memref<16x128xf32, #tpu.memory_space<vmem_shared>> -> memref<1x64xf32, #tpu.memory_space<vmem_shared>>
      %dma_wait3A_288 = tpu.memref_squeeze %dma_wait3A_287 : memref<1x64xf32, #tpu.memory_space<vmem_shared>> -> memref<64xf32, #tpu.memory_space<vmem_shared>>
      %dma_wait3A_289 = arith.constant 0 : i32
      %dma_wait3A_290 = tpu.memref_slice %arg17[%arg1, %dma_wait3A_289] : memref<16x128xf32, #tpu.memory_space<vmem_shared>> -> memref<1x64xf32, #tpu.memory_space<vmem_shared>>
      %dma_wait3A_291 = tpu.memref_squeeze %dma_wait3A_290 : memref<1x64xf32, #tpu.memory_space<vmem_shared>> -> memref<64xf32, #tpu.memory_space<vmem_shared>>
      tpu.wait_dma2 semaphore(%run_scoped3A_281 : memref<!tpu.dma_semaphore, #tpu.memory_space<semaphore_mem>>) src(%arg9 : memref<64xf32, #tpu.memory_space<vmem>>) dst(%dma_wait3A_291 : memref<64xf32, #tpu.memory_space<vmem_shared>>)
      tpu.yield
    }) : () -> ()
    %barrier3A = arith.constant 0 : index
    tpu.barrier barrier_id(%barrier3A)
    "tpu.region"() ({
      %run_scoped3A_281 = tpu.sem_alloc : memref<!tpu.dma_semaphore, #tpu.memory_space<semaphore_mem>>
      %dma_start3A = arith.constant 0 : i32
      %dma_start3A_282 = tpu.memref_slice %arg17[%arg1, %dma_start3A] : memref<16x128xf32, #tpu.memory_space<vmem_shared>> -> memref<1x64xf32, #tpu.memory_space<vmem_shared>>
      %dma_start3A_283 = tpu.memref_squeeze %dma_start3A_282 : memref<1x64xf32, #tpu.memory_space<vmem_shared>> -> memref<64xf32, #tpu.memory_space<vmem_shared>>
      %dma_start3A_284 = arith.constant 0 : i32
      %dma_start3A_285 = tpu.memref_slice %arg17[%arg1, %dma_start3A_284] : memref<16x128xf32, #tpu.memory_space<vmem_shared>> -> memref<1x64xf32, #tpu.memory_space<vmem_shared>>
      %dma_start3A_286 = tpu.memref_squeeze %dma_start3A_285 : memref<1x64xf32, #tpu.memory_space<vmem_shared>> -> memref<64xf32, #tpu.memory_space<vmem_shared>>
      tpu.enqueue_dma source(%dma_start3A_286 : memref<64xf32, #tpu.memory_space<vmem_shared>>) target(%arg10 : memref<64xf32, #tpu.memory_space<vmem>>) target_semaphore(%run_scoped3A_281 : memref<!tpu.dma_semaphore, #tpu.memory_space<semaphore_mem>>)
      %dma_wait3A = arith.constant 0 : i32
      %dma_wait3A_287 = tpu.memref_slice %arg17[%arg1, %dma_wait3A] : memref<16x128xf32, #tpu.memory_space<vmem_shared>> -> memref<1x64xf32, #tpu.memory_space<vmem_shared>>
      %dma_wait3A_288 = tpu.memref_squeeze %dma_wait3A_287 : memref<1x64xf32, #tpu.memory_space<vmem_shared>> -> memref<64xf32, #tpu.memory_space<vmem_shared>>
      %dma_wait3A_289 = arith.constant 0 : i32
      %dma_wait3A_290 = tpu.memref_slice %arg17[%arg1, %dma_wait3A_289] : memref<16x128xf32, #tpu.memory_space<vmem_shared>> -> memref<1x64xf32, #tpu.memory_space<vmem_shared>>
      %dma_wait3A_291 = tpu.memref_squeeze %dma_wait3A_290 : memref<1x64xf32, #tpu.memory_space<vmem_shared>> -> memref<64xf32, #tpu.memory_space<vmem_shared>>
      tpu.wait_dma2 semaphore(%run_scoped3A_281 : memref<!tpu.dma_semaphore, #tpu.memory_space<semaphore_mem>>) src(%dma_wait3A_291 : memref<64xf32, #tpu.memory_space<vmem_shared>>) dst(%arg10 : memref<64xf32, #tpu.memory_space<vmem>>)
      tpu.yield
    }) : () -> ()
    %broadcast_in_dim3A = arith.constant 0x7F800000 : f32
    %broadcast_in_dim3A_41 = vector.broadcast %broadcast_in_dim3A : f32 to vector<16xf32>
    %jit3A_42 = arith.constant 8 : i32
    %jit3A_43 = arith.constant 0 : i32
    %select_n3A_44 = arith.select %ge3A_3, %jit3A_42, %jit3A_43 : i32
    %lt3A = vector.broadcast %select_n3A_44 : i32 to vector<16xi32>
    %lt3A_45 = arith.cmpi slt, %iota3A, %lt3A : vector<16xi32>
    %get3A = arith.constant 0 : index
    %get3A_46 = tpu.vector_load %arg10[%get3A] {strides = array<i32>} : memref<64xf32, #tpu.memory_space<vmem>>, vector<16xf32>,
    %get3A_47 = arith.constant 16 : index
    %get3A_48 = tpu.vector_load %arg10[%get3A_47] {strides = array<i32>} : memref<64xf32, #tpu.memory_space<vmem>>, vector<16xf32>,
    %get3A_49 = arith.constant 32 : index
    %get3A_50 = tpu.vector_load %arg10[%get3A_49] {strides = array<i32>} : memref<64xf32, #tpu.memory_space<vmem>>, vector<16xf32>,
    %get3A_51 = arith.constant 48 : index
    %get3A_52 = tpu.vector_load %arg10[%get3A_51] {strides = array<i32>} : memref<64xf32, #tpu.memory_space<vmem>>, vector<16xf32>,
    %select_n3A_53 = arith.select %lt3A_45, %get3A_52, %broadcast_in_dim3A_41 : vector<16xi1>, vector<16xf32>
    %sort3A = arith.constant dense<true> : vector<16xi1>
    %sort3A_54, %sort3A_55, %sort3A_56 = tpu.sort %get3A_46, %get3A_46 masked %sort3A : (vector<16xf32>, vector<16xf32>, vector<16xi1>) -> (vector<16xi1>, vector<16xf32>, vector<16xf32>)
    %sort3A_57 = arith.constant dense<true> : vector<16xi1>
    %sort3A_58, %sort3A_59, %sort3A_60 = tpu.sort %get3A_48, %get3A_48 masked %sort3A_57 : (vector<16xf32>, vector<16xf32>, vector<16xi1>) -> (vector<16xi1>, vector<16xf32>, vector<16xf32>)
    %sort3A_61 = arith.constant dense<true> : vector<16xi1>
    %sort3A_62, %sort3A_63, %sort3A_64 = tpu.sort %get3A_50, %get3A_50 masked %sort3A_61 : (vector<16xf32>, vector<16xf32>, vector<16xi1>) -> (vector<16xi1>, vector<16xf32>, vector<16xf32>)
    %sort3A_65 = arith.constant dense<true> : vector<16xi1>
    %sort3A_66, %sort3A_67, %sort3A_68 = tpu.sort %select_n3A_53, %select_n3A_53 masked %sort3A_65 : (vector<16xf32>, vector<16xf32>, vector<16xi1>) -> (vector<16xi1>, vector<16xf32>, vector<16xf32>)
    %rev3A = arith.constant 15 : i32
    %rev3A_69 = vector.broadcast %rev3A : i32 to vector<16xi32>
    %rev3A_70 = tpu.iota {dimensions = array<i32: 0>} : vector<16xi32>
    %rev3A_71 = arith.subi %rev3A_69, %rev3A_70 : vector<16xi32>
    %rev3A_72 = tpu.dynamic_gather %sort3A_59[%rev3A_71] in [0] : vector<16xf32>, vector<16xi32> -> vector<16xf32>
    %min3A = arith.minimumf %sort3A_55, %rev3A_72 : vector<16xf32>
    %max3A = arith.maximumf %sort3A_55, %rev3A_72 : vector<16xf32>
    %sort3A_73 = arith.constant dense<true> : vector<16xi1>
    %sort3A_74, %sort3A_75, %sort3A_76 = tpu.sort %min3A, %min3A masked %sort3A_73 : (vector<16xf32>, vector<16xf32>, vector<16xi1>) -> (vector<16xi1>, vector<16xf32>, vector<16xf32>)
    %sort3A_77 = arith.constant dense<true> : vector<16xi1>
    %sort3A_78, %sort3A_79, %sort3A_80 = tpu.sort %max3A, %max3A masked %sort3A_77 : (vector<16xf32>, vector<16xf32>, vector<16xi1>) -> (vector<16xi1>, vector<16xf32>, vector<16xf32>)
    %rev3A_81 = arith.constant 15 : i32
    %rev3A_82 = vector.broadcast %rev3A_81 : i32 to vector<16xi32>
    %rev3A_83 = tpu.iota {dimensions = array<i32: 0>} : vector<16xi32>
    %rev3A_84 = arith.subi %rev3A_82, %rev3A_83 : vector<16xi32>
    %rev3A_85 = tpu.dynamic_gather %sort3A_67[%rev3A_84] in [0] : vector<16xf32>, vector<16xi32> -> vector<16xf32>
    %min3A_86 = arith.minimumf %sort3A_63, %rev3A_85 : vector<16xf32>
    %max3A_87 = arith.maximumf %sort3A_63, %rev3A_85 : vector<16xf32>
    %sort3A_88 = arith.constant dense<true> : vector<16xi1>
    %sort3A_89, %sort3A_90, %sort3A_91 = tpu.sort %min3A_86, %min3A_86 masked %sort3A_88 : (vector<16xf32>, vector<16xf32>, vector<16xi1>) -> (vector<16xi1>, vector<16xf32>, vector<16xf32>)
    %sort3A_92 = arith.constant dense<true> : vector<16xi1>
    %sort3A_93, %sort3A_94, %sort3A_95 = tpu.sort %max3A_87, %max3A_87 masked %sort3A_92 : (vector<16xf32>, vector<16xf32>, vector<16xi1>) -> (vector<16xi1>, vector<16xf32>, vector<16xf32>)
    %rev3A_96 = arith.constant 15 : i32
    %rev3A_97 = vector.broadcast %rev3A_96 : i32 to vector<16xi32>
    %rev3A_98 = tpu.iota {dimensions = array<i32: 0>} : vector<16xi32>
    %rev3A_99 = arith.subi %rev3A_97, %rev3A_98 : vector<16xi32>
    %rev3A_100 = tpu.dynamic_gather %sort3A_94[%rev3A_99] in [0] : vector<16xf32>, vector<16xi32> -> vector<16xf32>
    %min3A_101 = arith.minimumf %sort3A_75, %rev3A_100 : vector<16xf32>
    %rev3A_102 = arith.constant 15 : i32
    %rev3A_103 = vector.broadcast %rev3A_102 : i32 to vector<16xi32>
    %rev3A_104 = tpu.iota {dimensions = array<i32: 0>} : vector<16xi32>
    %rev3A_105 = arith.subi %rev3A_103, %rev3A_104 : vector<16xi32>
    %rev3A_106 = tpu.dynamic_gather %sort3A_90[%rev3A_105] in [0] : vector<16xf32>, vector<16xi32> -> vector<16xf32>
    %min3A_107 = arith.minimumf %sort3A_79, %rev3A_106 : vector<16xf32>
    %rev3A_108 = arith.constant 15 : i32
    %rev3A_109 = vector.broadcast %rev3A_108 : i32 to vector<16xi32>
    %rev3A_110 = tpu.iota {dimensions = array<i32: 0>} : vector<16xi32>
    %rev3A_111 = arith.subi %rev3A_109, %rev3A_110 : vector<16xi32>
    %rev3A_112 = tpu.dynamic_gather %sort3A_94[%rev3A_111] in [0] : vector<16xf32>, vector<16xi32> -> vector<16xf32>
    %max3A_113 = arith.maximumf %sort3A_75, %rev3A_112 : vector<16xf32>
    %rev3A_114 = arith.constant 15 : i32
    %rev3A_115 = vector.broadcast %rev3A_114 : i32 to vector<16xi32>
    %rev3A_116 = tpu.iota {dimensions = array<i32: 0>} : vector<16xi32>
    %rev3A_117 = arith.subi %rev3A_115, %rev3A_116 : vector<16xi32>
    %rev3A_118 = tpu.dynamic_gather %sort3A_90[%rev3A_117] in [0] : vector<16xf32>, vector<16xi32> -> vector<16xf32>
    %max3A_119 = arith.maximumf %sort3A_79, %rev3A_118 : vector<16xf32>
    %min3A_120 = arith.minimumf %min3A_101, %min3A_107 : vector<16xf32>
    %max3A_121 = arith.maximumf %min3A_101, %min3A_107 : vector<16xf32>
    %min3A_122 = arith.minimumf %max3A_113, %max3A_119 : vector<16xf32>
    %max3A_123 = arith.maximumf %max3A_113, %max3A_119 : vector<16xf32>
    %sort3A_124 = arith.constant dense<true> : vector<16xi1>
    %sort3A_125, %sort3A_126, %sort3A_127 = tpu.sort %min3A_120, %min3A_120 masked %sort3A_124 : (vector<16xf32>, vector<16xf32>, vector<16xi1>) -> (vector<16xi1>, vector<16xf32>, vector<16xf32>)
    %sort3A_128 = arith.constant dense<true> : vector<16xi1>
    %sort3A_129, %sort3A_130, %sort3A_131 = tpu.sort %max3A_121, %max3A_121 masked %sort3A_128 : (vector<16xf32>, vector<16xf32>, vector<16xi1>) -> (vector<16xi1>, vector<16xf32>, vector<16xf32>)
    %sort3A_132 = arith.constant dense<true> : vector<16xi1>
    %sort3A_133, %sort3A_134, %sort3A_135 = tpu.sort %min3A_122, %min3A_122 masked %sort3A_132 : (vector<16xf32>, vector<16xf32>, vector<16xi1>) -> (vector<16xi1>, vector<16xf32>, vector<16xf32>)
    %sort3A_136 = arith.constant dense<true> : vector<16xi1>
    %sort3A_137, %sort3A_138, %sort3A_139 = tpu.sort %max3A_123, %max3A_123 masked %sort3A_136 : (vector<16xf32>, vector<16xf32>, vector<16xi1>) -> (vector<16xi1>, vector<16xf32>, vector<16xf32>)
    %swap3A = arith.constant 0 : index
    %swap3A_140 = tpu.vector_load %arg11[%swap3A] {strides = array<i32>} : memref<128xf32, #tpu.memory_space<vmem>>, vector<16xf32>,
    tpu.vector_store %arg11[%swap3A], %sort3A_126 {strides = array<i32>} : memref<128xf32, #tpu.memory_space<vmem>>, vector<16xf32>,
    %swap3A_141 = arith.constant 16 : index
    %swap3A_142 = tpu.vector_load %arg11[%swap3A_141] {strides = array<i32>} : memref<128xf32, #tpu.memory_space<vmem>>, vector<16xf32>,
    tpu.vector_store %arg11[%swap3A_141], %sort3A_130 {strides = array<i32>} : memref<128xf32, #tpu.memory_space<vmem>>, vector<16xf32>,
    %swap3A_143 = arith.constant 32 : index
    %swap3A_144 = tpu.vector_load %arg11[%swap3A_143] {strides = array<i32>} : memref<128xf32, #tpu.memory_space<vmem>>, vector<16xf32>,
    tpu.vector_store %arg11[%swap3A_143], %sort3A_134 {strides = array<i32>} : memref<128xf32, #tpu.memory_space<vmem>>, vector<16xf32>,
    %swap3A_145 = arith.constant 48 : index
    %swap3A_146 = tpu.vector_load %arg11[%swap3A_145] {strides = array<i32>} : memref<128xf32, #tpu.memory_space<vmem>>, vector<16xf32>,
    tpu.vector_store %arg11[%swap3A_145], %sort3A_138 {strides = array<i32>} : memref<128xf32, #tpu.memory_space<vmem>>, vector<16xf32>,
    %run_scoped3A = arith.constant 0 : i32
    "tpu.region"() ({
      %run_scoped3A_281 = tpu.sem_alloc : memref<!tpu.dma_semaphore, #tpu.memory_space<semaphore_mem>>
      %dma_start3A = arith.constant 0 : i32
      %dma_start3A_282 = tpu.memref_slice %arg18[%run_scoped3A, %arg1, %dma_start3A] : memref<2x16x128xf32, #tpu.memory_space<vmem_shared>> -> memref<1x1x128xf32, #tpu.memory_space<vmem_shared>>
      %dma_start3A_283 = tpu.memref_squeeze %dma_start3A_282 : memref<1x1x128xf32, #tpu.memory_space<vmem_shared>> -> memref<128xf32, #tpu.memory_space<vmem_shared>>
      %dma_start3A_284 = arith.constant 0 : i32
      %dma_start3A_285 = tpu.memref_slice %arg18[%run_scoped3A, %arg1, %dma_start3A_284] : memref<2x16x128xf32, #tpu.memory_space<vmem_shared>> -> memref<1x1x128xf32, #tpu.memory_space<vmem_shared>>
      %dma_start3A_286 = tpu.memref_squeeze %dma_start3A_285 : memref<1x1x128xf32, #tpu.memory_space<vmem_shared>> -> memref<128xf32, #tpu.memory_space<vmem_shared>>
      tpu.enqueue_dma source(%arg11 : memref<128xf32, #tpu.memory_space<vmem>>) target(%dma_start3A_286 : memref<128xf32, #tpu.memory_space<vmem_shared>>) target_semaphore(%run_scoped3A_281 : memref<!tpu.dma_semaphore, #tpu.memory_space<semaphore_mem>>)
      %dma_wait3A = arith.constant 0 : i32
      %dma_wait3A_287 = tpu.memref_slice %arg18[%run_scoped3A, %arg1, %dma_wait3A] : memref<2x16x128xf32, #tpu.memory_space<vmem_shared>> -> memref<1x1x128xf32, #tpu.memory_space<vmem_shared>>
      %dma_wait3A_288 = tpu.memref_squeeze %dma_wait3A_287 : memref<1x1x128xf32, #tpu.memory_space<vmem_shared>> -> memref<128xf32, #tpu.memory_space<vmem_shared>>
      %dma_wait3A_289 = arith.constant 0 : i32
      %dma_wait3A_290 = tpu.memref_slice %arg18[%run_scoped3A, %arg1, %dma_wait3A_289] : memref<2x16x128xf32, #tpu.memory_space<vmem_shared>> -> memref<1x1x128xf32, #tpu.memory_space<vmem_shared>>
      %dma_wait3A_291 = tpu.memref_squeeze %dma_wait3A_290 : memref<1x1x128xf32, #tpu.memory_space<vmem_shared>> -> memref<128xf32, #tpu.memory_space<vmem_shared>>
      tpu.wait_dma2 semaphore(%run_scoped3A_281 : memref<!tpu.dma_semaphore, #tpu.memory_space<semaphore_mem>>) src(%arg11 : memref<128xf32, #tpu.memory_space<vmem>>) dst(%dma_wait3A_291 : memref<128xf32, #tpu.memory_space<vmem_shared>>)
      tpu.yield
    }) : () -> ()
    %neg3A = arith.constant 0.000000e+00 : f32
    %neg3A_147 = vector.broadcast %neg3A : f32 to vector<16xf32>
    %neg3A_148 = arith.subf %neg3A_147, %get3A_46 : vector<16xf32>
    %neg3A_149 = arith.constant 0.000000e+00 : f32
    %neg3A_150 = vector.broadcast %neg3A_149 : f32 to vector<16xf32>
    %neg3A_151 = arith.subf %neg3A_150, %get3A_48 : vector<16xf32>
    %neg3A_152 = arith.constant 0.000000e+00 : f32
    %neg3A_153 = vector.broadcast %neg3A_152 : f32 to vector<16xf32>
    %neg3A_154 = arith.subf %neg3A_153, %get3A_50 : vector<16xf32>
    %neg3A_155 = arith.constant 0.000000e+00 : f32
    %neg3A_156 = vector.broadcast %neg3A_155 : f32 to vector<16xf32>
    %neg3A_157 = arith.subf %neg3A_156, %get3A_52 : vector<16xf32>
    %select_n3A_158 = arith.select %lt3A_45, %neg3A_157, %broadcast_in_dim3A_41 : vector<16xi1>, vector<16xf32>
    %sort3A_159 = arith.constant dense<true> : vector<16xi1>
    %sort3A_160, %sort3A_161, %sort3A_162 = tpu.sort %neg3A_148, %neg3A_148 masked %sort3A_159 : (vector<16xf32>, vector<16xf32>, vector<16xi1>) -> (vector<16xi1>, vector<16xf32>, vector<16xf32>)
    %sort3A_163 = arith.constant dense<true> : vector<16xi1>
    %sort3A_164, %sort3A_165, %sort3A_166 = tpu.sort %neg3A_151, %neg3A_151 masked %sort3A_163 : (vector<16xf32>, vector<16xf32>, vector<16xi1>) -> (vector<16xi1>, vector<16xf32>, vector<16xf32>)
    %sort3A_167 = arith.constant dense<true> : vector<16xi1>
    %sort3A_168, %sort3A_169, %sort3A_170 = tpu.sort %neg3A_154, %neg3A_154 masked %sort3A_167 : (vector<16xf32>, vector<16xf32>, vector<16xi1>) -> (vector<16xi1>, vector<16xf32>, vector<16xf32>)
    %sort3A_171 = arith.constant dense<true> : vector<16xi1>
    %sort3A_172, %sort3A_173, %sort3A_174 = tpu.sort %select_n3A_158, %select_n3A_158 masked %sort3A_171 : (vector<16xf32>, vector<16xf32>, vector<16xi1>) -> (vector<16xi1>, vector<16xf32>, vector<16xf32>)
    %rev3A_175 = arith.constant 15 : i32
    %rev3A_176 = vector.broadcast %rev3A_175 : i32 to vector<16xi32>
    %rev3A_177 = tpu.iota {dimensions = array<i32: 0>} : vector<16xi32>
    %rev3A_178 = arith.subi %rev3A_176, %rev3A_177 : vector<16xi32>
    %rev3A_179 = tpu.dynamic_gather %sort3A_165[%rev3A_178] in [0] : vector<16xf32>, vector<16xi32> -> vector<16xf32>
    %min3A_180 = arith.minimumf %sort3A_161, %rev3A_179 : vector<16xf32>
    %max3A_181 = arith.maximumf %sort3A_161, %rev3A_179 : vector<16xf32>
    %sort3A_182 = arith.constant dense<true> : vector<16xi1>
    %sort3A_183, %sort3A_184, %sort3A_185 = tpu.sort %min3A_180, %min3A_180 masked %sort3A_182 : (vector<16xf32>, vector<16xf32>, vector<16xi1>) -> (vector<16xi1>, vector<16xf32>, vector<16xf32>)
    %sort3A_186 = arith.constant dense<true> : vector<16xi1>
    %sort3A_187, %sort3A_188, %sort3A_189 = tpu.sort %max3A_181, %max3A_181 masked %sort3A_186 : (vector<16xf32>, vector<16xf32>, vector<16xi1>) -> (vector<16xi1>, vector<16xf32>, vector<16xf32>)
    %rev3A_190 = arith.constant 15 : i32
    %rev3A_191 = vector.broadcast %rev3A_190 : i32 to vector<16xi32>
    %rev3A_192 = tpu.iota {dimensions = array<i32: 0>} : vector<16xi32>
    %rev3A_193 = arith.subi %rev3A_191, %rev3A_192 : vector<16xi32>
    %rev3A_194 = tpu.dynamic_gather %sort3A_173[%rev3A_193] in [0] : vector<16xf32>, vector<16xi32> -> vector<16xf32>
    %min3A_195 = arith.minimumf %sort3A_169, %rev3A_194 : vector<16xf32>
    %max3A_196 = arith.maximumf %sort3A_169, %rev3A_194 : vector<16xf32>
    %sort3A_197 = arith.constant dense<true> : vector<16xi1>
    %sort3A_198, %sort3A_199, %sort3A_200 = tpu.sort %min3A_195, %min3A_195 masked %sort3A_197 : (vector<16xf32>, vector<16xf32>, vector<16xi1>) -> (vector<16xi1>, vector<16xf32>, vector<16xf32>)
    %sort3A_201 = arith.constant dense<true> : vector<16xi1>
    %sort3A_202, %sort3A_203, %sort3A_204 = tpu.sort %max3A_196, %max3A_196 masked %sort3A_201 : (vector<16xf32>, vector<16xf32>, vector<16xi1>) -> (vector<16xi1>, vector<16xf32>, vector<16xf32>)
    %rev3A_205 = arith.constant 15 : i32
    %rev3A_206 = vector.broadcast %rev3A_205 : i32 to vector<16xi32>
    %rev3A_207 = tpu.iota {dimensions = array<i32: 0>} : vector<16xi32>
    %rev3A_208 = arith.subi %rev3A_206, %rev3A_207 : vector<16xi32>
    %rev3A_209 = tpu.dynamic_gather %sort3A_203[%rev3A_208] in [0] : vector<16xf32>, vector<16xi32> -> vector<16xf32>
    %min3A_210 = arith.minimumf %sort3A_184, %rev3A_209 : vector<16xf32>
    %rev3A_211 = arith.constant 15 : i32
    %rev3A_212 = vector.broadcast %rev3A_211 : i32 to vector<16xi32>
    %rev3A_213 = tpu.iota {dimensions = array<i32: 0>} : vector<16xi32>
    %rev3A_214 = arith.subi %rev3A_212, %rev3A_213 : vector<16xi32>
    %rev3A_215 = tpu.dynamic_gather %sort3A_199[%rev3A_214] in [0] : vector<16xf32>, vector<16xi32> -> vector<16xf32>
    %min3A_216 = arith.minimumf %sort3A_188, %rev3A_215 : vector<16xf32>
    %rev3A_217 = arith.constant 15 : i32
    %rev3A_218 = vector.broadcast %rev3A_217 : i32 to vector<16xi32>
    %rev3A_219 = tpu.iota {dimensions = array<i32: 0>} : vector<16xi32>
    %rev3A_220 = arith.subi %rev3A_218, %rev3A_219 : vector<16xi32>
    %rev3A_221 = tpu.dynamic_gather %sort3A_203[%rev3A_220] in [0] : vector<16xf32>, vector<16xi32> -> vector<16xf32>
    %max3A_222 = arith.maximumf %sort3A_184, %rev3A_221 : vector<16xf32>
    %rev3A_223 = arith.constant 15 : i32
    %rev3A_224 = vector.broadcast %rev3A_223 : i32 to vector<16xi32>
    %rev3A_225 = tpu.iota {dimensions = array<i32: 0>} : vector<16xi32>
    %rev3A_226 = arith.subi %rev3A_224, %rev3A_225 : vector<16xi32>
    %rev3A_227 = tpu.dynamic_gather %sort3A_199[%rev3A_226] in [0] : vector<16xf32>, vector<16xi32> -> vector<16xf32>
    %max3A_228 = arith.maximumf %sort3A_188, %rev3A_227 : vector<16xf32>
    %min3A_229 = arith.minimumf %min3A_210, %min3A_216 : vector<16xf32>
    %max3A_230 = arith.maximumf %min3A_210, %min3A_216 : vector<16xf32>
    %min3A_231 = arith.minimumf %max3A_222, %max3A_228 : vector<16xf32>
    %max3A_232 = arith.maximumf %max3A_222, %max3A_228 : vector<16xf32>
    %sort3A_233 = arith.constant dense<true> : vector<16xi1>
    %sort3A_234, %sort3A_235, %sort3A_236 = tpu.sort %min3A_229, %min3A_229 masked %sort3A_233 : (vector<16xf32>, vector<16xf32>, vector<16xi1>) -> (vector<16xi1>, vector<16xf32>, vector<16xf32>)
    %sort3A_237 = arith.constant dense<true> : vector<16xi1>
    %sort3A_238, %sort3A_239, %sort3A_240 = tpu.sort %max3A_230, %max3A_230 masked %sort3A_237 : (vector<16xf32>, vector<16xf32>, vector<16xi1>) -> (vector<16xi1>, vector<16xf32>, vector<16xf32>)
    %sort3A_241 = arith.constant dense<true> : vector<16xi1>
    %sort3A_242, %sort3A_243, %sort3A_244 = tpu.sort %min3A_231, %min3A_231 masked %sort3A_241 : (vector<16xf32>, vector<16xf32>, vector<16xi1>) -> (vector<16xi1>, vector<16xf32>, vector<16xf32>)
    %sort3A_245 = arith.constant dense<true> : vector<16xi1>
    %sort3A_246, %sort3A_247, %sort3A_248 = tpu.sort %max3A_232, %max3A_232 masked %sort3A_245 : (vector<16xf32>, vector<16xf32>, vector<16xi1>) -> (vector<16xi1>, vector<16xf32>, vector<16xf32>)
    %swap3A_249 = arith.constant 0 : index
    %swap3A_250 = tpu.vector_load %arg12[%swap3A_249] {strides = array<i32>} : memref<128xf32, #tpu.memory_space<vmem>>, vector<16xf32>,
    tpu.vector_store %arg12[%swap3A_249], %sort3A_235 {strides = array<i32>} : memref<128xf32, #tpu.memory_space<vmem>>, vector<16xf32>,
    %swap3A_251 = arith.constant 16 : index
    %swap3A_252 = tpu.vector_load %arg12[%swap3A_251] {strides = array<i32>} : memref<128xf32, #tpu.memory_space<vmem>>, vector<16xf32>,
    tpu.vector_store %arg12[%swap3A_251], %sort3A_239 {strides = array<i32>} : memref<128xf32, #tpu.memory_space<vmem>>, vector<16xf32>,
    %swap3A_253 = arith.constant 32 : index
    %swap3A_254 = tpu.vector_load %arg12[%swap3A_253] {strides = array<i32>} : memref<128xf32, #tpu.memory_space<vmem>>, vector<16xf32>,
    tpu.vector_store %arg12[%swap3A_253], %sort3A_243 {strides = array<i32>} : memref<128xf32, #tpu.memory_space<vmem>>, vector<16xf32>,
    %swap3A_255 = arith.constant 48 : index
    %swap3A_256 = tpu.vector_load %arg12[%swap3A_255] {strides = array<i32>} : memref<128xf32, #tpu.memory_space<vmem>>, vector<16xf32>,
    tpu.vector_store %arg12[%swap3A_255], %sort3A_247 {strides = array<i32>} : memref<128xf32, #tpu.memory_space<vmem>>, vector<16xf32>,
    %run_scoped3A_257 = arith.constant 1 : i32
    "tpu.region"() ({
      %run_scoped3A_281 = tpu.sem_alloc : memref<!tpu.dma_semaphore, #tpu.memory_space<semaphore_mem>>
      %dma_start3A = arith.constant 0 : i32
      %dma_start3A_282 = tpu.memref_slice %arg18[%run_scoped3A_257, %arg1, %dma_start3A] : memref<2x16x128xf32, #tpu.memory_space<vmem_shared>> -> memref<1x1x128xf32, #tpu.memory_space<vmem_shared>>
      %dma_start3A_283 = tpu.memref_squeeze %dma_start3A_282 : memref<1x1x128xf32, #tpu.memory_space<vmem_shared>> -> memref<128xf32, #tpu.memory_space<vmem_shared>>
      %dma_start3A_284 = arith.constant 0 : i32
      %dma_start3A_285 = tpu.memref_slice %arg18[%run_scoped3A_257, %arg1, %dma_start3A_284] : memref<2x16x128xf32, #tpu.memory_space<vmem_shared>> -> memref<1x1x128xf32, #tpu.memory_space<vmem_shared>>
      %dma_start3A_286 = tpu.memref_squeeze %dma_start3A_285 : memref<1x1x128xf32, #tpu.memory_space<vmem_shared>> -> memref<128xf32, #tpu.memory_space<vmem_shared>>
      tpu.enqueue_dma source(%arg12 : memref<128xf32, #tpu.memory_space<vmem>>) target(%dma_start3A_286 : memref<128xf32, #tpu.memory_space<vmem_shared>>) target_semaphore(%run_scoped3A_281 : memref<!tpu.dma_semaphore, #tpu.memory_space<semaphore_mem>>)
      %dma_wait3A = arith.constant 0 : i32
      %dma_wait3A_287 = tpu.memref_slice %arg18[%run_scoped3A_257, %arg1, %dma_wait3A] : memref<2x16x128xf32, #tpu.memory_space<vmem_shared>> -> memref<1x1x128xf32, #tpu.memory_space<vmem_shared>>
      %dma_wait3A_288 = tpu.memref_squeeze %dma_wait3A_287 : memref<1x1x128xf32, #tpu.memory_space<vmem_shared>> -> memref<128xf32, #tpu.memory_space<vmem_shared>>
      %dma_wait3A_289 = arith.constant 0 : i32
      %dma_wait3A_290 = tpu.memref_slice %arg18[%run_scoped3A_257, %arg1, %dma_wait3A_289] : memref<2x16x128xf32, #tpu.memory_space<vmem_shared>> -> memref<1x1x128xf32, #tpu.memory_space<vmem_shared>>
      %dma_wait3A_291 = tpu.memref_squeeze %dma_wait3A_290 : memref<1x1x128xf32, #tpu.memory_space<vmem_shared>> -> memref<128xf32, #tpu.memory_space<vmem_shared>>
      tpu.wait_dma2 semaphore(%run_scoped3A_281 : memref<!tpu.dma_semaphore, #tpu.memory_space<semaphore_mem>>) src(%arg12 : memref<128xf32, #tpu.memory_space<vmem>>) dst(%dma_wait3A_291 : memref<128xf32, #tpu.memory_space<vmem_shared>>)
      tpu.yield
    }) : () -> ()
    %barrier3A_258 = arith.constant 0 : index
    tpu.barrier barrier_id(%barrier3A_258)
    %lt3A_259 = arith.constant 2 : i32
    %lt3A_260 = arith.cmpi slt, %arg1, %lt3A_259 : i32
    %convert_element_type3A_261 = arith.extui %lt3A_260 : i1 to i32
    %cond3A_262 = arith.constant 0 : i32
    %cond3A_263 = arith.cmpi ne, %convert_element_type3A_261, %cond3A_262 : i32
    scf.if %cond3A_263 {
      "tpu.region"() ({
        %run_scoped3A_310 = tpu.sem_alloc : memref<!tpu.dma_semaphore, #tpu.memory_space<semaphore_mem>>
        %dma_start3A = arith.constant 0 : i32
        %dma_start3A_311 = arith.constant 0 : i32
        %dma_start3A_312 = tpu.memref_slice %arg18[%arg1, %dma_start3A, %dma_start3A_311] : memref<2x16x128xf32, #tpu.memory_space<vmem_shared>> -> memref<1x16x128xf32, #tpu.memory_space<vmem_shared>>
        %dma_start3A_313 = tpu.memref_squeeze %dma_start3A_312 : memref<1x16x128xf32, #tpu.memory_space<vmem_shared>> -> memref<16x128xf32, #tpu.memory_space<vmem_shared>>
        %dma_start3A_314 = arith.constant 0 : i32
        %dma_start3A_315 = arith.constant 0 : i32
        %dma_start3A_316 = tpu.memref_slice %arg18[%arg1, %dma_start3A_314, %dma_start3A_315] : memref<2x16x128xf32, #tpu.memory_space<vmem_shared>> -> memref<1x16x128xf32, #tpu.memory_space<vmem_shared>>
        %dma_start3A_317 = tpu.memref_squeeze %dma_start3A_316 : memref<1x16x128xf32, #tpu.memory_space<vmem_shared>> -> memref<16x128xf32, #tpu.memory_space<vmem_shared>>
        tpu.enqueue_dma source(%dma_start3A_317 : memref<16x128xf32, #tpu.memory_space<vmem_shared>>) target(%arg13 : memref<16x128xf32, #tpu.memory_space<vmem>>) target_semaphore(%run_scoped3A_310 : memref<!tpu.dma_semaphore, #tpu.memory_space<semaphore_mem>>)
        %dma_wait3A = arith.constant 0 : i32
        %dma_wait3A_318 = arith.constant 0 : i32
        %dma_wait3A_319 = tpu.memref_slice %arg18[%arg1, %dma_wait3A, %dma_wait3A_318] : memref<2x16x128xf32, #tpu.memory_space<vmem_shared>> -> memref<1x16x128xf32, #tpu.memory_space<vmem_shared>>
        %dma_wait3A_320 = tpu.memref_squeeze %dma_wait3A_319 : memref<1x16x128xf32, #tpu.memory_space<vmem_shared>> -> memref<16x128xf32, #tpu.memory_space<vmem_shared>>
        %dma_wait3A_321 = arith.constant 0 : i32
        %dma_wait3A_322 = arith.constant 0 : i32
        %dma_wait3A_323 = tpu.memref_slice %arg18[%arg1, %dma_wait3A_321, %dma_wait3A_322] : memref<2x16x128xf32, #tpu.memory_space<vmem_shared>> -> memref<1x16x128xf32, #tpu.memory_space<vmem_shared>>
        %dma_wait3A_324 = tpu.memref_squeeze %dma_wait3A_323 : memref<1x16x128xf32, #tpu.memory_space<vmem_shared>> -> memref<16x128xf32, #tpu.memory_space<vmem_shared>>
        tpu.wait_dma2 semaphore(%run_scoped3A_310 : memref<!tpu.dma_semaphore, #tpu.memory_space<semaphore_mem>>) src(%dma_wait3A_324 : memref<16x128xf32, #tpu.memory_space<vmem_shared>>) dst(%arg13 : memref<16x128xf32, #tpu.memory_space<vmem>>)
        tpu.yield
      }) : () -> ()
      %get3A_281 = arith.constant 0 : i32
      %get3A_282 = arith.index_cast %get3A_281 : i32 to index
      %get3A_283 = arith.constant 0 : index
      %get3A_284 = tpu.vector_load %arg13[%get3A_282, %get3A_283] {strides = array<i32>} : memref<16x128xf32, #tpu.memory_space<vmem>>, vector<16xf32>,
      %get3A_285 = arith.constant 0 : i32
      %get3A_286 = arith.index_cast %get3A_285 : i32 to index
      %get3A_287 = arith.constant 16 : index
      %get3A_288 = tpu.vector_load %arg13[%get3A_286, %get3A_287] {strides = array<i32>} : memref<16x128xf32, #tpu.memory_space<vmem>>, vector<16xf32>,
      %get3A_289 = arith.constant 0 : i32
      %get3A_290 = arith.index_cast %get3A_289 : i32 to index
      %get3A_291 = arith.constant 32 : index
      %get3A_292 = tpu.vector_load %arg13[%get3A_290, %get3A_291] {strides = array<i32>} : memref<16x128xf32, #tpu.memory_space<vmem>>, vector<16xf32>,
      %get3A_293 = arith.constant 0 : i32
      %get3A_294 = arith.index_cast %get3A_293 : i32 to index
      %get3A_295 = arith.constant 48 : index
      %get3A_296 = tpu.vector_load %arg13[%get3A_294, %get3A_295] {strides = array<i32>} : memref<16x128xf32, #tpu.memory_space<vmem>>, vector<16xf32>,
      %scan3A = arith.constant 1 : i32
      %scan3A_297 = arith.constant 15 : i32
      %scan3A_298 = arith.addi %scan3A, %scan3A_297 : i32
      %scan3A_299 = arith.constant 1 : i32
      %scan3A_300:4 = scf.for %scan3A_310 = %scan3A to %scan3A_298 step %scan3A_299 iter_args(%scan3A_311 = %get3A_284, %scan3A_312 = %get3A_288, %scan3A_313 = %get3A_292, %scan3A_314 = %get3A_296) -> (vector<16xf32>, vector<16xf32>, vector<16xf32>, vector<16xf32>)  : i32 {
        %get3A_315 = arith.index_cast %scan3A_310 : i32 to index
        %get3A_316 = arith.constant 0 : index
        %get3A_317 = tpu.vector_load %arg13[%get3A_315, %get3A_316] {strides = array<i32>} : memref<16x128xf32, #tpu.memory_space<vmem>>, vector<16xf32>,
        %get3A_318 = arith.index_cast %scan3A_310 : i32 to index
        %get3A_319 = arith.constant 16 : index
        %get3A_320 = tpu.vector_load %arg13[%get3A_318, %get3A_319] {strides = array<i32>} : memref<16x128xf32, #tpu.memory_space<vmem>>, vector<16xf32>,
        %get3A_321 = arith.index_cast %scan3A_310 : i32 to index
        %get3A_322 = arith.constant 32 : index
        %get3A_323 = tpu.vector_load %arg13[%get3A_321, %get3A_322] {strides = array<i32>} : memref<16x128xf32, #tpu.memory_space<vmem>>, vector<16xf32>,
        %get3A_324 = arith.index_cast %scan3A_310 : i32 to index
        %get3A_325 = arith.constant 48 : index
        %get3A_326 = tpu.vector_load %arg13[%get3A_324, %get3A_325] {strides = array<i32>} : memref<16x128xf32, #tpu.memory_space<vmem>>, vector<16xf32>,
        %rev3A_327 = arith.constant 15 : i32
        %rev3A_328 = vector.broadcast %rev3A_327 : i32 to vector<16xi32>
        %rev3A_329 = tpu.iota {dimensions = array<i32: 0>} : vector<16xi32>
        %rev3A_330 = arith.subi %rev3A_328, %rev3A_329 : vector<16xi32>
        %rev3A_331 = tpu.dynamic_gather %get3A_326[%rev3A_330] in [0] : vector<16xf32>, vector<16xi32> -> vector<16xf32>
        %min3A_332 = arith.minimumf %scan3A_311, %rev3A_331 : vector<16xf32>
        %rev3A_333 = arith.constant 15 : i32
        %rev3A_334 = vector.broadcast %rev3A_333 : i32 to vector<16xi32>
        %rev3A_335 = tpu.iota {dimensions = array<i32: 0>} : vector<16xi32>
        %rev3A_336 = arith.subi %rev3A_334, %rev3A_335 : vector<16xi32>
        %rev3A_337 = tpu.dynamic_gather %get3A_323[%rev3A_336] in [0] : vector<16xf32>, vector<16xi32> -> vector<16xf32>
        %min3A_338 = arith.minimumf %scan3A_312, %rev3A_337 : vector<16xf32>
        %rev3A_339 = arith.constant 15 : i32
        %rev3A_340 = vector.broadcast %rev3A_339 : i32 to vector<16xi32>
        %rev3A_341 = tpu.iota {dimensions = array<i32: 0>} : vector<16xi32>
        %rev3A_342 = arith.subi %rev3A_340, %rev3A_341 : vector<16xi32>
        %rev3A_343 = tpu.dynamic_gather %get3A_320[%rev3A_342] in [0] : vector<16xf32>, vector<16xi32> -> vector<16xf32>
        %min3A_344 = arith.minimumf %scan3A_313, %rev3A_343 : vector<16xf32>
        %rev3A_345 = arith.constant 15 : i32
        %rev3A_346 = vector.broadcast %rev3A_345 : i32 to vector<16xi32>
        %rev3A_347 = tpu.iota {dimensions = array<i32: 0>} : vector<16xi32>
        %rev3A_348 = arith.subi %rev3A_346, %rev3A_347 : vector<16xi32>
        %rev3A_349 = tpu.dynamic_gather %get3A_317[%rev3A_348] in [0] : vector<16xf32>, vector<16xi32> -> vector<16xf32>
        %min3A_350 = arith.minimumf %scan3A_314, %rev3A_349 : vector<16xf32>
        %min3A_351 = arith.minimumf %min3A_332, %min3A_344 : vector<16xf32>
        %min3A_352 = arith.minimumf %min3A_338, %min3A_350 : vector<16xf32>
        %max3A_353 = arith.maximumf %min3A_332, %min3A_344 : vector<16xf32>
        %max3A_354 = arith.maximumf %min3A_338, %min3A_350 : vector<16xf32>
        %min3A_355 = arith.minimumf %min3A_351, %min3A_352 : vector<16xf32>
        %max3A_356 = arith.maximumf %min3A_351, %min3A_352 : vector<16xf32>
        %min3A_357 = arith.minimumf %max3A_353, %max3A_354 : vector<16xf32>
        %max3A_358 = arith.maximumf %max3A_353, %max3A_354 : vector<16xf32>
        %sort3A_359 = arith.constant dense<true> : vector<16xi1>
        %sort3A_360, %sort3A_361, %sort3A_362 = tpu.sort %min3A_355, %min3A_355 masked %sort3A_359 : (vector<16xf32>, vector<16xf32>, vector<16xi1>) -> (vector<16xi1>, vector<16xf32>, vector<16xf32>)
        %sort3A_363 = arith.constant dense<true> : vector<16xi1>
        %sort3A_364, %sort3A_365, %sort3A_366 = tpu.sort %max3A_356, %max3A_356 masked %sort3A_363 : (vector<16xf32>, vector<16xf32>, vector<16xi1>) -> (vector<16xi1>, vector<16xf32>, vector<16xf32>)
        %sort3A_367 = arith.constant dense<true> : vector<16xi1>
        %sort3A_368, %sort3A_369, %sort3A_370 = tpu.sort %min3A_357, %min3A_357 masked %sort3A_367 : (vector<16xf32>, vector<16xf32>, vector<16xi1>) -> (vector<16xi1>, vector<16xf32>, vector<16xf32>)
        %sort3A_371 = arith.constant dense<true> : vector<16xi1>
        %sort3A_372, %sort3A_373, %sort3A_374 = tpu.sort %max3A_358, %max3A_358 masked %sort3A_371 : (vector<16xf32>, vector<16xf32>, vector<16xi1>) -> (vector<16xi1>, vector<16xf32>, vector<16xf32>)
        scf.yield %sort3A_361, %sort3A_365, %sort3A_369, %sort3A_373 : vector<16xf32>, vector<16xf32>, vector<16xf32>, vector<16xf32>
      }
      %scan3A_301 = arith.constant 15 : i32
      %swap3A_302 = arith.constant 0 : index
      %swap3A_303 = tpu.vector_load %arg11[%swap3A_302] {strides = array<i32>} : memref<128xf32, #tpu.memory_space<vmem>>, vector<16xf32>,
      tpu.vector_store %arg11[%swap3A_302], %scan3A_300#0 {strides = array<i32>} : memref<128xf32, #tpu.memory_space<vmem>>, vector<16xf32>,
      %swap3A_304 = arith.constant 16 : index
      %swap3A_305 = tpu.vector_load %arg11[%swap3A_304] {strides = array<i32>} : memref<128xf32, #tpu.memory_space<vmem>>, vector<16xf32>,
      tpu.vector_store %arg11[%swap3A_304], %scan3A_300#1 {strides = array<i32>} : memref<128xf32, #tpu.memory_space<vmem>>, vector<16xf32>,
      %swap3A_306 = arith.constant 32 : index
      %swap3A_307 = tpu.vector_load %arg11[%swap3A_306] {strides = array<i32>} : memref<128xf32, #tpu.memory_space<vmem>>, vector<16xf32>,
      tpu.vector_store %arg11[%swap3A_306], %scan3A_300#2 {strides = array<i32>} : memref<128xf32, #tpu.memory_space<vmem>>, vector<16xf32>,
      %swap3A_308 = arith.constant 48 : index
      %swap3A_309 = tpu.vector_load %arg11[%swap3A_308] {strides = array<i32>} : memref<128xf32, #tpu.memory_space<vmem>>, vector<16xf32>,
      tpu.vector_store %arg11[%swap3A_308], %scan3A_300#3 {strides = array<i32>} : memref<128xf32, #tpu.memory_space<vmem>>, vector<16xf32>,
      "tpu.region"() ({
        %run_scoped3A_310 = tpu.sem_alloc : memref<!tpu.dma_semaphore, #tpu.memory_space<semaphore_mem>>
        %dma_start3A = arith.constant 0 : i32
        %dma_start3A_311 = tpu.memref_slice %arg19[%arg1, %dma_start3A] : memref<2x128xf32, #tpu.memory_space<vmem_shared>> -> memref<1x128xf32, #tpu.memory_space<vmem_shared>>
        %dma_start3A_312 = tpu.memref_squeeze %dma_start3A_311 : memref<1x128xf32, #tpu.memory_space<vmem_shared>> -> memref<128xf32, #tpu.memory_space<vmem_shared>>
        %dma_start3A_313 = arith.constant 0 : i32
        %dma_start3A_314 = tpu.memref_slice %arg19[%arg1, %dma_start3A_313] : memref<2x128xf32, #tpu.memory_space<vmem_shared>> -> memref<1x128xf32, #tpu.memory_space<vmem_shared>>
        %dma_start3A_315 = tpu.memref_squeeze %dma_start3A_314 : memref<1x128xf32, #tpu.memory_space<vmem_shared>> -> memref<128xf32, #tpu.memory_space<vmem_shared>>
        tpu.enqueue_dma source(%arg11 : memref<128xf32, #tpu.memory_space<vmem>>) target(%dma_start3A_315 : memref<128xf32, #tpu.memory_space<vmem_shared>>) target_semaphore(%run_scoped3A_310 : memref<!tpu.dma_semaphore, #tpu.memory_space<semaphore_mem>>)
        %dma_wait3A = arith.constant 0 : i32
        %dma_wait3A_316 = tpu.memref_slice %arg19[%arg1, %dma_wait3A] : memref<2x128xf32, #tpu.memory_space<vmem_shared>> -> memref<1x128xf32, #tpu.memory_space<vmem_shared>>
        %dma_wait3A_317 = tpu.memref_squeeze %dma_wait3A_316 : memref<1x128xf32, #tpu.memory_space<vmem_shared>> -> memref<128xf32, #tpu.memory_space<vmem_shared>>
        %dma_wait3A_318 = arith.constant 0 : i32
        %dma_wait3A_319 = tpu.memref_slice %arg19[%arg1, %dma_wait3A_318] : memref<2x128xf32, #tpu.memory_space<vmem_shared>> -> memref<1x128xf32, #tpu.memory_space<vmem_shared>>
        %dma_wait3A_320 = tpu.memref_squeeze %dma_wait3A_319 : memref<1x128xf32, #tpu.memory_space<vmem_shared>> -> memref<128xf32, #tpu.memory_space<vmem_shared>>
        tpu.wait_dma2 semaphore(%run_scoped3A_310 : memref<!tpu.dma_semaphore, #tpu.memory_space<semaphore_mem>>) src(%arg11 : memref<128xf32, #tpu.memory_space<vmem>>) dst(%dma_wait3A_320 : memref<128xf32, #tpu.memory_space<vmem_shared>>)
        tpu.yield
      }) : () -> ()
    } else {
    }
    %barrier3A_264 = arith.constant 0 : index
    tpu.barrier barrier_id(%barrier3A_264)
    %eq3A_265 = arith.constant 0 : i32
    %eq3A_266 = arith.cmpi eq, %arg1, %eq3A_265 : i32
    %eq3A_267 = arith.constant 0 : i32
    %eq3A_268 = arith.cmpi eq, %arg0, %eq3A_267 : i32
    %and3A_269 = arith.andi %eq3A_266, %eq3A_268 : i1
    %convert_element_type3A_270 = arith.extui %and3A_269 : i1 to i32
    %cond3A_271 = arith.constant 0 : i32
    %cond3A_272 = arith.cmpi ne, %convert_element_type3A_270, %cond3A_271 : i32
    scf.if %cond3A_272 {
      "tpu.region"() ({
        %run_scoped3A_364 = tpu.sem_alloc : memref<!tpu.dma_semaphore, #tpu.memory_space<semaphore_mem>>
        tpu.enqueue_dma source(%arg19 : memref<2x128xf32, #tpu.memory_space<vmem_shared>>) target(%arg14 : memref<2x128xf32, #tpu.memory_space<vmem>>) target_semaphore(%run_scoped3A_364 : memref<!tpu.dma_semaphore, #tpu.memory_space<semaphore_mem>>)
        tpu.wait_dma2 semaphore(%run_scoped3A_364 : memref<!tpu.dma_semaphore, #tpu.memory_space<semaphore_mem>>) src(%arg19 : memref<2x128xf32, #tpu.memory_space<vmem_shared>>) dst(%arg14 : memref<2x128xf32, #tpu.memory_space<vmem>>)
        tpu.yield
      }) : () -> ()
      %iota3A_281 = tpu.iota {dimensions = array<i32: 0>} : vector<16xi32>
      %broadcast_in_dim3A_282 = arith.constant 0 : i32
      %broadcast_in_dim3A_283 = vector.broadcast %broadcast_in_dim3A_282 : i32 to vector<16xi32>
      %add3A_284 = arith.constant 0 : i32
      %add3A_285 = vector.broadcast %add3A_284 : i32 to vector<16xi32>
      %add3A_286 = arith.addi %add3A_285, %iota3A_281 : vector<16xi32>
      %lt3A_287 = arith.constant 50 : i32
      %lt3A_288 = vector.broadcast %lt3A_287 : i32 to vector<16xi32>
      %lt3A_289 = arith.cmpi slt, %add3A_286, %lt3A_288 : vector<16xi32>
      %get3A_290 = arith.constant 0 : i32
      %get3A_291 = arith.index_cast %get3A_290 : i32 to index
      %get3A_292 = arith.constant 0 : index
      %get3A_293 = tpu.vector_load %arg14[%get3A_291, %get3A_292] {strides = array<i32>} : memref<2x128xf32, #tpu.memory_space<vmem>>, vector<16xf32>,
      %get3A_294 = arith.constant 1 : i32
      %get3A_295 = arith.index_cast %get3A_294 : i32 to index
      %get3A_296 = arith.constant 0 : index
      %get3A_297 = tpu.vector_load %arg14[%get3A_295, %get3A_296] {strides = array<i32>} : memref<2x128xf32, #tpu.memory_space<vmem>>, vector<16xf32>,
      tpu.vector_store_idx %arg15[%add3A_286, %broadcast_in_dim3A_283], %get3A_293 masked %lt3A_289 : memref<50x2xf32, #tpu.memory_space<vmem>>[vector<16xi32>, vector<16xi32>], vector<16xf32>, vector<16xi1>
      %add3A_298 = arith.constant 1 : i32
      %add3A_299 = vector.broadcast %add3A_298 : i32 to vector<16xi32>
      %add3A_300 = arith.addi %broadcast_in_dim3A_283, %add3A_299 : vector<16xi32>
      %neg3A_301 = arith.constant 0.000000e+00 : f32
      %neg3A_302 = vector.broadcast %neg3A_301 : f32 to vector<16xf32>
      %neg3A_303 = arith.subf %neg3A_302, %get3A_297 : vector<16xf32>
      tpu.vector_store_idx %arg15[%add3A_286, %add3A_300], %neg3A_303 masked %lt3A_289 : memref<50x2xf32, #tpu.memory_space<vmem>>[vector<16xi32>, vector<16xi32>], vector<16xf32>, vector<16xi1>
      %add3A_304 = arith.constant 16 : i32
      %add3A_305 = vector.broadcast %add3A_304 : i32 to vector<16xi32>
      %add3A_306 = arith.addi %add3A_305, %iota3A_281 : vector<16xi32>
      %lt3A_307 = arith.constant 50 : i32
      %lt3A_308 = vector.broadcast %lt3A_307 : i32 to vector<16xi32>
      %lt3A_309 = arith.cmpi slt, %add3A_306, %lt3A_308 : vector<16xi32>
      %get3A_310 = arith.constant 0 : i32
      %get3A_311 = arith.index_cast %get3A_310 : i32 to index
      %get3A_312 = arith.constant 16 : index
      %get3A_313 = tpu.vector_load %arg14[%get3A_311, %get3A_312] {strides = array<i32>} : memref<2x128xf32, #tpu.memory_space<vmem>>, vector<16xf32>,
      %get3A_314 = arith.constant 1 : i32
      %get3A_315 = arith.index_cast %get3A_314 : i32 to index
      %get3A_316 = arith.constant 16 : index
      %get3A_317 = tpu.vector_load %arg14[%get3A_315, %get3A_316] {strides = array<i32>} : memref<2x128xf32, #tpu.memory_space<vmem>>, vector<16xf32>,
      tpu.vector_store_idx %arg15[%add3A_306, %broadcast_in_dim3A_283], %get3A_313 masked %lt3A_309 : memref<50x2xf32, #tpu.memory_space<vmem>>[vector<16xi32>, vector<16xi32>], vector<16xf32>, vector<16xi1>
      %add3A_318 = arith.constant 1 : i32
      %add3A_319 = vector.broadcast %add3A_318 : i32 to vector<16xi32>
      %add3A_320 = arith.addi %broadcast_in_dim3A_283, %add3A_319 : vector<16xi32>
      %neg3A_321 = arith.constant 0.000000e+00 : f32
      %neg3A_322 = vector.broadcast %neg3A_321 : f32 to vector<16xf32>
      %neg3A_323 = arith.subf %neg3A_322, %get3A_317 : vector<16xf32>
      tpu.vector_store_idx %arg15[%add3A_306, %add3A_320], %neg3A_323 masked %lt3A_309 : memref<50x2xf32, #tpu.memory_space<vmem>>[vector<16xi32>, vector<16xi32>], vector<16xf32>, vector<16xi1>
      %add3A_324 = arith.constant 32 : i32
      %add3A_325 = vector.broadcast %add3A_324 : i32 to vector<16xi32>
      %add3A_326 = arith.addi %add3A_325, %iota3A_281 : vector<16xi32>
      %lt3A_327 = arith.constant 50 : i32
      %lt3A_328 = vector.broadcast %lt3A_327 : i32 to vector<16xi32>
      %lt3A_329 = arith.cmpi slt, %add3A_326, %lt3A_328 : vector<16xi32>
      %get3A_330 = arith.constant 0 : i32
      %get3A_331 = arith.index_cast %get3A_330 : i32 to index
      %get3A_332 = arith.constant 32 : index
      %get3A_333 = tpu.vector_load %arg14[%get3A_331, %get3A_332] {strides = array<i32>} : memref<2x128xf32, #tpu.memory_space<vmem>>, vector<16xf32>,
      %get3A_334 = arith.constant 1 : i32
      %get3A_335 = arith.index_cast %get3A_334 : i32 to index
      %get3A_336 = arith.constant 32 : index
      %get3A_337 = tpu.vector_load %arg14[%get3A_335, %get3A_336] {strides = array<i32>} : memref<2x128xf32, #tpu.memory_space<vmem>>, vector<16xf32>,
      tpu.vector_store_idx %arg15[%add3A_326, %broadcast_in_dim3A_283], %get3A_333 masked %lt3A_329 : memref<50x2xf32, #tpu.memory_space<vmem>>[vector<16xi32>, vector<16xi32>], vector<16xf32>, vector<16xi1>
      %add3A_338 = arith.constant 1 : i32
      %add3A_339 = vector.broadcast %add3A_338 : i32 to vector<16xi32>
      %add3A_340 = arith.addi %broadcast_in_dim3A_283, %add3A_339 : vector<16xi32>
      %neg3A_341 = arith.constant 0.000000e+00 : f32
      %neg3A_342 = vector.broadcast %neg3A_341 : f32 to vector<16xf32>
      %neg3A_343 = arith.subf %neg3A_342, %get3A_337 : vector<16xf32>
      tpu.vector_store_idx %arg15[%add3A_326, %add3A_340], %neg3A_343 masked %lt3A_329 : memref<50x2xf32, #tpu.memory_space<vmem>>[vector<16xi32>, vector<16xi32>], vector<16xf32>, vector<16xi1>
      %add3A_344 = arith.constant 48 : i32
      %add3A_345 = vector.broadcast %add3A_344 : i32 to vector<16xi32>
      %add3A_346 = arith.addi %add3A_345, %iota3A_281 : vector<16xi32>
      %lt3A_347 = arith.constant 50 : i32
      %lt3A_348 = vector.broadcast %lt3A_347 : i32 to vector<16xi32>
      %lt3A_349 = arith.cmpi slt, %add3A_346, %lt3A_348 : vector<16xi32>
      %get3A_350 = arith.constant 0 : i32
      %get3A_351 = arith.index_cast %get3A_350 : i32 to index
      %get3A_352 = arith.constant 48 : index
      %get3A_353 = tpu.vector_load %arg14[%get3A_351, %get3A_352] {strides = array<i32>} : memref<2x128xf32, #tpu.memory_space<vmem>>, vector<16xf32>,
      %get3A_354 = arith.constant 1 : i32
      %get3A_355 = arith.index_cast %get3A_354 : i32 to index
      %get3A_356 = arith.constant 48 : index
      %get3A_357 = tpu.vector_load %arg14[%get3A_355, %get3A_356] {strides = array<i32>} : memref<2x128xf32, #tpu.memory_space<vmem>>, vector<16xf32>,
      tpu.vector_store_idx %arg15[%add3A_346, %broadcast_in_dim3A_283], %get3A_353 masked %lt3A_349 : memref<50x2xf32, #tpu.memory_space<vmem>>[vector<16xi32>, vector<16xi32>], vector<16xf32>, vector<16xi1>
      %add3A_358 = arith.constant 1 : i32
      %add3A_359 = vector.broadcast %add3A_358 : i32 to vector<16xi32>
      %add3A_360 = arith.addi %broadcast_in_dim3A_283, %add3A_359 : vector<16xi32>
      %neg3A_361 = arith.constant 0.000000e+00 : f32
      %neg3A_362 = vector.broadcast %neg3A_361 : f32 to vector<16xf32>
      %neg3A_363 = arith.subf %neg3A_362, %get3A_357 : vector<16xf32>
      tpu.vector_store_idx %arg15[%add3A_346, %add3A_360], %neg3A_363 masked %lt3A_349 : memref<50x2xf32, #tpu.memory_space<vmem>>[vector<16xi32>, vector<16xi32>], vector<16xf32>, vector<16xi1>
      "tpu.region"() ({
        %run_scoped3A_364 = tpu.sem_alloc : memref<!tpu.dma_semaphore, #tpu.memory_space<semaphore_mem>>
        tpu.enqueue_dma source(%arg15 : memref<50x2xf32, #tpu.memory_space<vmem>>) target(%arg5 : memref<50x2xf32, #tpu.memory_space<hbm>>) target_semaphore(%run_scoped3A_364 : memref<!tpu.dma_semaphore, #tpu.memory_space<semaphore_mem>>)
        tpu.wait_dma2 semaphore(%run_scoped3A_364 : memref<!tpu.dma_semaphore, #tpu.memory_space<semaphore_mem>>) src(%arg15 : memref<50x2xf32, #tpu.memory_space<vmem>>) dst(%arg5 : memref<50x2xf32, #tpu.memory_space<hbm>>)
        tpu.yield
      }) : () -> ()
    } else {
    }
    %eq3A_273 = arith.constant 1 : i32
    %eq3A_274 = arith.cmpi eq, %arg1, %eq3A_273 : i32
    %ne3A_275 = arith.constant 0 : i32
    %ne3A_276 = arith.cmpi ne, %arg0, %ne3A_275 : i32
    %and3A_277 = arith.andi %eq3A_274, %ne3A_276 : i1
    %convert_element_type3A_278 = arith.extui %and3A_277 : i1 to i32
    %cond3A_279 = arith.constant 0 : i32
    %cond3A_280 = arith.cmpi ne, %convert_element_type3A_278, %cond3A_279 : i32
    scf.if %cond3A_280 {
      "tpu.region"() ({
        %run_scoped3A_364 = tpu.sem_alloc : memref<!tpu.dma_semaphore, #tpu.memory_space<semaphore_mem>>
        tpu.enqueue_dma source(%arg19 : memref<2x128xf32, #tpu.memory_space<vmem_shared>>) target(%arg14 : memref<2x128xf32, #tpu.memory_space<vmem>>) target_semaphore(%run_scoped3A_364 : memref<!tpu.dma_semaphore, #tpu.memory_space<semaphore_mem>>)
        tpu.wait_dma2 semaphore(%run_scoped3A_364 : memref<!tpu.dma_semaphore, #tpu.memory_space<semaphore_mem>>) src(%arg19 : memref<2x128xf32, #tpu.memory_space<vmem_shared>>) dst(%arg14 : memref<2x128xf32, #tpu.memory_space<vmem>>)
        tpu.yield
      }) : () -> ()
      %iota3A_281 = tpu.iota {dimensions = array<i32: 0>} : vector<16xi32>
      %broadcast_in_dim3A_282 = arith.constant 0 : i32
      %broadcast_in_dim3A_283 = vector.broadcast %broadcast_in_dim3A_282 : i32 to vector<16xi32>
      %add3A_284 = arith.constant 0 : i32
      %add3A_285 = vector.broadcast %add3A_284 : i32 to vector<16xi32>
      %add3A_286 = arith.addi %add3A_285, %iota3A_281 : vector<16xi32>
      %lt3A_287 = arith.constant 50 : i32
      %lt3A_288 = vector.broadcast %lt3A_287 : i32 to vector<16xi32>
      %lt3A_289 = arith.cmpi slt, %add3A_286, %lt3A_288 : vector<16xi32>
      %get3A_290 = arith.constant 0 : i32
      %get3A_291 = arith.index_cast %get3A_290 : i32 to index
      %get3A_292 = arith.constant 0 : index
      %get3A_293 = tpu.vector_load %arg14[%get3A_291, %get3A_292] {strides = array<i32>} : memref<2x128xf32, #tpu.memory_space<vmem>>, vector<16xf32>,
      %get3A_294 = arith.constant 1 : i32
      %get3A_295 = arith.index_cast %get3A_294 : i32 to index
      %get3A_296 = arith.constant 0 : index
      %get3A_297 = tpu.vector_load %arg14[%get3A_295, %get3A_296] {strides = array<i32>} : memref<2x128xf32, #tpu.memory_space<vmem>>, vector<16xf32>,
      tpu.vector_store_idx %arg16[%add3A_286, %broadcast_in_dim3A_283], %get3A_293 masked %lt3A_289 : memref<50x2xf32, #tpu.memory_space<vmem>>[vector<16xi32>, vector<16xi32>], vector<16xf32>, vector<16xi1>
      %add3A_298 = arith.constant 1 : i32
      %add3A_299 = vector.broadcast %add3A_298 : i32 to vector<16xi32>
      %add3A_300 = arith.addi %broadcast_in_dim3A_283, %add3A_299 : vector<16xi32>
      %neg3A_301 = arith.constant 0.000000e+00 : f32
      %neg3A_302 = vector.broadcast %neg3A_301 : f32 to vector<16xf32>
      %neg3A_303 = arith.subf %neg3A_302, %get3A_297 : vector<16xf32>
      tpu.vector_store_idx %arg16[%add3A_286, %add3A_300], %neg3A_303 masked %lt3A_289 : memref<50x2xf32, #tpu.memory_space<vmem>>[vector<16xi32>, vector<16xi32>], vector<16xf32>, vector<16xi1>
      %add3A_304 = arith.constant 16 : i32
      %add3A_305 = vector.broadcast %add3A_304 : i32 to vector<16xi32>
      %add3A_306 = arith.addi %add3A_305, %iota3A_281 : vector<16xi32>
      %lt3A_307 = arith.constant 50 : i32
      %lt3A_308 = vector.broadcast %lt3A_307 : i32 to vector<16xi32>
      %lt3A_309 = arith.cmpi slt, %add3A_306, %lt3A_308 : vector<16xi32>
      %get3A_310 = arith.constant 0 : i32
      %get3A_311 = arith.index_cast %get3A_310 : i32 to index
      %get3A_312 = arith.constant 16 : index
      %get3A_313 = tpu.vector_load %arg14[%get3A_311, %get3A_312] {strides = array<i32>} : memref<2x128xf32, #tpu.memory_space<vmem>>, vector<16xf32>,
      %get3A_314 = arith.constant 1 : i32
      %get3A_315 = arith.index_cast %get3A_314 : i32 to index
      %get3A_316 = arith.constant 16 : index
      %get3A_317 = tpu.vector_load %arg14[%get3A_315, %get3A_316] {strides = array<i32>} : memref<2x128xf32, #tpu.memory_space<vmem>>, vector<16xf32>,
      tpu.vector_store_idx %arg16[%add3A_306, %broadcast_in_dim3A_283], %get3A_313 masked %lt3A_309 : memref<50x2xf32, #tpu.memory_space<vmem>>[vector<16xi32>, vector<16xi32>], vector<16xf32>, vector<16xi1>
      %add3A_318 = arith.constant 1 : i32
      %add3A_319 = vector.broadcast %add3A_318 : i32 to vector<16xi32>
      %add3A_320 = arith.addi %broadcast_in_dim3A_283, %add3A_319 : vector<16xi32>
      %neg3A_321 = arith.constant 0.000000e+00 : f32
      %neg3A_322 = vector.broadcast %neg3A_321 : f32 to vector<16xf32>
      %neg3A_323 = arith.subf %neg3A_322, %get3A_317 : vector<16xf32>
      tpu.vector_store_idx %arg16[%add3A_306, %add3A_320], %neg3A_323 masked %lt3A_309 : memref<50x2xf32, #tpu.memory_space<vmem>>[vector<16xi32>, vector<16xi32>], vector<16xf32>, vector<16xi1>
      %add3A_324 = arith.constant 32 : i32
      %add3A_325 = vector.broadcast %add3A_324 : i32 to vector<16xi32>
      %add3A_326 = arith.addi %add3A_325, %iota3A_281 : vector<16xi32>
      %lt3A_327 = arith.constant 50 : i32
      %lt3A_328 = vector.broadcast %lt3A_327 : i32 to vector<16xi32>
      %lt3A_329 = arith.cmpi slt, %add3A_326, %lt3A_328 : vector<16xi32>
      %get3A_330 = arith.constant 0 : i32
      %get3A_331 = arith.index_cast %get3A_330 : i32 to index
      %get3A_332 = arith.constant 32 : index
      %get3A_333 = tpu.vector_load %arg14[%get3A_331, %get3A_332] {strides = array<i32>} : memref<2x128xf32, #tpu.memory_space<vmem>>, vector<16xf32>,
      %get3A_334 = arith.constant 1 : i32
      %get3A_335 = arith.index_cast %get3A_334 : i32 to index
      %get3A_336 = arith.constant 32 : index
      %get3A_337 = tpu.vector_load %arg14[%get3A_335, %get3A_336] {strides = array<i32>} : memref<2x128xf32, #tpu.memory_space<vmem>>, vector<16xf32>,
      tpu.vector_store_idx %arg16[%add3A_326, %broadcast_in_dim3A_283], %get3A_333 masked %lt3A_329 : memref<50x2xf32, #tpu.memory_space<vmem>>[vector<16xi32>, vector<16xi32>], vector<16xf32>, vector<16xi1>
      %add3A_338 = arith.constant 1 : i32
      %add3A_339 = vector.broadcast %add3A_338 : i32 to vector<16xi32>
      %add3A_340 = arith.addi %broadcast_in_dim3A_283, %add3A_339 : vector<16xi32>
      %neg3A_341 = arith.constant 0.000000e+00 : f32
      %neg3A_342 = vector.broadcast %neg3A_341 : f32 to vector<16xf32>
      %neg3A_343 = arith.subf %neg3A_342, %get3A_337 : vector<16xf32>
      tpu.vector_store_idx %arg16[%add3A_326, %add3A_340], %neg3A_343 masked %lt3A_329 : memref<50x2xf32, #tpu.memory_space<vmem>>[vector<16xi32>, vector<16xi32>], vector<16xf32>, vector<16xi1>
      %add3A_344 = arith.constant 48 : i32
      %add3A_345 = vector.broadcast %add3A_344 : i32 to vector<16xi32>
      %add3A_346 = arith.addi %add3A_345, %iota3A_281 : vector<16xi32>
      %lt3A_347 = arith.constant 50 : i32
      %lt3A_348 = vector.broadcast %lt3A_347 : i32 to vector<16xi32>
      %lt3A_349 = arith.cmpi slt, %add3A_346, %lt3A_348 : vector<16xi32>
      %get3A_350 = arith.constant 0 : i32
      %get3A_351 = arith.index_cast %get3A_350 : i32 to index
      %get3A_352 = arith.constant 48 : index
      %get3A_353 = tpu.vector_load %arg14[%get3A_351, %get3A_352] {strides = array<i32>} : memref<2x128xf32, #tpu.memory_space<vmem>>, vector<16xf32>,
      %get3A_354 = arith.constant 1 : i32
      %get3A_355 = arith.index_cast %get3A_354 : i32 to index
      %get3A_356 = arith.constant 48 : index
      %get3A_357 = tpu.vector_load %arg14[%get3A_355, %get3A_356] {strides = array<i32>} : memref<2x128xf32, #tpu.memory_space<vmem>>, vector<16xf32>,
      tpu.vector_store_idx %arg16[%add3A_346, %broadcast_in_dim3A_283], %get3A_353 masked %lt3A_349 : memref<50x2xf32, #tpu.memory_space<vmem>>[vector<16xi32>, vector<16xi32>], vector<16xf32>, vector<16xi1>
      %add3A_358 = arith.constant 1 : i32
      %add3A_359 = vector.broadcast %add3A_358 : i32 to vector<16xi32>
      %add3A_360 = arith.addi %broadcast_in_dim3A_283, %add3A_359 : vector<16xi32>
      %neg3A_361 = arith.constant 0.000000e+00 : f32
      %neg3A_362 = vector.broadcast %neg3A_361 : f32 to vector<16xf32>
      %neg3A_363 = arith.subf %neg3A_362, %get3A_357 : vector<16xf32>
      tpu.vector_store_idx %arg16[%add3A_346, %add3A_360], %neg3A_363 masked %lt3A_349 : memref<50x2xf32, #tpu.memory_space<vmem>>[vector<16xi32>, vector<16xi32>], vector<16xf32>, vector<16xi1>
      "tpu.region"() ({
        %run_scoped3A_364 = tpu.sem_alloc : memref<!tpu.dma_semaphore, #tpu.memory_space<semaphore_mem>>
        tpu.enqueue_dma source(%arg16 : memref<50x2xf32, #tpu.memory_space<vmem>>) target(%arg6 : memref<50x2xf32, #tpu.memory_space<hbm>>) target_semaphore(%run_scoped3A_364 : memref<!tpu.dma_semaphore, #tpu.memory_space<semaphore_mem>>)
        tpu.wait_dma2 semaphore(%run_scoped3A_364 : memref<!tpu.dma_semaphore, #tpu.memory_space<semaphore_mem>>) src(%arg16 : memref<50x2xf32, #tpu.memory_space<vmem>>) dst(%arg6 : memref<50x2xf32, #tpu.memory_space<hbm>>)
        tpu.yield
      }) : () -> ()
    } else {
    }
    return
  }
}

</mosaic_0001>

<sc_bundles>
// kernel: _sc_call.3.cloned.1.call-start
scs
__scs_entry_jumppad:
0x0: {  	(pc) =	sbr.rel $0x88, $3  }
0x1: {  	(tag) =	ssettag $0x0;
	lr =	simm.s32 $0x1  }
0x2: {  	[smem:$0x3F9E] =	sst lr;
	_ =	strace $0xD0000000  }
0x3: {  	_ = 	snop  }
0x4: {  	_ = 	snop  }
0x5: {  	_ = 	snop  }
0x6: {  	_ = 	snop  }
0x7: {  	_ = 	snop  }
__scs_overlays_trampoline_lowered:
0x8: {  	[smem:$0x3FAD] =	sst s0  }
0x9: {  	[smem:$0x3FAE] =	sst s1  }
0xa: {  	[smem:$0x3FAF] =	sst s2  }
0xb: {  	[smem:$0x3FB0] =	sst s3  }
0xc: {  	[smem:$0x3FB1] =	sst s4  }
0xd: {  	[smem:$0x3FB2] =	sst s5  }
0xe: {  	[smem:$0x3FB3] =	sst s6  }
0xf: {  	[smem:$0x3FB4] =	sst s7  }
0x10: {  	[smem:$0x3FB5] =	sst s8  }
0x11: {  	[smem:$0x3FB6] =	sst s9;
	s0 =	simm.s32 @!p0 $0x0  }
0x12: {  	s1 =	sld [smem:$0x3F9C];
	s0 =	simm.s32 @p0 $0x1  }
0x13: {  	[smem:$0x3FB7] =	sst s0;
	s0 =	simm.s32 @!p1 $0x0  }
0x14: {  	s2 =	sld [smem:$0x3F9B];
	s0 =	simm.s32 @p1 $0x1  }
0x15: {  	[smem:$0x3FB8] =	sst s0;
	s0 =	simm.s32 @!p2 $0x0  }
0x16: {  	s3 =	sld [smem:$0x3FDB];
	s0 =	simm.s32 @p2 $0x1  }
0x17: {  	s4 =	simm.s32 $0x1BF5;
	[smem:$0x3FBA] =	sst s0  }
0x18: {  	s0 =	sld [smem:$0x3F9D];
	_ =	swait.ge [sflag:s4], $0x0  }
0x19: {  	s7 =	sld [smem:$0x3F9E]  }
0x1a: {  	s8 =	sadd.s32 $0xFFFFE003, lr  }
0x1b: {  	s9 =	sadd.s32 $0xFFFFFEF7, lr;
	s5 =	simm.s32 $0xFFFFFFFF;
	p2 =	slt.u32 s8, $0xFFFFF086  }
0x1c: {  	p1 =	slt.u32 s9, $0xF7A;
	s5 =	simm.s32 @!p2 $0x0  }
0x1d: {  	s5 =	simm.s32 @p1 $0x1;
	p0 =	seq.s32 s7, s2  }
0x1e: {  	s7 =	smul.u32 @!p0 $0xF7A, s2;
	p2 =	seq.s32 @!p0 s5, $0x0  }
0x1f: {  	s9 =	smul.u32 $0xF7A, s1;
	s8 =	simm.s32 @!p0 $0x1BF5;
	p2 =	por !p2, p0  }
0x20: {  	[sflag:s8] =	ssyncset.s32 @!p0 $0xFFFFF086;
	s6 =	sadd.s32 @!p0 s3, s7;
	s7 =	simm.s32 @!p0 $0x108  }
0x21: {  	s3 =	sadd.s32 s3, s9;
	s6 =	sadd.s32 @!p0 $0x88, s6;
	s7 =	simm.s32 @p2 $0x1082  }
0x22: {  	[simem:s7], [sflag:s8] =	dma.local @!p0 [hbm:s6], $0xF7A  }
0x23: {  	s9 =	sor.u32 $0xD0000000, s2;
	s6 =	simm.s32 $0x108;
	_ =	swait.ge @!p0 [sflag:s8], $0x0  }
0x24: {  	s3 =	sadd.s32 $0x88, s3;
	s6 =	simm.s32 @!p1 $0x1082;
	[sflag:s4] =	ssyncset.s32 $0xFFFFF086  }
0x25: {  	[simem:s6], [sflag:s4] =	dma.local [hbm:s3], $0xF7A  }
0x26: {  	[smem:$0x3F9E] =	sst s1;
	(tag) =	ssettag s2;
	_ =	strace s9  }
0x27: {  	s1 =	sld [smem:$0x3FAE]  }
0x28: {  	s2 =	sld [smem:$0x3FAF]  }
0x29: {  	s4 =	sld [smem:$0x3FB1]  }
0x2a: {  	p0 =	seq.s32 s5, $0x0;
	s5 =	sld [smem:$0x3FB2]  }
0x2b: {  	s6 =	sld [smem:$0x3FB3]  }
0x2c: {  	s7 =	sld [smem:$0x3FB4]  }
0x2d: {  	s3 =	simm.s32 $0x108;
	s8 =	sld [smem:$0x3FB5]  }
0x2e: {  	s3 =	simm.s32 @!p0 $0x1082;
	s9 =	sld [smem:$0x3FB6]  }
0x2f: {  	lr =	sadd.s32 s0, s3;
	s0 =	sld [smem:$0x3FAD]  }
0x30: {  	s3 =	sld [smem:$0x3FB0]  }
0x31: {  	[smem:$0x3FB9] =	sst s10  }
0x32: {  	s10 =	sld [smem:$0x3FB7];
	_ =	sdelay $0x3  }
0x33: {  	p0 =	seq.s32 s10, $0x1;
	s10 =	sld [smem:$0x3FB9];
	_ =	sdelay $0x3  }
0x34: {  	[smem:$0x3FB9] =	sst s10  }
0x35: {  	s10 =	sld [smem:$0x3FB8];
	_ =	sdelay $0x3  }
0x36: {  	p1 =	seq.s32 s10, $0x1;
	s10 =	sld [smem:$0x3FB9];
	_ =	sdelay $0x3  }
0x37: {  	[smem:$0x3FB9] =	sst s10  }
0x38: {  	s10 =	sld [smem:$0x3FBA]  }
0x39: {  	_ = 	snop;
	(pc) =	sbr.ind lr, $3  }
0x3a: {  	_ = 	snop  }
0x3b: {  	_ = 	snop  }
0x3c: {  	p2 =	seq.s32 s10, $0x1;
	s10 =	sld [smem:$0x3FB9]  }
0x3d: {  	_ =	shalt  }
0x3e: {  	_ =	shalt  }
0x3f: {  	_ =	shalt  }
0x40: {  	_ =	shalt  }
0x41: {  	_ =	shalt  }
0x42: {  	_ =	shalt  }
0x43: {  	_ =	shalt  }
0x44: {  	_ =	shalt  }
0x45: {  	_ =	shalt  }
0x46: {  	_ =	shalt  }
0x47: {  	_ =	shalt  }
0x48: {  	_ =	shalt  }
0x49: {  	_ =	shalt  }
0x4a: {  	_ =	shalt  }
0x4b: {  	_ =	shalt  }
0x4c: {  	_ =	shalt  }
0x4d: {  	_ =	shalt  }
0x4e: {  	_ =	shalt  }
0x4f: {  	_ =	shalt  }
0x50: {  	_ =	shalt  }
0x51: {  	_ =	shalt  }
0x52: {  	_ =	shalt  }
0x53: {  	_ =	shalt  }
0x54: {  	_ =	shalt  }
0x55: {  	_ =	shalt  }
0x56: {  	_ =	shalt  }
0x57: {  	_ =	shalt  }
0x58: {  	_ =	shalt  }
0x59: {  	_ =	shalt  }
0x5a: {  	_ =	shalt  }
0x5b: {  	_ =	shalt  }
0x5c: {  	_ =	shalt  }
0x5d: {  	_ =	shalt  }
0x5e: {  	_ =	shalt  }
0x5f: {  	_ =	shalt  }
0x60: {  	_ =	shalt  }
0x61: {  	_ =	shalt  }
0x62: {  	_ =	shalt  }
0x63: {  	_ =	shalt  }
0x64: {  	_ =	shalt  }
0x65: {  	_ =	shalt  }
0x66: {  	_ =	shalt  }
0x67: {  	_ =	shalt  }
0x68: {  	_ =	shalt  }
0x69: {  	_ =	shalt  }
0x6a: {  	_ =	shalt  }
0x6b: {  	_ =	shalt  }
0x6c: {  	_ =	shalt  }
0x6d: {  	_ =	shalt  }
0x6e: {  	_ =	shalt  }
0x6f: {  	_ =	shalt  }
0x70: {  	_ =	shalt  }
0x71: {  	_ =	shalt  }
0x72: {  	_ =	shalt  }
0x73: {  	_ =	shalt  }
0x74: {  	_ =	shalt  }
0x75: {  	_ =	shalt  }
0x76: {  	_ =	shalt  }
0x77: {  	_ =	shalt  }
0x78: {  	_ =	shalt  }
0x79: {  	_ =	shalt  }
0x7a: {  	_ =	shalt  }
0x7b: {  	_ =	shalt  }
0x7c: {  	_ =	shalt  }
0x7d: {  	_ =	shalt  }
0x7e: {  	_ =	shalt  }
0x7f: {  	_ =	shalt  }
0x80: {  	_ =	shalt  }
0x81: {  	_ =	shalt  }
0x82: {  	_ =	shalt  }
0x83: {  	_ =	shalt  }
0x84: {  	_ =	shalt  }
0x85: {  	_ =	shalt  }
0x86: {  	_ =	shalt  }
0x87: {  	_ =	shalt  }
.Lfunc_end0:
.L_simem_size_0:
called_computation_lowered:
.L_overlay_start_0:
0x88: {  	s2 =	sld [smem:$0x3FD9]  }
0x89: {  	s3 =	sld [smem:$0x3FFE];
	_ =	sdelay $0x1  }
0x8a: {  	s1 =	srdreg.scid  }
0x8b: {  	s0 =	sand.u32 $0x1, s1  }
0x8c: {  	s17 =	sshll.u32 s0, $0xA;
	s2 =	sadd.s32 s3, s2  }
0x8d: {  	s2 =	sadd.s32 s2, s17  }
0x8e: {  	[smem:$0x3FC5] =	sst s2  }
0x8f: {  	_ = 	snop  }
0x90: {  	s2 =	sld [smem:$0x3FC9]  }
0x91: {  	s18 =	sld [smem:$0x3FC8]  }
0x92: {  	s4 =	sld [smem:$0x3FC7];
	(tm) =	ssettm $0x1  }
0x93: {  	s5 =	sld [smem:$0x3FFB];
	_ =	sdelay $0x3  }
0x94: {  	_ =	strace s5  }
0x95: {  	s5 =	sld [smem:$0x3FFC];
	_ =	sdelay $0x3  }
0x96: {  	_ =	strace s5  }
0x97: {  	s5 =	sld [smem:$0x3FFD];
	_ =	sdelay $0x3  }
0x98: {  	_ =	strace s5  }
0x99: {  	_ =	strace $0x8FFFFFFF  }
0x9a: {  	s19 =	sld [smem:$0x3FDB];
	_ =	sdelay $0x1  }
0x9b: {  	s6 =	simm.s32 $_scs_section_size  }
0x9c: {  	s7 =	simm.s32 $_size__tile_overlayer_lowered;
	s8 =	simm.s32 $_tile_overlayer_lowered  }
0x9d: {  	s22 =	simm.s32 $0x1BFF;
	s21 =	sshll.u32 s8, $0x1;
	s5 =	sadd.s32 s6, s19  }
0x9e: {  	s9 =	simm.s32 $0x0;
	s20 =	sshll.u32 s7, $0x1;
	s7 =	sadd.s32 s21, s5  }
0x9f: {  	[timem:s9], [sflag:s22] =	dma.local [hbm:s7], s20  }
0xa0: {  	_ =	swait.ge [sflag:s22], s20  }
0xa1: {  	s6 =	ssub.s32 $0x0, s20;
	[sflag:s22] =	ssyncset.done $0x0  }
0xa2: {  	[sflag:s22] =	ssyncadd.s32 s6;
	_ =	sdelay $0x1  }
0xa3: {  	s23 =	simm.s32 $0x1B8B  }
0xa4: {  	_ =	swait.ge [sflag:s23], $0x1  }
0xa5: {  	[sflag:s23] =	ssyncset.done $0x0  }
0xa6: {  	s25 =	simm.s32 $0x1B8E;
	s24 =	sld [smem:$0x3FFE];
	[sflag:s23] =	ssyncadd.s32 $0xFFFFFFFF  }
0xa7: {  	s26 =	simm.s32 $execute0_lowered;
	[smem:$0x3FD2] =	sst s25  }
0xa8: {  	s7 =	sshll.u32 s26, $0x1;
	_ =	strace $0x80000046;
	[dreg:$0x1] =	wrdreg $0xFFFFFFFF  }
0xa9: {  	s28 =	simm.s32 $_size_execute0_lowered;
	s5 =	sadd.s32 s5, s7;
	[dreg:$0x0] =	wrdreg $0x0  }
0xaa: {  	s7 =	sshll.u32 s28, $0x1;
	[dreg:$0x2] =	wrdreg s5  }
0xab: {  	[dreg:$0x3] =	wrdreg s7  }
0xac: {  	[dreg:$0x4] =	wrdreg $0xC0  }
0xad: {  	_ =	task [dreg:s9], $0x5FFFF  }
0xae: {  	[dreg:$0x1] =	wrdreg $0xFFFFFFFF  }
0xaf: {  	[dreg:$0x0] =	wrdreg $0x60  }
0xb0: {  	[dreg:$0x2] =	wrdreg s2  }
0xb1: {  	[dreg:$0x3] =	wrdreg s18  }
0xb2: {  	[dreg:$0x4] =	wrdreg s4  }
0xb3: {  	[dreg:$0x5] =	wrdreg s24  }
0xb4: {  	[dreg:$0x6] =	wrdreg $0x10B000  }
0xb5: {  	[dreg:$0x7] =	wrdreg $0x10C000  }
0xb6: {  	[dreg:$0x8] =	wrdreg $0x10A800  }
0xb7: {  	[dreg:$0x9] =	wrdreg $0x9  }
0xb8: {  	_ =	task.clear_ibuf [dreg:s9], $0xAFFFF;
	_ =	strace $0x90000046  }
0xb9: {  	s29 =	simm.s32 $0x9;
	_ =	strace $0x80000048  }
0xba: {  	_ =	swait.ge [sflag:s29], $0x1  }
0xbb: {  	[sflag:s29] =	ssyncadd.s32 $0xFFFFFFFF  }
0xbc: {  	_ =	strace $0x90000048  }
0xbd: {  	_ =	sfence  }
0xbe: {  	s30 =	sld [smem:$0x0];
	_ =	sdelay $0x2  }
0xbf: {  	s31 =	sshll.u32 s1, $0xD;
	s1 =	sshrl.u32 s1, $0x2  }
0xc0: {  	s3 =	sand.u32 $0x4000, s31;
	s1 =	sadd.s32 s1, s30  }
0xc1: {  	s0 =	sor.u32 s3, s0;
	s1 =	sshll.u32 s1, $0x11  }
0xc2: {  	s0 =	sor.u32 s1, s0  }
0xc3: {  	s0 =	sadd.s32 $0x8F2B, s0  }
0xc4: {  	[sflag:s0] =	ssyncadd.remote.s32 $0x1  }
0xc5: {  	_ =	sfence.sel $0xFFFF  }
0xc6: {  	[dreg:$0x0] =	wrdreg $0xFFFFFFFF;
	(pc) =	sbr.abs _section_cstart, $3  }
0xc7: {  	[dreg:$0x1] =	wrdreg $0xFFFFFFFF  }
0xc8: {  	_ =	task.clear_ibuf [dreg:s9], $0x2FFFF;
	_ =	strace $0x9FFFFFFF  }
0xc9: {  	(tm) =	ssettm $0x7FFFFFFF  }
tec
execute0_lowered:
.L_overlay_start_1:
0x0: {  	(tag) =	ssettag $0x1  }
0x1: {  	s0 =	rddreg [dreg:$0x1]  }
0x2: {  	s1 =	rddreg [dreg:$0x2]  }
0x3: {  	s4 =	rddreg [dreg:$0x3]  }
0x4: {  	s14 =	rddreg [dreg:$0x4]  }
0x5: {  	s2 =	rddreg [dreg:$0x5]  }
0x6: {  	s11 =	rddreg [dreg:$0x6]  }
0x7: {  	s3 =	simm.s32 $0x0;
	s6 =	srdreg.scid;
	s15 =	stileid.u32  }
0x8: {  	v0 =	vimm.s32 $0xBA98FEDC;
	v1 =	vimm.s32 $0x32107654;
	s8 =	simm.s32 $0x8;
	s17 =	simm.s32 $0x1;
	s19 =	simm.s32 $0xC780  }
0x9: {  	s21 =	simm.s32 $0xC880;
	s24 =	simm.s32 $0x0;
	[smem:$0x7FF] =	sst s3;
	v0 =	vunpack.c.l.s4.s8 v0;
	v1 =	vunpack.c.l.s4.s8 v1  }
0xa: {  	v3 =	vimm.s32 $0x76543210;
	s5 =	sadd.s32 $0x800, s4;
	s16 =	sand.u32 $0x1, s6;
	s7 =	smul.u32 $0x380, s15  }
0xb: {  	v4 =	vimm.s32 $0xFEDCBA98;
	p0 =	sgt.u32 s15, $0xD;
	s10 =	smul.u32 $0x1500, s15;
	s6 =	sadd.s32 $0xC00, s4;
	v0 =	vunpack.c.0.s8.s32 v0;
	v1 =	vunpack.c.0.s8.s32 v1  }
0xc: {  	v5 =	vimm.s32 $0xDCFE98BA;
	v6 =	vimm.s32 $0xEFCDAB89;
	s29 =	sshll.u32 s15, $0x7;
	s30 =	sshll.u32 s15, $0xB;
	p1 =	seq.s32 s15, $0x1  }
0xd: {  	p2 =	slt.u32 s15, $0xE;
	p4 =	sgt.u32 s15, $0x1;
	_ =	strace $0x80000047;
	v1 =	vcombine.low v1, v0;
	v0 =	vunpack.c.l.s4.s8 v5;
	v5 =	vimm.s32 $0x54761032  }
0xe: {  	v7 =	vimm.s32 $0x67452301;
	v4 =	vunpack.c.l.s4.s8 v4;
	s9 =	ssub.s32 $0x2, s16;
	s8 =	simm.s32 @!p0 $0x0;
	p0 =	seq.s32 s16, $0x1;
	v5 =	vunpack.c.l.s4.s8 v5  }
0xf: {  	v6 =	vunpack.c.l.s4.s8 v6;
	v7 =	vunpack.c.l.s4.s8 v7;
	v3 =	vunpack.c.l.s4.s8 v3;
	s11 =	sadd.s32 s29, s11;
	s31 =	sor.u32 s16, s15;
	s28 =	sshrl.u32 s9, $0x1  }
0x10: {  	s12 =	sadd.s32 $0x11F00, s7;
	v2 =	vmov s8;
	s7 =	sadd.s32 s0, s10;
	s8 =	sadd.s32 s1, s10;
	v0 =	vunpack.c.0.s8.s32 v0;
	v5 =	vunpack.c.0.s8.s32 v5  }
.Ltmp0:
0x11: {  	p1 =	por !p1, !p0;
	v4 =	vunpack.c.0.s8.s32 v4;
	v6 =	vunpack.c.0.s8.s32 v6;
	v7 =	vunpack.c.0.s8.s32 v7;
	p3 =	por !p0, p2;
	(pc) =	sbr.rel .LBB2_1-.Ltmp0, $4  }
0x12: {  	v3 =	vunpack.c.0.s8.s32 v3;
	p5 =	sne.s32 s31, $0x0;
	s4 =	ssub.s32 s9, s28;
	s9 =	sadd.s32 s0, s12;
	v5 =	vcombine.low v5, v0;
	v0 =	vlaneseq.u32  }
0x13: {  	s10 =	sadd.s32 s1, s12;
	s12 =	sadd.s32 s29, s14;
	s1 =	sadd.s32 s30, s14;
	v4 =	vand.u32 $0xF, v4;
	v6 =	vcombine.low v7, v6;
	v7 =	vmul.u32 $0xFFFFFFFF, v0  }
0x14: {  	s0 =	sadd.s32 s29, s2;
	p1 =	por !p1, !p1;
	[dreg:$0x8] =	wrdreg s1;
	v1 =	vand.u32 $0xF, v1;
	vm0 =	vgt.u32 v2, v0;
	v0 =	vcombine.low v4, v3  }
0x15: {  	s13 =	sadd.s32 $0x800, s12;
	[dreg:$0x9] =	wrdreg s0;
	s16 =	smax.u32 s4, $0x1;
	v3 =	vand.u32 $0xF, v6;
	v2 =	vand.u32 $0xF, v5;
	v4 =	vadd.s32 $0xF, v7  }
.LBB2_7:
0x16: {  	[bflag:$0x0] =	sbarrier.arrive $0xFFFF;
	s0 =	simm.s32 @!p5 $0xD180  }
0x17: {  	[tilespmem:s0], [sflag:$0x1] =	stream.linear.gather @!p5 [spmem:s2], $0x100, $0x38;
	[tilespmem:$0x10C10] =	vst v63  }
0x18: {  	s0 =	simm.s32 @!p5 $0x1  }
0x19: {  	_ =	swait.ge @!p5 [sflag:s0], $0x100  }
0x1a: {  	[sflag:s0] =	ssyncset.done @!p5 $0x0  }
0x1b: {  	v5 =	vlaneseq.u32 @!p5;
	[sflag:s0] =	ssyncadd.s32 @!p5 $0xFFFFFF00  }
0x1c: {  	v5 =	vmul.u32 @!p5 $0x80, v5;
	v6 =	vld @!p5 [tilespmem:$0xD200]  }
0x1d: {  	v7 =	vld @!p5 [tilespmem:$0xD180]  }
0x1e: {  	v8 =	vor.u32 @!p5 $0x1, v5;
	_ =	sdelay $0x2  }
0x1f: {  	s1 =	simm.s32 @!p5 $0xD280;
	v6 =	vsub.f32 @!p5 $0.0e+00, v6  }
0x20: {  	[tilespmem:v5+s1+$0x0] =	vst.idx.msk @!p5 $0xffff, v7  }
0x21: {  	[tilespmem:v8+s1+$0x0] =	vst.idx.msk @!p5 $0xffff, v6  }
0x22: {  	v6 =	vld @!p5 [tilespmem:$0xD210]  }
0x23: {  	v8 =	vor.u32 @!p5 $0x800, v5;
	v7 =	vld @!p5 [tilespmem:$0xD190]  }
0x24: {  	v9 =	vor.u32 @!p5 $0x801, v5;
	_ =	sdelay $0x2  }
0x25: {  	v6 =	vsub.f32 @!p5 $0.0e+00, v6  }
0x26: {  	[tilespmem:v8+s1+$0x0] =	vst.idx.msk @!p5 $0xffff, v7  }
0x27: {  	[tilespmem:v9+s1+$0x0] =	vst.idx.msk @!p5 $0xffff, v6  }
0x28: {  	v6 =	vld @!p5 [tilespmem:$0xD220]  }
0x29: {  	v8 =	vor.u32 @!p5 $0x1000, v5;
	v7 =	vld @!p5 [tilespmem:$0xD1A0]  }
0x2a: {  	v9 =	vor.u32 @!p5 $0x1001, v5;
	_ =	sdelay $0x2  }
0x2b: {  	v6 =	vsub.f32 @!p5 $0.0e+00, v6  }
0x2c: {  	[tilespmem:v8+s1+$0x0] =	vst.idx.msk @!p5 $0xffff, v7  }
0x2d: {  	[tilespmem:v9+s1+$0x0] =	vst.idx.msk @!p5 $0xffff, v6  }
0x2e: {  	v6 =	vld @!p5 [tilespmem:$0xD230]  }
0x2f: {  	v8 =	vor.u32 @!p5 $0x1800, v5;
	v7 =	vld @!p5 [tilespmem:$0xD1B0]  }
0x30: {  	v5 =	vor.u32 @!p5 $0x1801, v5;
	_ =	sdelay $0x2  }
0x31: {  	v6 =	vsub.f32 @!p5 $0.0e+00, v6  }
0x32: {  	[tilespmem:v8+s1+$0x0] =	vst.idx.msk @!p5 $0x3, v7  }
0x33: {  	s4 =	simm.s32 @!p5 $0x0;
	[tilespmem:v5+s1+$0x0] =	vst.idx.msk @!p5 $0x3, v6  }
0x34: {  	[hbm4b:s5+s4] =	stream.linear.scatter @!p5 [tilespmem:s1], [sflag:$0x1], $0x1900, $0x38;
	[tilespmem:$0x10C10] =	vst v63  }
0x35: {  	_ =	swait.ge @!p5 [sflag:s0], $0x1900  }
0x36: {  	[sflag:s0] =	ssyncset.done @!p5 $0x0  }
0x37: {  	[sflag:s0] =	ssyncadd.s32 @!p5 $0xFFFFE700;
	s0 =	simm.s32 @p1 $0xD180  }
0x38: {  	[tilespmem:s0], [sflag:$0x1] =	stream.linear.gather @p1 [spmem:s2], $0x100, $0x38;
	[tilespmem:$0x10C10] =	vst v63  }
0x39: {  	s0 =	simm.s32 @p1 $0x1  }
0x3a: {  	_ =	swait.ge @p1 [sflag:s0], $0x100  }
0x3b: {  	[sflag:s0] =	ssyncset.done @p1 $0x0  }
0x3c: {  	v5 =	vlaneseq.u32 @p1;
	[sflag:s0] =	ssyncadd.s32 @p1 $0xFFFFFF00  }
0x3d: {  	v5 =	vmul.u32 @p1 $0x80, v5;
	v6 =	vld @p1 [tilespmem:$0xD200]  }
0x3e: {  	v7 =	vld @p1 [tilespmem:$0xD180]  }
0x3f: {  	v8 =	vor.u32 @p1 $0x1, v5;
	_ =	sdelay $0x2  }
0x40: {  	s1 =	simm.s32 @p1 $0xEE80;
	v6 =	vsub.f32 @p1 $0.0e+00, v6  }
0x41: {  	[tilespmem:v5+s1+$0x0] =	vst.idx.msk @p1 $0xffff, v7  }
0x42: {  	[tilespmem:v8+s1+$0x0] =	vst.idx.msk @p1 $0xffff, v6  }
0x43: {  	v6 =	vld @p1 [tilespmem:$0xD210]  }
0x44: {  	v8 =	vor.u32 @p1 $0x800, v5;
	v7 =	vld @p1 [tilespmem:$0xD190]  }
0x45: {  	v9 =	vor.u32 @p1 $0x801, v5;
	_ =	sdelay $0x2  }
0x46: {  	v6 =	vsub.f32 @p1 $0.0e+00, v6  }
0x47: {  	[tilespmem:v8+s1+$0x0] =	vst.idx.msk @p1 $0xffff, v7  }
0x48: {  	[tilespmem:v9+s1+$0x0] =	vst.idx.msk @p1 $0xffff, v6  }
0x49: {  	v6 =	vld @p1 [tilespmem:$0xD220]  }
0x4a: {  	v8 =	vor.u32 @p1 $0x1000, v5;
	v7 =	vld @p1 [tilespmem:$0xD1A0]  }
0x4b: {  	v9 =	vor.u32 @p1 $0x1001, v5;
	_ =	sdelay $0x2  }
0x4c: {  	v6 =	vsub.f32 @p1 $0.0e+00, v6  }
0x4d: {  	[tilespmem:v8+s1+$0x0] =	vst.idx.msk @p1 $0xffff, v7  }
0x4e: {  	[tilespmem:v9+s1+$0x0] =	vst.idx.msk @p1 $0xffff, v6  }
0x4f: {  	v6 =	vld @p1 [tilespmem:$0xD230]  }
0x50: {  	v8 =	vor.u32 @p1 $0x1800, v5;
	v7 =	vld @p1 [tilespmem:$0xD1B0]  }
0x51: {  	v5 =	vor.u32 @p1 $0x1801, v5;
	_ =	sdelay $0x2  }
0x52: {  	s24 =	sadd.s32 $0x1, s24;
	v6 =	vsub.f32 @p1 $0.0e+00, v6  }
0x53: {  	p6 =	sne.s32 s24, s16;
	[tilespmem:v8+s1+$0x0] =	vst.idx.msk @p1 $0x3, v7  }
.Ltmp1:
0x54: {  	s4 =	simm.s32 @p1 $0x0;
	[tilespmem:v5+s1+$0x0] =	vst.idx.msk @p1 $0x3, v6;
	(pc) =	sbr.rel @!p6 .LBB2_8-.Ltmp1, $4  }
0x55: {  	[hbm4b:s6+s4] =	stream.linear.scatter @p1 [tilespmem:s1], [sflag:$0x1], $0x1900, $0x38;
	[tilespmem:$0x10C10] =	vst v63  }
0x56: {  	_ =	swait.ge @p1 [sflag:s0], $0x1900  }
0x57: {  	[sflag:s0] =	ssyncset.done @p1 $0x0  }
0x58: {  	[sflag:s0] =	ssyncadd.s32 @p1 $0xFFFFE700  }
.LBB2_1:
0x59: {  	s0 =	rddreg [dreg:$0x0]  }
0x5a: {  	[tilespmem:s3], [sflag:$0x1] =	stream.linear.gather [hbm4b:s0+s3], $0x380, $0x38;
	[tilespmem:$0x10C10] =	vst v63  }
0x5b: {  	_ =	swait.ge [sflag:s17], $0x380  }
0x5c: {  	[sflag:s17] =	ssyncset.done $0x0  }
0x5d: {  	s23 =	simm.s32 $0x380;
	[sflag:s17] =	ssyncadd.s32 $0xFFFFFC80  }
0x5e: {  	[tilespmem:s23], [sflag:$0x1] =	stream.linear.gather [hbm4b:s7+s3], $0xA800, $0x38;
	[tilespmem:$0x10C10] =	vst v63  }
0x5f: {  	_ =	swait.ge [sflag:s17], $0xA800  }
0x60: {  	[sflag:s17] =	ssyncset.done $0x0  }
0x61: {  	s1 =	simm.s32 @p0 $0x380;
	s0 =	simm.s32 @p0 $0x0;
	[sflag:s17] =	ssyncadd.s32 $0xFFFF5800  }
0x62: {  	[tilespmem:s1], [sflag:$0x1] =	stream.linear.gather @p0 [hbm4b:s8+s0], $0xA800, $0x38;
	[tilespmem:$0x10C10] =	vst v63  }
0x63: {  	s0 =	simm.s32 @p0 $0x1  }
0x64: {  	_ =	swait.ge @p0 [sflag:s0], $0xA800  }
0x65: {  	[sflag:s0] =	ssyncset.done @p0 $0x0  }
0x66: {  	s1 =	simm.s32 @!p2 $0xAB80;
	[sflag:s0] =	ssyncadd.s32 @p0 $0xFFFF5800;
	s0 =	simm.s32 @!p2 $0x0  }
0x67: {  	[tilespmem:s1], [sflag:$0x1] =	stream.linear.gather @!p2 [hbm4b:s9+s0], $0x1C00, $0x38;
	[tilespmem:$0x10C10] =	vst v63  }
0x68: {  	s0 =	simm.s32 @!p2 $0x1  }
0x69: {  	_ =	swait.ge @!p2 [sflag:s0], $0x1C00  }
0x6a: {  	s4 =	simm.s32 @!p3 $0x1;
	[sflag:s0] =	ssyncset.done @!p2 $0x0  }
0x6b: {  	s1 =	simm.s32 @!p3 $0xAB80;
	[sflag:s0] =	ssyncadd.s32 @!p2 $0xFFFFE400;
	s0 =	simm.s32 @!p3 $0x0  }
0x6c: {  	[tilespmem:s1], [sflag:$0x1] =	stream.linear.gather @!p3 [hbm4b:s10+s0], $0x1C00, $0x38;
	[tilespmem:$0x10C10] =	vst v63  }
0x6d: {  	_ =	swait.ge @!p3 [sflag:s4], $0x1C00  }
0x6e: {  	s25 =	simm.s32 $0x0;
	[sflag:s4] =	ssyncset.done @!p3 $0x0  }
0x6f: {  	s0 =	smul.u32 $0x7000, s25;
	[sflag:s4] =	ssyncadd.s32 @!p3 $0xFFFFE400  }
0x70: {  	v54 =	vld [tilespmem:$0x0]  }
0x71: {  	s22 =	sshra.s32 s0, $0x2;
	v56 =	vld [tilespmem:$0x10]  }
0x72: {  	s23 =	sand.u32 $0x300, s3;
	s1 =	sadd.s32 $0x1B80, s22;
	v58 =	vld [tilespmem:$0x20]  }
0x73: {  	s4 =	sadd.s32 $0x1780, s22;
	s26 =	sadd.s32 s23, s1;
	v61 =	vld [tilespmem:$0x60]  }
0x74: {  	s18 =	sadd.s32 s23, s4;
	v5 =	vld [tilespmem:s26+$0x0]  }
0x75: {  	v6 =	vld [tilespmem:s18+$0x70]  }
0x76: {  	v7 =	vld [tilespmem:s18+$0x60]  }
0x77: {  	v8 =	vld [tilespmem:s18+$0x50]  }
0x78: {  	v9 =	vld [tilespmem:s18+$0x40]  }
0x79: {  	v10 =	vld [tilespmem:s18+$0x30]  }
0x7a: {  	v11 =	vld [tilespmem:s18+$0x20]  }
0x7b: {  	s0 =	sadd.s32 $0x1380, s22;
	v12 =	vld [tilespmem:s18+$0x10]  }
0x7c: {  	s20 =	sadd.s32 s23, s0;
	v13 =	vld [tilespmem:s18+$0x0]  }
0x7d: {  	v14 =	vld [tilespmem:s20+$0x70]  }
0x7e: {  	v15 =	vld [tilespmem:s20+$0x60]  }
0x7f: {  	v16 =	vld [tilespmem:s20+$0x50]  }
0x80: {  	v17 =	vld [tilespmem:s20+$0x40]  }
0x81: {  	v18 =	vld [tilespmem:s20+$0x30]  }
0x82: {  	v19 =	vld [tilespmem:s20+$0x20]  }
0x83: {  	s25 =	sadd.s32 $0xB80, s22;
	v20 =	vld [tilespmem:s20+$0x10]  }
0x84: {  	s28 =	sadd.s32 s23, s25;
	v21 =	vld [tilespmem:s20+$0x0]  }
0x85: {  	v30 =	vld [tilespmem:s28+$0x70]  }
0x86: {  	v31 =	vld [tilespmem:s28+$0x60]  }
0x87: {  	v32 =	vld [tilespmem:s28+$0x50]  }
0x88: {  	v33 =	vld [tilespmem:s28+$0x40]  }
0x89: {  	v34 =	vld [tilespmem:s28+$0x30]  }
0x8a: {  	v35 =	vld [tilespmem:s28+$0x20]  }
0x8b: {  	s30 =	sadd.s32 $0x780, s22;
	v36 =	vld [tilespmem:s28+$0x10]  }
0x8c: {  	s31 =	sadd.s32 s23, s30;
	v37 =	vld [tilespmem:s28+$0x0]  }
0x8d: {  	v38 =	vld [tilespmem:s31+$0x70]  }
0x8e: {  	v39 =	vld [tilespmem:s31+$0x60]  }
0x8f: {  	v40 =	vld [tilespmem:s31+$0x50]  }
0x90: {  	v41 =	vld [tilespmem:s31+$0x40]  }
0x91: {  	v42 =	vld [tilespmem:s31+$0x30]  }
0x92: {  	v43 =	vld [tilespmem:s31+$0x20]  }
0x93: {  	s18 =	sadd.s32 $0xF80, s22;
	v44 =	vld [tilespmem:s31+$0x10]  }
0x94: {  	v45 =	vld [tilespmem:s31+$0x0];
	s26 =	sadd.s32 s23, s18  }
0x95: {  	v22 =	vld [tilespmem:s26+$0x70]  }
0x96: {  	v23 =	vld [tilespmem:s26+$0x60]  }
0x97: {  	v24 =	vld [tilespmem:s26+$0x50]  }
0x98: {  	v25 =	vld [tilespmem:s26+$0x40]  }
0x99: {  	v26 =	vld [tilespmem:s26+$0x30]  }
0x9a: {  	v27 =	vld [tilespmem:s26+$0x20]  }
0x9b: {  	s22 =	sor.u32 $0x380, s22;
	v28 =	vld [tilespmem:s26+$0x10]  }
0x9c: {  	s23 =	sadd.s32 s23, s22;
	v29 =	vld [tilespmem:s26+$0x0]  }
0x9d: {  	v46 =	vld [tilespmem:s23+$0x70]  }
0x9e: {  	v48 =	vld [tilespmem:s23+$0x50]  }
0x9f: {  	s14 =	simm.s32 $0x80;
	v49 =	vld [tilespmem:s23+$0x40]  }
0xa0: {  	s15 =	sand.u32 $0x380, s14;
	v50 =	vld [tilespmem:s23+$0x30]  }
0xa1: {  	s22 =	sadd.s32 s15, s22;
	v53 =	vld [tilespmem:s23+$0x0]  }
0xa2: {  	v55 =	vld [tilespmem:s22+$0x0]  }
0xa3: {  	v52 =	vld [tilespmem:s23+$0x10]  }
0xa4: {  	v57 =	vld [tilespmem:s22+$0x10]  }
0xa5: {  	v51 =	vld [tilespmem:s23+$0x20]  }
0xa6: {  	v59 =	vld [tilespmem:s22+$0x20];
	v53 =	vmul.f32 v53, v54  }
0xa7: {  	v54 =	vmul.f32 v55, v54;
	v55 =	vld [tilespmem:$0x30]  }
0xa8: {  	v60 =	vld [tilespmem:s22+$0x30];
	v52 =	vmul.f32 v52, v56;
	v53 =	vadd.f32 $0.0e+00, v53  }
0xa9: {  	v56 =	vmul.f32 v57, v56;
	v57 =	vld [tilespmem:$0x40];
	v54 =	vadd.f32 $0.0e+00, v54  }
0xaa: {  	v51 =	vmul.f32 v51, v58;
	v52 =	vadd.f32 v52, v53;
	v53 =	vld [tilespmem:s22+$0x40]  }
0xab: {  	v63 =	vmul.f32 v59, v58;
	v58 =	vld [tilespmem:$0x50];
	v54 =	vadd.f32 v56, v54  }
0xac: {  	v50 =	vmul.f32 v50, v55;
	v51 =	vadd.f32 v51, v52;
	v52 =	vld [tilespmem:s22+$0x50]  }
0xad: {  	v47 =	vld [tilespmem:s23+$0x60];
	v55 =	vmul.f32 v60, v55;
	v54 =	vadd.f32 v63, v54  }
0xae: {  	v62 =	vld [tilespmem:s22+$0x60];
	v49 =	vmul.f32 v49, v57;
	v50 =	vadd.f32 v50, v51  }
0xaf: {  	v63 =	vld [tilespmem:$0x70];
	v54 =	vadd.f32 v55, v54;
	v53 =	vmul.f32 v53, v57  }
0xb0: {  	v48 =	vmul.f32 v48, v58;
	v57 =	vld [tilespmem:s22+$0x70];
	v49 =	vadd.f32 v49, v50  }
0xb1: {  	s20 =	sadd.s32 s15, s30;
	v53 =	vadd.f32 v53, v54;
	v52 =	vmul.f32 v52, v58;
	v58 =	vld [tilespmem:$0x80]  }
0xb2: {  	v47 =	vmul.f32 v47, v61;
	v59 =	vld [tilespmem:s20+$0x0];
	v48 =	vadd.f32 v48, v49  }
0xb3: {  	v60 =	vld [tilespmem:$0x90];
	v51 =	vmul.f32 v62, v61;
	v52 =	vadd.f32 v52, v53  }
0xb4: {  	v61 =	vld [tilespmem:s20+$0x10];
	v46 =	vmul.f32 v46, v63;
	v47 =	vadd.f32 v47, v48  }
0xb5: {  	v62 =	vld [tilespmem:$0xA0];
	v50 =	vmul.f32 v57, v63;
	v51 =	vadd.f32 v51, v52  }
0xb6: {  	v63 =	vld [tilespmem:s20+$0x20];
	v46 =	vadd.f32 v46, v47;
	v45 =	vmul.f32 v45, v58  }
0xb7: {  	v54 =	vld [tilespmem:$0xB0];
	v49 =	vmul.f32 v59, v58;
	v50 =	vadd.f32 v50, v51  }
0xb8: {  	v55 =	vld [tilespmem:s20+$0x30];
	v44 =	vmul.f32 v44, v60;
	v45 =	vadd.f32 v45, v46  }
0xb9: {  	v56 =	vld [tilespmem:$0xC0];
	v48 =	vmul.f32 v61, v60;
	v49 =	vadd.f32 v49, v50  }
0xba: {  	v43 =	vmul.f32 v43, v62;
	v57 =	vld [tilespmem:s20+$0x40];
	v44 =	vadd.f32 v44, v45  }
0xbb: {  	v58 =	vld [tilespmem:$0xD0];
	v47 =	vmul.f32 v63, v62;
	v48 =	vadd.f32 v48, v49  }
0xbc: {  	v42 =	vmul.f32 v42, v54;
	v59 =	vld [tilespmem:s20+$0x50];
	v43 =	vadd.f32 v43, v44  }
0xbd: {  	v60 =	vld [tilespmem:$0xE0];
	v46 =	vmul.f32 v55, v54;
	v47 =	vadd.f32 v47, v48  }
0xbe: {  	v41 =	vmul.f32 v41, v56;
	v61 =	vld [tilespmem:s20+$0x60];
	v42 =	vadd.f32 v42, v43  }
0xbf: {  	v62 =	vld [tilespmem:$0xF0];
	v45 =	vmul.f32 v57, v56;
	v46 =	vadd.f32 v46, v47  }
0xc0: {  	v63 =	vld [tilespmem:s20+$0x70];
	v40 =	vmul.f32 v40, v58;
	v41 =	vadd.f32 v41, v42  }
0xc1: {  	s26 =	sadd.s32 s15, s25;
	v50 =	vld [tilespmem:$0x100];
	v44 =	vmul.f32 v59, v58;
	v45 =	vadd.f32 v45, v46  }
0xc2: {  	v51 =	vld [tilespmem:s26+$0x0];
	v39 =	vmul.f32 v39, v60;
	v40 =	vadd.f32 v40, v41  }
0xc3: {  	v52 =	vld [tilespmem:$0x110];
	v43 =	vmul.f32 v61, v60;
	v44 =	vadd.f32 v44, v45  }
0xc4: {  	v53 =	vld [tilespmem:s26+$0x10];
	v38 =	vmul.f32 v38, v62;
	v39 =	vadd.f32 v39, v40  }
0xc5: {  	v54 =	vld [tilespmem:$0x120];
	v42 =	vmul.f32 v63, v62;
	v43 =	vadd.f32 v43, v44  }
0xc6: {  	v55 =	vld [tilespmem:s26+$0x20];
	v37 =	vmul.f32 v37, v50;
	v38 =	vadd.f32 v38, v39  }
0xc7: {  	v56 =	vld [tilespmem:$0x130];
	v41 =	vmul.f32 v51, v50;
	v42 =	vadd.f32 v42, v43  }
0xc8: {  	v36 =	vmul.f32 v36, v52;
	v57 =	vld [tilespmem:s26+$0x30];
	v37 =	vadd.f32 v37, v38  }
0xc9: {  	v58 =	vld [tilespmem:$0x140];
	v40 =	vmul.f32 v53, v52;
	v41 =	vadd.f32 v41, v42  }
0xca: {  	v59 =	vld [tilespmem:s26+$0x40];
	v35 =	vmul.f32 v35, v54;
	v36 =	vadd.f32 v36, v37  }
0xcb: {  	v60 =	vld [tilespmem:$0x150];
	v39 =	vmul.f32 v55, v54;
	v40 =	vadd.f32 v40, v41  }
0xcc: {  	v61 =	vld [tilespmem:s26+$0x50];
	v34 =	vmul.f32 v34, v56;
	v35 =	vadd.f32 v35, v36  }
0xcd: {  	v62 =	vld [tilespmem:$0x160];
	v38 =	vmul.f32 v57, v56;
	v39 =	vadd.f32 v39, v40  }
0xce: {  	v63 =	vld [tilespmem:s26+$0x60];
	v33 =	vmul.f32 v33, v58;
	v34 =	vadd.f32 v34, v35  }
0xcf: {  	v42 =	vld [tilespmem:$0x170];
	v37 =	vmul.f32 v59, v58;
	v38 =	vadd.f32 v38, v39  }
0xd0: {  	v32 =	vmul.f32 v32, v60;
	v43 =	vld [tilespmem:s26+$0x70];
	v33 =	vadd.f32 v33, v34  }
0xd1: {  	s18 =	sadd.s32 s15, s18;
	v44 =	vld [tilespmem:$0x180];
	v36 =	vmul.f32 v61, v60;
	v37 =	vadd.f32 v37, v38  }
0xd2: {  	v45 =	vld [tilespmem:s18+$0x0];
	v31 =	vmul.f32 v31, v62;
	v32 =	vadd.f32 v32, v33  }
0xd3: {  	v46 =	vld [tilespmem:$0x190];
	v35 =	vmul.f32 v63, v62;
	v36 =	vadd.f32 v36, v37  }
0xd4: {  	v47 =	vld [tilespmem:s18+$0x10];
	v30 =	vmul.f32 v30, v42;
	v31 =	vadd.f32 v31, v32  }
0xd5: {  	v48 =	vld [tilespmem:$0x1A0];
	v34 =	vmul.f32 v43, v42;
	v35 =	vadd.f32 v35, v36  }
0xd6: {  	v49 =	vld [tilespmem:s18+$0x20];
	v29 =	vmul.f32 v29, v44;
	v30 =	vadd.f32 v30, v31  }
0xd7: {  	v50 =	vld [tilespmem:$0x1B0];
	v33 =	vmul.f32 v45, v44;
	v34 =	vadd.f32 v34, v35  }
0xd8: {  	v51 =	vld [tilespmem:s18+$0x30];
	v28 =	vmul.f32 v28, v46;
	v29 =	vadd.f32 v29, v30  }
0xd9: {  	v52 =	vld [tilespmem:$0x1C0];
	v32 =	vmul.f32 v47, v46;
	v33 =	vadd.f32 v33, v34  }
0xda: {  	v27 =	vmul.f32 v27, v48;
	v53 =	vld [tilespmem:s18+$0x40];
	v28 =	vadd.f32 v28, v29  }
0xdb: {  	v54 =	vld [tilespmem:$0x1D0];
	v31 =	vmul.f32 v49, v48;
	v32 =	vadd.f32 v32, v33  }
0xdc: {  	v55 =	vld [tilespmem:s18+$0x50];
	v26 =	vmul.f32 v26, v50;
	v27 =	vadd.f32 v27, v28  }
0xdd: {  	v56 =	vld [tilespmem:$0x1E0];
	v30 =	vmul.f32 v51, v50;
	v31 =	vadd.f32 v31, v32  }
0xde: {  	v57 =	vld [tilespmem:s18+$0x60];
	v25 =	vmul.f32 v25, v52;
	v26 =	vadd.f32 v26, v27  }
0xdf: {  	v58 =	vld [tilespmem:$0x1F0];
	v29 =	vmul.f32 v53, v52;
	v30 =	vadd.f32 v30, v31  }
0xe0: {  	v59 =	vld [tilespmem:s18+$0x70];
	v24 =	vmul.f32 v24, v54;
	v25 =	vadd.f32 v25, v26  }
0xe1: {  	s0 =	sadd.s32 s15, s0;
	v60 =	vld [tilespmem:$0x200];
	v28 =	vmul.f32 v55, v54;
	v29 =	vadd.f32 v29, v30  }
0xe2: {  	v61 =	vld [tilespmem:s0+$0x0];
	v23 =	vmul.f32 v23, v56;
	v24 =	vadd.f32 v24, v25  }
0xe3: {  	v62 =	vld [tilespmem:$0x210];
	v27 =	vmul.f32 v57, v56;
	v28 =	vadd.f32 v28, v29  }
0xe4: {  	v63 =	vld [tilespmem:s0+$0x10];
	v22 =	vmul.f32 v22, v58;
	v23 =	vadd.f32 v23, v24  }
0xe5: {  	v32 =	vld [tilespmem:$0x220];
	v26 =	vmul.f32 v59, v58;
	v27 =	vadd.f32 v27, v28  }
0xe6: {  	v21 =	vmul.f32 v21, v60;
	v33 =	vld [tilespmem:s0+$0x20];
	v22 =	vadd.f32 v22, v23  }
0xe7: {  	v34 =	vld [tilespmem:$0x230];
	v25 =	vmul.f32 v61, v60;
	v26 =	vadd.f32 v26, v27  }
0xe8: {  	v20 =	vmul.f32 v20, v62;
	v35 =	vld [tilespmem:s0+$0x30];
	v21 =	vadd.f32 v21, v22  }
0xe9: {  	v36 =	vld [tilespmem:$0x240];
	v24 =	vmul.f32 v63, v62;
	v25 =	vadd.f32 v25, v26  }
0xea: {  	v37 =	vld [tilespmem:s0+$0x40];
	v19 =	vmul.f32 v19, v32;
	v20 =	vadd.f32 v20, v21  }
0xeb: {  	v38 =	vld [tilespmem:$0x250];
	v23 =	vmul.f32 v33, v32;
	v24 =	vadd.f32 v24, v25  }
0xec: {  	v39 =	vld [tilespmem:s0+$0x50];
	v18 =	vmul.f32 v18, v34;
	v19 =	vadd.f32 v19, v20  }
0xed: {  	v40 =	vld [tilespmem:$0x260];
	v22 =	vmul.f32 v35, v34;
	v23 =	vadd.f32 v23, v24  }
0xee: {  	v41 =	vld [tilespmem:s0+$0x60];
	v17 =	vmul.f32 v17, v36;
	v18 =	vadd.f32 v18, v19  }
0xef: {  	v42 =	vld [tilespmem:$0x270];
	v21 =	vmul.f32 v37, v36;
	v22 =	vadd.f32 v22, v23  }
0xf0: {  	v43 =	vld [tilespmem:s0+$0x70];
	v16 =	vmul.f32 v16, v38;
	v17 =	vadd.f32 v17, v18  }
0xf1: {  	s30 =	sadd.s32 s15, s4;
	v44 =	vld [tilespmem:$0x280];
	v20 =	vmul.f32 v39, v38;
	v21 =	vadd.f32 v21, v22  }
0xf2: {  	v15 =	vmul.f32 v15, v40;
	v45 =	vld [tilespmem:s30+$0x0];
	v16 =	vadd.f32 v16, v17  }
0xf3: {  	v46 =	vld [tilespmem:$0x290];
	v19 =	vmul.f32 v41, v40;
	v20 =	vadd.f32 v20, v21  }
0xf4: {  	v47 =	vld [tilespmem:s30+$0x10];
	v14 =	vmul.f32 v14, v42;
	v15 =	vadd.f32 v15, v16  }
0xf5: {  	v48 =	vld [tilespmem:$0x2A0];
	v18 =	vmul.f32 v43, v42;
	v19 =	vadd.f32 v19, v20  }
0xf6: {  	v49 =	vld [tilespmem:s30+$0x20];
	v13 =	vmul.f32 v13, v44;
	v14 =	vadd.f32 v14, v15  }
0xf7: {  	v50 =	vld [tilespmem:$0x2B0];
	v17 =	vmul.f32 v45, v44;
	v18 =	vadd.f32 v18, v19  }
0xf8: {  	v51 =	vld [tilespmem:s30+$0x30];
	v12 =	vmul.f32 v12, v46;
	v13 =	vadd.f32 v13, v14  }
0xf9: {  	v52 =	vld [tilespmem:$0x2C0];
	v16 =	vmul.f32 v47, v46;
	v17 =	vadd.f32 v17, v18  }
0xfa: {  	v53 =	vld [tilespmem:s30+$0x40];
	v11 =	vmul.f32 v11, v48;
	v12 =	vadd.f32 v12, v13  }
0xfb: {  	v54 =	vld [tilespmem:$0x2D0];
	v15 =	vmul.f32 v49, v48;
	v16 =	vadd.f32 v16, v17  }
0xfc: {  	v55 =	vld [tilespmem:s30+$0x50];
	v10 =	vmul.f32 v10, v50;
	v11 =	vadd.f32 v11, v12  }
0xfd: {  	v56 =	vld [tilespmem:$0x2E0];
	v14 =	vmul.f32 v51, v50;
	v15 =	vadd.f32 v15, v16  }
0xfe: {  	v57 =	vld [tilespmem:s30+$0x60];
	v9 =	vmul.f32 v9, v52;
	v10 =	vadd.f32 v10, v11  }
0xff: {  	v58 =	vld [tilespmem:$0x2F0];
	v13 =	vmul.f32 v53, v52;
	v14 =	vadd.f32 v14, v15  }
0x100: {  	v59 =	vld [tilespmem:s30+$0x70];
	v8 =	vmul.f32 v8, v54;
	v9 =	vadd.f32 v9, v10  }
0x101: {  	s31 =	sadd.s32 s15, s1;
	v60 =	vld [tilespmem:$0x300];
	v12 =	vmul.f32 v55, v54;
	v13 =	vadd.f32 v13, v14  }
0x102: {  	v61 =	vld [tilespmem:s31+$0x0];
	v7 =	vmul.f32 v7, v56;
	v8 =	vadd.f32 v8, v9  }
0x103: {  	v11 =	vmul.f32 v57, v56;
	v12 =	vadd.f32 v12, v13  }
0x104: {  	v6 =	vmul.f32 v6, v58;
	v7 =	vadd.f32 v7, v8  }
0x105: {  	v10 =	vmul.f32 v59, v58;
	v8 =	vadd.f32 v11, v12  }
0x106: {  	v5 =	vmul.f32 v5, v60;
	v6 =	vadd.f32 v6, v7  }
0x107: {  	v7 =	vadd.f32 v10, v8;
	v8 =	vmul.f32 v61, v60  }
0x108: {  	v5 =	vadd.f32 v5, v6  }
0x109: {  	v6 =	vadd.f32 v8, v7  }
0x10a: {  	v7 =	vperm.xlane v5, v0  }
0x10b: {  	v8 =	vperm.xlane v6, v0  }
0x10c: {  	s0 =	simm.s32 @!p3 $0x1C;
	v5 =	vadd.f32 v7, v5  }
0x10d: {  	s0 =	simm.s32 @p3 $0x1C;
	v6 =	vadd.f32 v8, v6  }
0x10e: {  	s0 =	simm.s32 @p2 $0x18;
	v7 =	vperm.xlane v5, v1  }
0x10f: {  	s25 =	sshll.u32 s0, $0x1;
	v8 =	vperm.xlane v6, v1  }
0x110: {  	p6 =	sne.s32 s25, $0x2;
	v5 =	vadd.f32 v7, v5  }
.Ltmp2:
0x111: {  	v7 =	vadd.f32 v8, v6;
	(pc) =	sbr.rel @!p6 .LBB2_3-.Ltmp2, $4  }
0x112: {  	v6 =	vmov s3;
	v8 =	vperm.xlane v5, v2  }
0x113: {  	v63 =	vand.u32 $0xFFFFFFFE, v6;
	v62 =	vperm.xlane v7, v2  }
0x114: {  	s29 =	simm.s32 $0x0;
	v6 =	vadd.f32 v8, v5;
	v5 =	vbroadcast v63, $0x0  }
0x115: {  	s28 =	simm.s32 $0x1;
	s26 =	simm.s32 $0x2;
	s0 =	simm.s32 $0x1;
	v7 =	vadd.f32 v62, v7  }
.LBB2_2:
0x116: {  	s1 =	sshrl.u32 s28, $0x2;
	v8 =	vperm.xlane v6, v3;
	v9 =	vmov s0;
	s30 =	smov.u32 s26  }
0x117: {  	s0 =	smul.u32 $0x7000, s1;
	v10 =	vperm.xlane v7, v3  }
0x118: {  	v6 =	vadd.f32 v8, v6  }
0x119: {  	s29 =	sadd.s32 $0x100, s29;
	s4 =	sshra.s32 s0, $0x2;
	v7 =	vadd.f32 v10, v7  }
0x11a: {  	s22 =	sand.u32 $0x300, s29;
	s31 =	sadd.s32 $0x1B80, s4;
	[tilespmem:v5+s19+$0x0] =	vst.idx.msk $0x1, v6  }
0x11b: {  	s1 =	sadd.s32 $0x1780, s4;
	s0 =	sadd.s32 s22, s31;
	[tilespmem:v9+s19+$0x0] =	vst.idx.msk $0x1, v7  }
0x11c: {  	s18 =	sadd.s32 s22, s1;
	v5 =	vld [tilespmem:s0+$0x0]  }
0x11d: {  	v6 =	vld [tilespmem:s18+$0x70]  }
0x11e: {  	v7 =	vld [tilespmem:s18+$0x60]  }
0x11f: {  	v8 =	vld [tilespmem:s18+$0x50]  }
0x120: {  	v9 =	vld [tilespmem:s18+$0x40]  }
0x121: {  	v10 =	vld [tilespmem:s18+$0x30]  }
0x122: {  	v11 =	vld [tilespmem:s18+$0x20]  }
0x123: {  	s23 =	sadd.s32 $0x1380, s4;
	v12 =	vld [tilespmem:s18+$0x10]  }
0x124: {  	s20 =	sadd.s32 s22, s23;
	v13 =	vld [tilespmem:s18+$0x0]  }
0x125: {  	v14 =	vld [tilespmem:s20+$0x70]  }
0x126: {  	v15 =	vld [tilespmem:s20+$0x60]  }
0x127: {  	v16 =	vld [tilespmem:s20+$0x50]  }
0x128: {  	v17 =	vld [tilespmem:s20+$0x40]  }
0x129: {  	v18 =	vld [tilespmem:s20+$0x30]  }
0x12a: {  	v19 =	vld [tilespmem:s20+$0x20]  }
0x12b: {  	s0 =	sadd.s32 $0xF80, s4;
	v20 =	vld [tilespmem:s20+$0x10]  }
0x12c: {  	s14 =	sadd.s32 s22, s0;
	v21 =	vld [tilespmem:s20+$0x0]  }
0x12d: {  	v22 =	vld [tilespmem:s14+$0x70]  }
0x12e: {  	v23 =	vld [tilespmem:s14+$0x60]  }
0x12f: {  	v24 =	vld [tilespmem:s14+$0x50]  }
0x130: {  	v25 =	vld [tilespmem:s14+$0x40]  }
0x131: {  	v26 =	vld [tilespmem:s14+$0x30]  }
0x132: {  	v27 =	vld [tilespmem:s14+$0x20]  }
0x133: {  	s18 =	sadd.s32 $0xB80, s4;
	v28 =	vld [tilespmem:s14+$0x10]  }
0x134: {  	s15 =	sadd.s32 s22, s18;
	v29 =	vld [tilespmem:s14+$0x0]  }
0x135: {  	v30 =	vld [tilespmem:s15+$0x70]  }
0x136: {  	v31 =	vld [tilespmem:s15+$0x60]  }
0x137: {  	v32 =	vld [tilespmem:s15+$0x50]  }
0x138: {  	v33 =	vld [tilespmem:s15+$0x40]  }
0x139: {  	v34 =	vld [tilespmem:s15+$0x30]  }
0x13a: {  	v35 =	vld [tilespmem:s15+$0x20]  }
0x13b: {  	s20 =	sadd.s32 $0x780, s4;
	v36 =	vld [tilespmem:s15+$0x10]  }
0x13c: {  	s14 =	sadd.s32 s22, s20;
	v37 =	vld [tilespmem:s15+$0x0]  }
0x13d: {  	v38 =	vld [tilespmem:s14+$0x70]  }
0x13e: {  	v39 =	vld [tilespmem:s14+$0x60]  }
0x13f: {  	v40 =	vld [tilespmem:s14+$0x50]  }
0x140: {  	v41 =	vld [tilespmem:s14+$0x40]  }
0x141: {  	v42 =	vld [tilespmem:s14+$0x30]  }
0x142: {  	v43 =	vld [tilespmem:s14+$0x20]  }
0x143: {  	s15 =	sor.u32 $0x380, s4;
	v44 =	vld [tilespmem:s14+$0x10]  }
0x144: {  	s4 =	sadd.s32 s22, s15;
	v45 =	vld [tilespmem:s14+$0x0]  }
0x145: {  	v46 =	vld [tilespmem:s4+$0x70]  }
0x146: {  	v47 =	vld [tilespmem:s4+$0x60]  }
0x147: {  	v48 =	vld [tilespmem:s4+$0x50]  }
0x148: {  	s26 =	sadd.s32 $0x2, s26;
	v49 =	vld [tilespmem:s4+$0x40]  }
0x149: {  	p6 =	sne.s32 s25, s26;
	v50 =	vld [tilespmem:s4+$0x30]  }
0x14a: {  	v51 =	vld [tilespmem:s4+$0x20]  }
0x14b: {  	s14 =	sadd.s32 $0x80, s29;
	v52 =	vld [tilespmem:s4+$0x10]  }
0x14c: {  	v53 =	vld [tilespmem:s4+$0x0];
	s4 =	sand.u32 $0x380, s14  }
0x14d: {  	v54 =	vld [tilespmem:$0x0];
	s14 =	sadd.s32 s4, s15  }
0x14e: {  	v55 =	vld [tilespmem:s14+$0x0]  }
0x14f: {  	v56 =	vld [tilespmem:$0x10]  }
0x150: {  	v57 =	vld [tilespmem:s14+$0x10]  }
0x151: {  	v58 =	vld [tilespmem:$0x20]  }
0x152: {  	v53 =	vmul.f32 v53, v54;
	v59 =	vld [tilespmem:s14+$0x20]  }
0x153: {  	v54 =	vmul.f32 v55, v54;
	v55 =	vld [tilespmem:$0x30]  }
0x154: {  	v53 =	vadd.f32 $0.0e+00, v53;
	v52 =	vmul.f32 v52, v56;
	v60 =	vld [tilespmem:s14+$0x30]  }
0x155: {  	v54 =	vadd.f32 $0.0e+00, v54;
	v56 =	vmul.f32 v57, v56;
	v57 =	vld [tilespmem:$0x40]  }
0x156: {  	v52 =	vadd.f32 v52, v53;
	v51 =	vmul.f32 v51, v58;
	v53 =	vld [tilespmem:s14+$0x40]  }
0x157: {  	v54 =	vadd.f32 v56, v54;
	v56 =	vmul.f32 v59, v58;
	v58 =	vld [tilespmem:$0x50]  }
0x158: {  	v51 =	vadd.f32 v51, v52;
	v50 =	vmul.f32 v50, v55;
	v52 =	vld [tilespmem:s14+$0x50]  }
0x159: {  	v54 =	vadd.f32 v56, v54;
	v55 =	vmul.f32 v60, v55;
	v56 =	vld [tilespmem:$0x60]  }
0x15a: {  	v50 =	vadd.f32 v50, v51;
	v49 =	vmul.f32 v49, v57;
	v51 =	vld [tilespmem:s14+$0x60]  }
0x15b: {  	v54 =	vadd.f32 v55, v54;
	v53 =	vmul.f32 v53, v57;
	v55 =	vld [tilespmem:$0x70]  }
0x15c: {  	v49 =	vadd.f32 v49, v50;
	v48 =	vmul.f32 v48, v58;
	v50 =	vld [tilespmem:s14+$0x70]  }
0x15d: {  	s14 =	sadd.s32 s4, s20;
	v53 =	vadd.f32 v53, v54;
	v52 =	vmul.f32 v52, v58;
	v54 =	vld [tilespmem:$0x80]  }
0x15e: {  	v48 =	vadd.f32 v48, v49;
	v47 =	vmul.f32 v47, v56;
	v49 =	vld [tilespmem:s14+$0x0]  }
0x15f: {  	v52 =	vadd.f32 v52, v53;
	v51 =	vmul.f32 v51, v56;
	v53 =	vld [tilespmem:$0x90]  }
0x160: {  	v47 =	vadd.f32 v47, v48;
	v46 =	vmul.f32 v46, v55;
	v48 =	vld [tilespmem:s14+$0x10]  }
0x161: {  	v51 =	vadd.f32 v51, v52;
	v50 =	vmul.f32 v50, v55;
	v52 =	vld [tilespmem:$0xA0]  }
0x162: {  	v46 =	vadd.f32 v46, v47;
	v45 =	vmul.f32 v45, v54;
	v47 =	vld [tilespmem:s14+$0x20]  }
0x163: {  	v50 =	vadd.f32 v50, v51;
	v49 =	vmul.f32 v49, v54;
	v51 =	vld [tilespmem:$0xB0]  }
0x164: {  	v45 =	vadd.f32 v45, v46;
	v44 =	vmul.f32 v44, v53;
	v46 =	vld [tilespmem:s14+$0x30]  }
0x165: {  	v49 =	vadd.f32 v49, v50;
	v48 =	vmul.f32 v48, v53;
	v50 =	vld [tilespmem:$0xC0]  }
0x166: {  	v44 =	vadd.f32 v44, v45;
	v43 =	vmul.f32 v43, v52;
	v45 =	vld [tilespmem:s14+$0x40]  }
0x167: {  	v48 =	vadd.f32 v48, v49;
	v47 =	vmul.f32 v47, v52;
	v49 =	vld [tilespmem:$0xD0]  }
0x168: {  	v43 =	vadd.f32 v43, v44;
	v42 =	vmul.f32 v42, v51;
	v44 =	vld [tilespmem:s14+$0x50]  }
0x169: {  	v47 =	vadd.f32 v47, v48;
	v46 =	vmul.f32 v46, v51;
	v48 =	vld [tilespmem:$0xE0]  }
0x16a: {  	v42 =	vadd.f32 v42, v43;
	v41 =	vmul.f32 v41, v50;
	v43 =	vld [tilespmem:s14+$0x60]  }
0x16b: {  	v46 =	vadd.f32 v46, v47;
	v45 =	vmul.f32 v45, v50;
	v47 =	vld [tilespmem:$0xF0]  }
0x16c: {  	v41 =	vadd.f32 v41, v42;
	v40 =	vmul.f32 v40, v49;
	v42 =	vld [tilespmem:s14+$0x70]  }
0x16d: {  	s14 =	sadd.s32 s4, s18;
	v45 =	vadd.f32 v45, v46;
	v44 =	vmul.f32 v44, v49;
	v46 =	vld [tilespmem:$0x100]  }
0x16e: {  	v40 =	vadd.f32 v40, v41;
	v39 =	vmul.f32 v39, v48;
	v41 =	vld [tilespmem:s14+$0x0]  }
0x16f: {  	v44 =	vadd.f32 v44, v45;
	v43 =	vmul.f32 v43, v48;
	v45 =	vld [tilespmem:$0x110]  }
0x170: {  	v39 =	vadd.f32 v39, v40;
	v38 =	vmul.f32 v38, v47;
	v40 =	vld [tilespmem:s14+$0x10]  }
0x171: {  	v43 =	vadd.f32 v43, v44;
	v42 =	vmul.f32 v42, v47;
	v44 =	vld [tilespmem:$0x120]  }
0x172: {  	v38 =	vadd.f32 v38, v39;
	v37 =	vmul.f32 v37, v46;
	v39 =	vld [tilespmem:s14+$0x20]  }
0x173: {  	v42 =	vadd.f32 v42, v43;
	v41 =	vmul.f32 v41, v46;
	v43 =	vld [tilespmem:$0x130]  }
0x174: {  	v37 =	vadd.f32 v37, v38;
	v36 =	vmul.f32 v36, v45;
	v38 =	vld [tilespmem:s14+$0x30]  }
0x175: {  	v41 =	vadd.f32 v41, v42;
	v40 =	vmul.f32 v40, v45;
	v42 =	vld [tilespmem:$0x140]  }
0x176: {  	v36 =	vadd.f32 v36, v37;
	v35 =	vmul.f32 v35, v44;
	v37 =	vld [tilespmem:s14+$0x40]  }
0x177: {  	v40 =	vadd.f32 v40, v41;
	v39 =	vmul.f32 v39, v44;
	v41 =	vld [tilespmem:$0x150]  }
0x178: {  	v35 =	vadd.f32 v35, v36;
	v34 =	vmul.f32 v34, v43;
	v36 =	vld [tilespmem:s14+$0x50]  }
0x179: {  	v39 =	vadd.f32 v39, v40;
	v38 =	vmul.f32 v38, v43;
	v40 =	vld [tilespmem:$0x160]  }
0x17a: {  	v34 =	vadd.f32 v34, v35;
	v33 =	vmul.f32 v33, v42;
	v35 =	vld [tilespmem:s14+$0x60]  }
0x17b: {  	v38 =	vadd.f32 v38, v39;
	v37 =	vmul.f32 v37, v42;
	v39 =	vld [tilespmem:$0x170]  }
0x17c: {  	v33 =	vadd.f32 v33, v34;
	v32 =	vmul.f32 v32, v41;
	v34 =	vld [tilespmem:s14+$0x70]  }
0x17d: {  	s0 =	sadd.s32 s4, s0;
	v37 =	vadd.f32 v37, v38;
	v36 =	vmul.f32 v36, v41;
	v38 =	vld [tilespmem:$0x180]  }
0x17e: {  	v32 =	vadd.f32 v32, v33;
	v31 =	vmul.f32 v31, v40;
	v33 =	vld [tilespmem:s0+$0x0]  }
0x17f: {  	v36 =	vadd.f32 v36, v37;
	v35 =	vmul.f32 v35, v40;
	v37 =	vld [tilespmem:$0x190]  }
0x180: {  	v31 =	vadd.f32 v31, v32;
	v30 =	vmul.f32 v30, v39;
	v32 =	vld [tilespmem:s0+$0x10]  }
0x181: {  	v35 =	vadd.f32 v35, v36;
	v34 =	vmul.f32 v34, v39;
	v36 =	vld [tilespmem:$0x1A0]  }
0x182: {  	v30 =	vadd.f32 v30, v31;
	v29 =	vmul.f32 v29, v38;
	v31 =	vld [tilespmem:s0+$0x20]  }
0x183: {  	v34 =	vadd.f32 v34, v35;
	v33 =	vmul.f32 v33, v38;
	v35 =	vld [tilespmem:$0x1B0]  }
0x184: {  	v29 =	vadd.f32 v29, v30;
	v28 =	vmul.f32 v28, v37;
	v30 =	vld [tilespmem:s0+$0x30]  }
0x185: {  	v33 =	vadd.f32 v33, v34;
	v32 =	vmul.f32 v32, v37;
	v34 =	vld [tilespmem:$0x1C0]  }
0x186: {  	v28 =	vadd.f32 v28, v29;
	v27 =	vmul.f32 v27, v36;
	v29 =	vld [tilespmem:s0+$0x40]  }
0x187: {  	v32 =	vadd.f32 v32, v33;
	v31 =	vmul.f32 v31, v36;
	v33 =	vld [tilespmem:$0x1D0]  }
0x188: {  	v27 =	vadd.f32 v27, v28;
	v26 =	vmul.f32 v26, v35;
	v28 =	vld [tilespmem:s0+$0x50]  }
0x189: {  	v31 =	vadd.f32 v31, v32;
	v30 =	vmul.f32 v30, v35;
	v32 =	vld [tilespmem:$0x1E0]  }
0x18a: {  	v26 =	vadd.f32 v26, v27;
	v25 =	vmul.f32 v25, v34;
	v27 =	vld [tilespmem:s0+$0x60]  }
0x18b: {  	v30 =	vadd.f32 v30, v31;
	v29 =	vmul.f32 v29, v34;
	v31 =	vld [tilespmem:$0x1F0]  }
0x18c: {  	v25 =	vadd.f32 v25, v26;
	v24 =	vmul.f32 v24, v33;
	v26 =	vld [tilespmem:s0+$0x70]  }
0x18d: {  	s0 =	sadd.s32 s4, s23;
	v29 =	vadd.f32 v29, v30;
	v28 =	vmul.f32 v28, v33;
	v30 =	vld [tilespmem:$0x200]  }
0x18e: {  	v24 =	vadd.f32 v24, v25;
	v23 =	vmul.f32 v23, v32;
	v25 =	vld [tilespmem:s0+$0x0]  }
0x18f: {  	v28 =	vadd.f32 v28, v29;
	v27 =	vmul.f32 v27, v32;
	v29 =	vld [tilespmem:$0x210]  }
0x190: {  	v23 =	vadd.f32 v23, v24;
	v22 =	vmul.f32 v22, v31;
	v24 =	vld [tilespmem:s0+$0x10]  }
0x191: {  	v27 =	vadd.f32 v27, v28;
	v26 =	vmul.f32 v26, v31;
	v28 =	vld [tilespmem:$0x220]  }
0x192: {  	v22 =	vadd.f32 v22, v23;
	v21 =	vmul.f32 v21, v30;
	v23 =	vld [tilespmem:s0+$0x20]  }
0x193: {  	v26 =	vadd.f32 v26, v27;
	v25 =	vmul.f32 v25, v30;
	v27 =	vld [tilespmem:$0x230]  }
0x194: {  	v21 =	vadd.f32 v21, v22;
	v20 =	vmul.f32 v20, v29;
	v22 =	vld [tilespmem:s0+$0x30]  }
0x195: {  	v25 =	vadd.f32 v25, v26;
	v24 =	vmul.f32 v24, v29;
	v26 =	vld [tilespmem:$0x240]  }
0x196: {  	v20 =	vadd.f32 v20, v21;
	v19 =	vmul.f32 v19, v28;
	v21 =	vld [tilespmem:s0+$0x40]  }
0x197: {  	v24 =	vadd.f32 v24, v25;
	v23 =	vmul.f32 v23, v28;
	v25 =	vld [tilespmem:$0x250]  }
0x198: {  	v19 =	vadd.f32 v19, v20;
	v18 =	vmul.f32 v18, v27;
	v20 =	vld [tilespmem:s0+$0x50]  }
0x199: {  	v23 =	vadd.f32 v23, v24;
	v22 =	vmul.f32 v22, v27;
	v24 =	vld [tilespmem:$0x260]  }
0x19a: {  	v18 =	vadd.f32 v18, v19;
	v17 =	vmul.f32 v17, v26;
	v19 =	vld [tilespmem:s0+$0x60]  }
0x19b: {  	v22 =	vadd.f32 v22, v23;
	v21 =	vmul.f32 v21, v26;
	v23 =	vld [tilespmem:$0x270]  }
0x19c: {  	v17 =	vadd.f32 v17, v18;
	v16 =	vmul.f32 v16, v25;
	v18 =	vld [tilespmem:s0+$0x70]  }
0x19d: {  	s0 =	sadd.s32 s4, s1;
	v21 =	vadd.f32 v21, v22;
	v20 =	vmul.f32 v20, v25;
	v22 =	vld [tilespmem:$0x280]  }
0x19e: {  	v16 =	vadd.f32 v16, v17;
	v15 =	vmul.f32 v15, v24;
	v17 =	vld [tilespmem:s0+$0x0]  }
0x19f: {  	v20 =	vadd.f32 v20, v21;
	v19 =	vmul.f32 v19, v24;
	v21 =	vld [tilespmem:$0x290]  }
0x1a0: {  	v15 =	vadd.f32 v15, v16;
	v14 =	vmul.f32 v14, v23;
	v16 =	vld [tilespmem:s0+$0x10]  }
0x1a1: {  	v19 =	vadd.f32 v19, v20;
	v18 =	vmul.f32 v18, v23;
	v20 =	vld [tilespmem:$0x2A0]  }
0x1a2: {  	v14 =	vadd.f32 v14, v15;
	v13 =	vmul.f32 v13, v22;
	v15 =	vld [tilespmem:s0+$0x20]  }
0x1a3: {  	v18 =	vadd.f32 v18, v19;
	v17 =	vmul.f32 v17, v22;
	v19 =	vld [tilespmem:$0x2B0]  }
0x1a4: {  	v13 =	vadd.f32 v13, v14;
	v12 =	vmul.f32 v12, v21;
	v14 =	vld [tilespmem:s0+$0x30]  }
0x1a5: {  	v17 =	vadd.f32 v17, v18;
	v16 =	vmul.f32 v16, v21;
	v18 =	vld [tilespmem:$0x2C0]  }
0x1a6: {  	v12 =	vadd.f32 v12, v13;
	v11 =	vmul.f32 v11, v20;
	v13 =	vld [tilespmem:s0+$0x40]  }
0x1a7: {  	v16 =	vadd.f32 v16, v17;
	v15 =	vmul.f32 v15, v20;
	v17 =	vld [tilespmem:$0x2D0]  }
0x1a8: {  	v11 =	vadd.f32 v11, v12;
	v10 =	vmul.f32 v10, v19;
	v12 =	vld [tilespmem:s0+$0x50]  }
0x1a9: {  	v15 =	vadd.f32 v15, v16;
	v14 =	vmul.f32 v14, v19;
	v16 =	vld [tilespmem:$0x2E0]  }
0x1aa: {  	v10 =	vadd.f32 v10, v11;
	v9 =	vmul.f32 v9, v18;
	v11 =	vld [tilespmem:s0+$0x60]  }
0x1ab: {  	v14 =	vadd.f32 v14, v15;
	v13 =	vmul.f32 v13, v18;
	v15 =	vld [tilespmem:$0x2F0]  }
0x1ac: {  	v9 =	vadd.f32 v9, v10;
	v8 =	vmul.f32 v8, v17;
	v10 =	vld [tilespmem:s0+$0x70]  }
0x1ad: {  	s0 =	sadd.s32 s4, s31;
	v13 =	vadd.f32 v13, v14;
	v12 =	vmul.f32 v12, v17;
	v14 =	vld [tilespmem:$0x300]  }
0x1ae: {  	v8 =	vadd.f32 v8, v9;
	v7 =	vmul.f32 v7, v16;
	v9 =	vld [tilespmem:s0+$0x0]  }
0x1af: {  	v12 =	vadd.f32 v12, v13;
	v11 =	vmul.f32 v11, v16  }
0x1b0: {  	v7 =	vadd.f32 v7, v8;
	v6 =	vmul.f32 v6, v15  }
0x1b1: {  	v8 =	vadd.f32 v11, v12;
	v10 =	vmul.f32 v10, v15  }
0x1b2: {  	v6 =	vadd.f32 v6, v7;
	v5 =	vmul.f32 v5, v14  }
0x1b3: {  	v7 =	vadd.f32 v10, v8;
	v8 =	vmul.f32 v9, v14  }
0x1b4: {  	v5 =	vadd.f32 v5, v6  }
0x1b5: {  	v6 =	vadd.f32 v8, v7  }
0x1b6: {  	v7 =	vperm.xlane v5, v0  }
0x1b7: {  	v8 =	vperm.xlane v6, v0  }
0x1b8: {  	v5 =	vadd.f32 v7, v5  }
0x1b9: {  	v6 =	vadd.f32 v8, v6  }
0x1ba: {  	v7 =	vperm.xlane v5, v1  }
0x1bb: {  	v8 =	vperm.xlane v6, v1  }
0x1bc: {  	v5 =	vadd.f32 v7, v5  }
.Ltmp3:
0x1bd: {  	v7 =	vadd.f32 v8, v6;
	(pc) =	sbr.rel @p6 .LBB2_2-.Ltmp3, $4  }
0x1be: {  	v6 =	vmov s30;
	v8 =	vperm.xlane v5, v2  }
0x1bf: {  	v9 =	vand.u32 $0xFFFFFFFE, v6;
	v10 =	vperm.xlane v7, v2  }
0x1c0: {  	v6 =	vadd.f32 v8, v5;
	v5 =	vbroadcast v9, $0x0  }
0x1c1: {  	s28 =	sadd.s32 $0x1, s28;
	s0 =	sadd.s32 $0x1, s30;
	v7 =	vadd.f32 v10, v7  }
.LBB2_3:
0x1c2: {  	v8 =	vperm.xlane v6, v3;
	v9 =	vmov s0  }
0x1c3: {  	v10 =	vperm.xlane v7, v3  }
0x1c4: {  	v6 =	vadd.f32 v8, v6  }
0x1c5: {  	v7 =	vadd.f32 v10, v7  }
0x1c6: {  	[tilespmem:v5+s19+$0x0] =	vst.idx.msk $0x1, v6  }
0x1c7: {  	[tilespmem:v9+s19+$0x0] =	vst.idx.msk $0x1, v7  }
0x1c8: {  	[spmem:s11] =	stream.linear.scatter [tilespmem:s19], [sflag:$0x1], $0x40, $0x38;
	[tilespmem:$0x10C10] =	vst v63  }
0x1c9: {  	_ =	swait.ge [sflag:s17], $0x40  }
0x1ca: {  	[sflag:s17] =	ssyncset.done $0x0  }
0x1cb: {  	[sflag:s17] =	ssyncadd.s32 $0xFFFFFFC0  }
0x1cc: {  	s30 =	simm.s32 $0xC800;
	[bflag:$0x0] =	sbarrier.arrive $0xFFFF  }
0x1cd: {  	[tilespmem:s30], [sflag:$0x1] =	stream.linear.gather [spmem:s11], $0x40, $0x38;
	[tilespmem:$0x10C10] =	vst v63  }
0x1ce: {  	_ =	swait.ge [sflag:s17], $0x40  }
0x1cf: {  	[sflag:s17] =	ssyncset.done $0x0  }
0x1d0: {  	[sflag:s17] =	ssyncadd.s32 $0xFFFFFFC0  }
0x1d1: {  	v5 =	vld [tilespmem:$0xC800]  }
0x1d2: {  	v6 =	vld [tilespmem:$0xC810]  }
0x1d3: {  	v7 =	vld [tilespmem:$0xC820]  }
0x1d4: {  	v39 =	vld [tilespmem:$0xC830];
	_ =	sdelay $0x2  }
0x1d5: {  	(xrf1) =	vsort.ascd.msk.f32 $0xffff, v5, v5  }
0x1d6: {  	(xrf1) =	vsort.ascd.msk.f32 $0xffff, v6, v6  }
0x1d7: {  	v40 =	vnsel vm0, $0x7F800000, v39;
	(xrf1) =	vsort.ascd.msk.f32 $0xffff, v7, v7  }
0x1d8: {  	(xrf1) =	vsort.ascd.msk.f32 $0xffff, v40, v40;
	_ =	sdelay $0xa  }
0x1d9: {  	v41, _, _ =	vpop (xrf1)  }
0x1da: {  	v42, _, _ =	vpop (xrf1)  }
0x1db: {  	v11, _, _ =	vpop (xrf1);
	v10 =	vperm.xlane v42, v4  }
0x1dc: {  	v12, _, _ =	vpop (xrf1)  }
0x1dd: {  	v13 =	vmin.f32 v41, v10;
	v12 =	vperm.xlane v12, v4  }
0x1de: {  	v9 =	vmax.f32 v41, v10;
	(xrf1) =	vsort.ascd.msk.f32 $0xffff, v13, v13  }
0x1df: {  	(xrf1) =	vsort.ascd.msk.f32 $0xffff, v9, v9;
	v43 =	vmin.f32 v11, v12  }
0x1e0: {  	v44 =	vmax.f32 v11, v12;
	(xrf1) =	vsort.ascd.msk.f32 $0xffff, v43, v43  }
0x1e1: {  	(xrf1) =	vsort.ascd.msk.f32 $0xffff, v44, v44;
	_ =	sdelay $0xa  }
0x1e2: {  	v45, _, _ =	vpop (xrf1)  }
0x1e3: {  	v46, _, _ =	vpop (xrf1)  }
0x1e4: {  	v47, _, _ =	vpop (xrf1)  }
0x1e5: {  	v48, _, _ =	vpop (xrf1)  }
0x1e6: {  	v11 =	vperm.xlane v47, v4;
	v12 =	vperm.xlane v48, v4;
	_ =	sdelay $0x1  }
0x1e7: {  	v14 =	vmin.f32 v46, v11;
	v49 =	vmin.f32 v45, v12  }
0x1e8: {  	v10 =	vmax.f32 v46, v11;
	v50 =	vmin.f32 v49, v14  }
0x1e9: {  	v9 =	vmax.f32 v45, v12;
	v51 =	vmax.f32 v49, v14;
	(xrf1) =	vsort.ascd.msk.f32 $0xffff, v50, v50  }
0x1ea: {  	v52 =	vmin.f32 v9, v10;
	(xrf1) =	vsort.ascd.msk.f32 $0xffff, v51, v51  }
0x1eb: {  	v9 =	vmax.f32 v9, v10;
	(xrf1) =	vsort.ascd.msk.f32 $0xffff, v52, v52  }
0x1ec: {  	(xrf1) =	vsort.ascd.msk.f32 $0xffff, v9, v9;
	_ =	sdelay $0xa  }
0x1ed: {  	v53, _, _ =	vpop (xrf1)  }
0x1ee: {  	v54, _, _ =	vpop (xrf1);
	[tilespmem:$0xC880] =	vst v53  }
0x1ef: {  	v55, _, _ =	vpop (xrf1);
	[tilespmem:$0xC890] =	vst v54  }
0x1f0: {  	v56, _, _ =	vpop (xrf1);
	[tilespmem:$0xC8A0] =	vst v55  }
0x1f1: {  	[tilespmem:$0xC8B0] =	vst v56  }
0x1f2: {  	v5 =	vsub.f32 $0.0e+00, v5;
	[spmem:s12] =	stream.linear.scatter [tilespmem:s21], [sflag:$0x1], $0x80, $0x38;
	[tilespmem:$0x10C10] =	vst v63  }
0x1f3: {  	v6 =	vsub.f32 $0.0e+00, v6;
	_ =	swait.ge [sflag:s17], $0x80  }
0x1f4: {  	v8 =	vsub.f32 $0.0e+00, v39;
	v7 =	vsub.f32 $0.0e+00, v7;
	(xrf1) =	vsort.ascd.msk.f32 $0xffff, v5, v5  }
0x1f5: {  	(xrf1) =	vsort.ascd.msk.f32 $0xffff, v6, v6  }
0x1f6: {  	v5 =	vnsel vm0, $0x7F800000, v8;
	(xrf1) =	vsort.ascd.msk.f32 $0xffff, v7, v7  }
0x1f7: {  	(xrf1) =	vsort.ascd.msk.f32 $0xffff, v5, v5;
	_ =	sdelay $0xa  }
0x1f8: {  	v5, _, _ =	vpop (xrf1)  }
0x1f9: {  	v6, _, _ =	vpop (xrf1)  }
0x1fa: {  	v7, _, _ =	vpop (xrf1);
	v6 =	vperm.xlane v6, v4  }
0x1fb: {  	v57, _, _ =	vpop (xrf1)  }
0x1fc: {  	v58 =	vmin.f32 v5, v6;
	v8 =	vperm.xlane v57, v4  }
0x1fd: {  	v5 =	vmax.f32 v5, v6;
	(xrf1) =	vsort.ascd.msk.f32 $0xffff, v58, v58  }
0x1fe: {  	(xrf1) =	vsort.ascd.msk.f32 $0xffff, v5, v5;
	v5 =	vmin.f32 v7, v8  }
0x1ff: {  	v6 =	vmax.f32 v7, v8;
	(xrf1) =	vsort.ascd.msk.f32 $0xffff, v5, v5  }
0x200: {  	(xrf1) =	vsort.ascd.msk.f32 $0xffff, v6, v6;
	_ =	sdelay $0xa  }
0x201: {  	v5, _, _ =	vpop (xrf1)  }
0x202: {  	v6, _, _ =	vpop (xrf1)  }
0x203: {  	v7, _, _ =	vpop (xrf1)  }
0x204: {  	v59, _, _ =	vpop (xrf1)  }
0x205: {  	v7 =	vperm.xlane v7, v4;
	v8 =	vperm.xlane v59, v4;
	_ =	sdelay $0x1  }
0x206: {  	v61 =	vmin.f32 v6, v7;
	v60 =	vmin.f32 v5, v8  }
0x207: {  	v6 =	vmax.f32 v6, v7;
	v62 =	vmin.f32 v60, v61  }
0x208: {  	v5 =	vmax.f32 v5, v8;
	v7 =	vmax.f32 v60, v61;
	(xrf1) =	vsort.ascd.msk.f32 $0xffff, v62, v62  }
0x209: {  	v63 =	vmin.f32 v5, v6;
	(xrf1) =	vsort.ascd.msk.f32 $0xffff, v7, v7  }
0x20a: {  	v5 =	vmax.f32 v5, v6;
	(xrf1) =	vsort.ascd.msk.f32 $0xffff, v63, v63  }
0x20b: {  	(xrf1) =	vsort.ascd.msk.f32 $0xffff, v5, v5;
	_ =	sdelay $0x9  }
0x20c: {  	[sflag:s17] =	ssyncset.done $0x0  }
0x20d: {  	[sflag:s17] =	ssyncadd.s32 $0xFFFFFF80;
	v5, _, _ =	vpop (xrf1)  }
0x20e: {  	v6, _, _ =	vpop (xrf1);
	[tilespmem:$0xC900] =	vst v5  }
0x20f: {  	v5, _, _ =	vpop (xrf1);
	[tilespmem:$0xC910] =	vst v6  }
0x210: {  	v6, _, _ =	vpop (xrf1);
	[tilespmem:$0xC920] =	vst v5  }
0x211: {  	s31 =	simm.s32 $0xC900;
	[tilespmem:$0xC930] =	vst v6  }
0x212: {  	[spmem:s13] =	stream.linear.scatter [tilespmem:s31], [sflag:$0x1], $0x80, $0x38;
	[tilespmem:$0x10C10] =	vst v63  }
.Ltmp4:
0x213: {  	_ =	swait.ge [sflag:s17], $0x80;
	(pc) =	sbr.rel @p4 .LBB2_7-.Ltmp4, $3  }
0x214: {  	[sflag:s17] =	ssyncset.done $0x0  }
0x215: {  	[sflag:s17] =	ssyncadd.s32 $0xFFFFFF80  }
0x216: {  	[bflag:$0x0] =	sbarrier.arrive $0xFFFF;
	_ =	sdelay $0x1  }
0x217: {  	s0 =	rddreg [dreg:$0x8];
	s1 =	simm.s32 $0xC980  }
0x218: {  	[tilespmem:s1], [sflag:$0x1] =	stream.linear.gather [spmem:s0], $0x800, $0x38;
	[tilespmem:$0x10C10] =	vst v63  }
0x219: {  	_ =	swait.ge [sflag:s17], $0x800  }
0x21a: {  	[sflag:s17] =	ssyncset.done $0x0  }
0x21b: {  	[sflag:s17] =	ssyncadd.s32 $0xFFFFF800  }
0x21c: {  	v5 =	vld [tilespmem:$0xC980]  }
0x21d: {  	s31 =	simm.s32 $0x0;
	v6 =	vld [tilespmem:$0xC990]  }
0x21e: {  	v7 =	vld [tilespmem:s31+$0xCA00]  }
0x21f: {  	v8 =	vld [tilespmem:s31+$0xCA20]  }
0x220: {  	v9 =	vld [tilespmem:s31+$0xCA30]  }
0x221: {  	v10 =	vld [tilespmem:s31+$0xCA10]  }
0x222: {  	v11 =	vld [tilespmem:$0xC9A0]  }
0x223: {  	v12 =	vld [tilespmem:$0xC9B0];
	_ =	sdelay $0x1  }
0x224: {  	v9 =	vperm.xlane v9, v4;
	v8 =	vperm.xlane v8, v4  }
0x225: {  	v10 =	vperm.xlane v10, v4;
	v7 =	vperm.xlane v7, v4  }
0x226: {  	v5 =	vmin.f32 v5, v9  }
0x227: {  	v6 =	vmin.f32 v6, v8;
	v8 =	vmin.f32 v11, v10;
	v7 =	vmin.f32 v12, v7  }
0x228: {  	v9 =	vmax.f32 v5, v8;
	v63 =	vmax.f32 v6, v7  }
0x229: {  	v5 =	vmin.f32 v5, v8;
	v6 =	vmin.f32 v6, v7;
	v7 =	vmax.f32 v9, v63  }
0x22a: {  	v8 =	vmin.f32 v5, v6;
	(xrf1) =	vsort.ascd.msk.f32 $0xffff, v7, v7  }
0x22b: {  	v6 =	vmax.f32 v5, v6;
	(xrf1) =	vsort.ascd.msk.f32 $0xffff, v8, v8  }
0x22c: {  	v7 =	vmin.f32 v9, v63;
	(xrf1) =	vsort.ascd.msk.f32 $0xffff, v6, v6  }
0x22d: {  	(xrf1) =	vsort.ascd.msk.f32 $0xffff, v7, v7;
	_ =	sdelay $0x3  }
0x22e: {  	s1 =	simm.s32 $0x80  }
0x22f: {  	v5 =	vld [tilespmem:s1+$0xCA00]  }
0x230: {  	v6 =	vld [tilespmem:s1+$0xCA20]  }
0x231: {  	s0 =	simm.s32 $0x400;
	v7 =	vld [tilespmem:s1+$0xCA30]  }
.LBB2_5:
0x232: {  	p6 =	sne.s32 s0, $0x1C00;
	v8 =	vld [tilespmem:s1+$0xCA10];
	_ =	sdelay $0x2  }
0x233: {  	v9, _, _ =	vpop (xrf1)  }
0x234: {  	v6 =	vperm.xlane v6, v4;
	v7 =	vperm.xlane v7, v4;
	v10, _, _ =	vpop (xrf1)  }
0x235: {  	v5 =	vperm.xlane v5, v4;
	v8 =	vperm.xlane v8, v4;
	v11, _, _ =	vpop (xrf1)  }
0x236: {  	v7 =	vmin.f32 v10, v7;
	v10, _, _ =	vpop (xrf1)  }
0x237: {  	v5 =	vmin.f32 v9, v5;
	v6 =	vmin.f32 v11, v6;
	v8 =	vmin.f32 v10, v8  }
0x238: {  	v9 =	vmin.f32 v7, v8;
	v7 =	vmax.f32 v7, v8;
	v8 =	vmax.f32 v6, v5  }
0x239: {  	v5 =	vmin.f32 v6, v5;
	v6 =	vmin.f32 v7, v8;
	v7 =	vmax.f32 v7, v8  }
0x23a: {  	v8 =	vmin.f32 v9, v5;
	v5 =	vmax.f32 v9, v5;
	(xrf1) =	vsort.ascd.msk.f32 $0xffff, v7, v7  }
0x23b: {  	(xrf1) =	vsort.ascd.msk.f32 $0xffff, v8, v8  }
0x23c: {  	(xrf1) =	vsort.ascd.msk.f32 $0xffff, v5, v5  }
0x23d: {  	(xrf1) =	vsort.ascd.msk.f32 $0xffff, v6, v6;
	_ =	sdelay $0x2  }
.Ltmp5:
0x23e: {  	(pc) =	sbr.rel @p6 .LBB2_5-.Ltmp5, $4  }
0x23f: {  	s1 =	sshra.s32 s0, $0x2  }
0x240: {  	v5 =	vld [tilespmem:s1+$0xCA00]  }
0x241: {  	v6 =	vld [tilespmem:s1+$0xCA20]  }
0x242: {  	s0 =	sadd.s32 $0x200, s0;
	v7 =	vld [tilespmem:s1+$0xCA30]  }
0x243: {  	v8 =	vld [tilespmem:s1+$0xCA10];
	_ =	sdelay $0x2  }
0x244: {  	v9, _, _ =	vpop (xrf1)  }
0x245: {  	v5 =	vperm.xlane v5, v4;
	v6 =	vperm.xlane v6, v4;
	v10, _, _ =	vpop (xrf1)  }
0x246: {  	v7 =	vperm.xlane v7, v4;
	v8 =	vperm.xlane v8, v4;
	v11, _, _ =	vpop (xrf1)  }
0x247: {  	v5 =	vmin.f32 v9, v5;
	v61, _, _ =	vpop (xrf1)  }
0x248: {  	v7 =	vmin.f32 v10, v7;
	v6 =	vmin.f32 v11, v6;
	v8 =	vmin.f32 v61, v8  }
0x249: {  	v63 =	vmax.f32 v6, v5;
	v62 =	vmax.f32 v7, v8  }
0x24a: {  	v5 =	vmin.f32 v6, v5;
	v7 =	vmin.f32 v7, v8;
	v6 =	vmax.f32 v62, v63  }
0x24b: {  	v8 =	vmin.f32 v7, v5;
	(xrf1) =	vsort.ascd.msk.f32 $0xffff, v6, v6  }
0x24c: {  	v5 =	vmax.f32 v7, v5;
	(xrf1) =	vsort.ascd.msk.f32 $0xffff, v8, v8  }
0x24d: {  	v6 =	vmin.f32 v62, v63;
	(xrf1) =	vsort.ascd.msk.f32 $0xffff, v5, v5  }
0x24e: {  	(xrf1) =	vsort.ascd.msk.f32 $0xffff, v6, v6;
	_ =	sdelay $0xa  }
0x24f: {  	v5, _, _ =	vpop (xrf1)  }
0x250: {  	v6, _, _ =	vpop (xrf1);
	[tilespmem:$0xC8B0] =	vst v5  }
0x251: {  	v7, _, _ =	vpop (xrf1);
	[tilespmem:$0xC880] =	vst v6  }
0x252: {  	v6, _, _ =	vpop (xrf1);
	[tilespmem:$0xC890] =	vst v7  }
.Ltmp6:
0x253: {  	s0 =	rddreg [dreg:$0x9];
	[tilespmem:$0xC8A0] =	vst v6;
	(pc) =	sbr.rel .LBB2_7-.Ltmp6, $4  }
0x254: {  	[spmem:s0] =	stream.linear.scatter [tilespmem:s21], [sflag:$0x1], $0x80, $0x38;
	[tilespmem:$0x10C10] =	vst v63  }
0x255: {  	_ =	swait.ge [sflag:s17], $0x80  }
0x256: {  	[sflag:s17] =	ssyncset.done $0x0  }
0x257: {  	[sflag:s17] =	ssyncadd.s32 $0xFFFFFF80  }
.LBB2_8:
0x258: {  	_ =	sfence.sel $0x180000  }
0x259: {  	[bflag:$0x0] =	sbarrier.arrive $0xFFFF  }
0x25a: {  	_ =	strace $0x90000047  }
0x25b: {  	s0 =	stileid.u32;
	[bflag:$0x2] =	sbarrier.arrive $0xFFFF  }
0x25c: {  	p0 =	sne.s32 s0, $0x0;
	s0 =	rddreg [dreg:$0x7]  }
0x25d: {  	s0 =	sadd.s32 @!p0 $0x100000, s0  }
0x25e: {  	[sflag:s0] =	ssyncadd.tile.s32 @!p0 $0x1;
	_ =	shalt  }
.Lfunc_end2:
_tile_overlayer_lowered:
.L_overlay_start_2:
0x25f: {  	(tag) =	ssettag $0x2  }
0x260: {  	s0 =	rddreg [dreg:$0x0];
	s2 =	stileid.u32  }
0x261: {  	s1 =	rddreg [dreg:$0x1];
	p0 =	sne.s32 s2, $0x0  }
0x262: {  	s3 =	rddreg [dreg:$0x2];
	[bflag:$0x3] =	sbarrier.arrive $0xFFFF;
	s2 =	simm.s32 @!p0 $0x1C01  }
0x263: {  	[timem:s3], [sflag:s2] =	dma.local @!p0 [hbm:s0], s1  }
0x264: {  	s0 =	simm.s32 @!p0 $0x1  }
0x265: {  	_ =	swait.ge @!p0 [sflag:s0], s1  }
0x266: {  	s1 =	ssub.s32 @!p0 $0x0, s1;
	[sflag:s0] =	ssyncset.done @!p0 $0x0  }
0x267: {  	[sflag:s0] =	ssyncadd.s32 @!p0 s1  }
0x268: {  	[bflag:$0x3] =	sbarrier.arrive $0xFFFF  }
0x269: {  	_ =	shalt  }

</sc_bundles>
